<compile_context>
chip_gen: v7x
topology: tpu7x:2x2x1
jax: 0.10.2.dev20260603
libtpu: 0.0.44.dev20260713+nightly
codegen_flags: <defaults>
</compile_context>

<pallas_src>
import functools

import jax
import jax.numpy as jnp
from jax import lax
from jax.experimental import pallas as pl
from jax.experimental.pallas import tpu as pltpu
from jax.experimental.pallas import tpu_sc as plsc

N = 10000
E = 320000
D_IN = 128
D = 16
NC, NS = 2, 16
NW = NC * NS
BLK = 128
JPW = 80
KB = 8
NG = JPW // KB
EP = NW * JPW * BLK
NP = N + 112
RPS = 632
RPS_L = N - (NS - 1) * RPS
RB = 2
RBS = N // RB
WPE = JPW * BLK
GSZ = KB * BLK
DW = 8

def _zero_rows(zeros_hbm, stage_v, acc, sid):
    pltpu.sync_copy(zeros_hbm, stage_v)

    @pl.when(sid < NS - 1)
    def _():
        pltpu.sync_copy(stage_v, acc.at[pl.ds(sid * RPS, RPS)])

    @pl.when(sid == NS - 1)
    def _():
        pltpu.sync_copy(stage_v.at[pl.ds(0, RPS_L)],
                        acc.at[pl.ds(sid * RPS, RPS_L)])


def _copy_out_rows(out_hbm, stage_v, acc, cid, sid):
    @pl.when(sid < NS - 1)
    def _():
        pltpu.sync_copy(acc.at[pl.ds(sid * RPS, RPS)], stage_v)
        pltpu.sync_copy(stage_v, out_hbm.at[cid, pl.ds(sid * RPS, RPS)])

    @pl.when(sid == NS - 1)
    def _():
        pltpu.sync_copy(acc.at[pl.ds(sid * RPS, RPS_L)],
                        stage_v.at[pl.ds(0, RPS_L)])
        pltpu.sync_copy(stage_v.at[pl.ds(0, RPS_L)],
                        out_hbm.at[cid, pl.ds(sid * RPS, RPS_L)])


def _sc_deg_body(dst_hbm, ones_hbm, zeros_hbm, out_hbm, idx_v, val_v, stage_v,
                 sem, acc):
    cid = lax.axis_index("c")
    sid = lax.axis_index("s")
    wid = cid * NS + sid
    _zero_rows(zeros_hbm, stage_v, acc, sid)
    pltpu.sync_copy(dst_hbm.at[pl.ds(wid * WPE, WPE)], idx_v)
    pltpu.sync_copy(ones_hbm, val_v)
    plsc.subcore_barrier()

    def body(j, carry):
        pltpu.sync_copy(val_v, acc.at[idx_v.at[pl.ds(j * BLK, BLK)]],
                        add=True)
        return carry

    lax.fori_loop(0, JPW, body, 0)
    plsc.subcore_barrier()
    _copy_out_rows(out_hbm, stage_v, acc, cid, sid)


@functools.cache
def _sc_kernels():
    mesh = plsc.VectorSubcoreMesh(core_axis_name="c", subcore_axis_name="s",
                                  num_cores=NC, num_subcores=NS)
    params = pltpu.CompilerParams(use_tc_tiling_on_sc=False)
    sc_deg = pl.kernel(
        _sc_deg_body,
        out_type=jax.ShapeDtypeStruct((NC, N, DW), jnp.float32),
        mesh=mesh,
        scratch_types=[
            pltpu.VMEM((WPE,), jnp.int32),
            pltpu.VMEM((BLK, DW), jnp.float32),
            pltpu.VMEM((RPS, DW), jnp.float32),
            pltpu.SemaphoreType.DMA,
            pltpu.VMEM_SHARED((NP, DW), jnp.float32),
        ],
        compiler_params=params,
    )
    sc_agg = pl.kernel(
        _sc_agg_body,
        out_type=jax.ShapeDtypeStruct((NC, N, D), jnp.float32),
        mesh=mesh,
        scratch_types=[
            pltpu.VMEM((WPE,), jnp.int32),
            pltpu.VMEM((WPE,), jnp.int32),
            pltpu.VMEM((2, GSZ, D), jnp.float32),
            pltpu.VMEM((RPS, D), jnp.float32),
            pltpu.SemaphoreType.DMA,
            pltpu.VMEM_SHARED((NP, D), jnp.float32),
            pltpu.VMEM_SHARED((N, D), jnp.float32),
        ],
        compiler_params=params,
    )
    return sc_deg, sc_agg


def _sc_agg_body(src_hbm, dst_hbm, hs_hbm, zeros_hbm, out_hbm, sidx_v, didx_v,
                 rows_v, stage_v, sem, acc, hs_sh):
    cid = lax.axis_index("c")
    sid = lax.axis_index("s")
    wid = cid * NS + sid
    _zero_rows(zeros_hbm, stage_v, acc, sid)
    @pl.when(sid < NS - 1)
    def _():
        pltpu.sync_copy(hs_hbm.at[pl.ds(sid * RPS, RPS)], stage_v)
        pltpu.sync_copy(stage_v, hs_sh.at[pl.ds(sid * RPS, RPS)])

    @pl.when(sid == NS - 1)
    def _():
        pltpu.sync_copy(hs_hbm.at[pl.ds(sid * RPS, RPS_L)],
                        stage_v.at[pl.ds(0, RPS_L)])
        pltpu.sync_copy(stage_v.at[pl.ds(0, RPS_L)],
                        hs_sh.at[pl.ds(sid * RPS, RPS_L)])

    pltpu.sync_copy(src_hbm.at[pl.ds(wid * WPE, WPE)], sidx_v)
    pltpu.sync_copy(dst_hbm.at[pl.ds(wid * WPE, WPE)], didx_v)
    plsc.subcore_barrier()

    def fire(g, p):
        pltpu.async_copy(hs_sh.at[sidx_v.at[pl.ds(g * GSZ, GSZ)]],
                         rows_v.at[p], sem)

    fire(0, 0)

    def body(g, carry):
        p = lax.rem(g, 2)

        @pl.when(g < NG - 1)
        def _():
            fire(g + 1, 1 - p)

        pltpu.make_async_copy(hs_hbm.at[pl.ds(0, KB * BLK)],
                              rows_v.at[p], sem).wait()
        for t in range(KB):
            pltpu.sync_copy(rows_v.at[p, pl.ds(t * BLK, BLK)],
                            acc.at[didx_v.at[pl.ds((g * KB + t) * BLK, BLK)]],
                            add=True)
        return carry

    lax.fori_loop(0, NG, body, 0)
    plsc.subcore_barrier()
    _copy_out_rows(out_hbm, stage_v, acc, cid, sid)


def _tc_mm_body(x_ref, w_ref, o_ref):
    o_ref[...] = jnp.dot(x_ref[...], w_ref[...],
                         preferred_element_type=jnp.float32)


def _tc_scale_body(d0_ref, d1_ref, h_ref, hs_ref, dw_ref):
    deg = d0_ref[0, :, 0:1] + d1_ref[0, :, 0:1] + 1.0
    dis = lax.rsqrt(deg)
    dw_ref[...] = jnp.broadcast_to(dis, h_ref.shape)
    hs_ref[...] = dis * h_ref[...]


def _tc_mid_body(a0_ref, a1_ref, hs_ref, dw_ref, b_ref, w_ref, o_ref):
    dw = dw_ref[...]
    z = dw * (a0_ref[0] + a1_ref[0] + hs_ref[...]) + b_ref[...]
    z = jnp.maximum(z, 0.0)
    o_ref[...] = dw * jnp.dot(z, w_ref[...],
                              preferred_element_type=jnp.float32)


def _tc_fin_body(a0_ref, a1_ref, hs_ref, dw_ref, b_ref, o_ref):
    o_ref[...] = (dw_ref[...] * (a0_ref[0] + a1_ref[0] + hs_ref[...])
                  + b_ref[...])


def _row_spec(width):
    return pl.BlockSpec((RBS, width), lambda i: (i, 0))


def _part_spec(core, width=D):
    return pl.BlockSpec((1, RBS, width), lambda i, c=core: (c, i, 0))


def _full_spec(shape):
    return pl.BlockSpec(shape, lambda i: (0,) * len(shape))


def _nd_out():
    return jax.ShapeDtypeStruct((N, D), jnp.float32)


def kernel(x, edge_index, W1, b1, W2, b2):
    sc_deg, sc_agg = _sc_kernels()
    ei = edge_index.astype(jnp.int32)
    pad = EP - E
    src_r = jnp.concatenate([ei[0], jnp.zeros((pad,), jnp.int32)])
    pad_dst = N + (jnp.arange(pad, dtype=jnp.int32) % (NP - N))
    dst_r = jnp.concatenate([ei[1], pad_dst])
    ones_rows = jnp.zeros((BLK, DW), jnp.float32).at[:, 0].set(1.0)
    zeros_deg = jnp.zeros((RPS, DW), jnp.float32)
    zeros_blk = jnp.zeros((RPS, D), jnp.float32)

    h1 = pl.pallas_call(
        _tc_mm_body,
        grid=(RB,),
        in_specs=[_row_spec(D_IN), _full_spec((D_IN, D))],
        out_specs=_row_spec(D),
        out_shape=_nd_out(),
    )(x, W1)

    degp = sc_deg(dst_r, ones_rows, zeros_deg)

    hs1, dw = pl.pallas_call(
        _tc_scale_body,
        grid=(RB,),
        in_specs=[_part_spec(0, DW), _part_spec(1, DW), _row_spec(D)],
        out_specs=[_row_spec(D), _row_spec(D)],
        out_shape=[_nd_out(), _nd_out()],
    )(degp, degp, h1)

    acc1 = sc_agg(src_r, dst_r, hs1, zeros_blk)

    hs2 = pl.pallas_call(
        _tc_mid_body,
        grid=(RB,),
        in_specs=[_part_spec(0), _part_spec(1), _row_spec(D), _row_spec(D),
                  _full_spec((1, D)), _full_spec((D, D))],
        out_specs=_row_spec(D),
        out_shape=_nd_out(),
    )(acc1, acc1, hs1, dw, b1.reshape(1, D), W2)

    acc2 = sc_agg(src_r, dst_r, hs2, zeros_blk)

    out = pl.pallas_call(
        _tc_fin_body,
        grid=(RB,),
        in_specs=[_part_spec(0), _part_spec(1), _row_spec(D), _row_spec(D),
                  _full_spec((1, D))],
        out_specs=_row_spec(D),
        out_shape=_nd_out(),
    )(acc2, acc2, hs2, dw, b2.reshape(1, D))
    return out

# --- scband reference (transcript-rebuilt; emitter-appended) ---
"""Pipeline reference for scband-net1-27968827031710 (READ-ONLY COPY).

The authoritative reference and input builder live on the scoring server;
editing this copy changes nothing except your own understanding.
"""

import jax, jax.numpy as jnp
import numpy as np

N_NODES = 10000
N_EDGES = 320000
D_IN = 128
D_HID = 16
D_OUT = 16


def setup_inputs(seed: int = 0) -> dict:
    key = jax.random.key(seed)
    k1, k2, k3, k4 = jax.random.split(key, 4)
    x = jax.random.normal(k1, (N_NODES, D_IN), dtype=jnp.float32)
    edge_index = jax.random.randint(k2, (2, N_EDGES), 0, N_NODES, dtype=jnp.int64)
    W1 = jax.random.normal(k3, (D_IN, D_HID), dtype=jnp.float32) * (1.0 / np.sqrt(D_IN))
    b1 = jnp.zeros((D_HID,), dtype=jnp.float32)
    W2 = jax.random.normal(k4, (D_HID, D_OUT), dtype=jnp.float32) * (1.0 / np.sqrt(D_HID))
    b2 = jnp.zeros((D_OUT,), dtype=jnp.float32)
    return {"x": x, "edge_index": edge_index, "W1": W1, "b1": b1, "W2": W2, "b2": b2}


def _gcn_conv(x, src, dst, W, b, num_nodes):
    # PyG GCNConv (add_self_loops=True, normalize=True):
    # x' = D^{-1/2} (A + I) D^{-1/2} X W + b
    loop = jnp.arange(num_nodes, dtype=src.dtype)
    src_sl = jnp.concatenate([src, loop])
    dst_sl = jnp.concatenate([dst, loop])
    deg = jnp.zeros((num_nodes,), dtype=jnp.float32).at[dst_sl].add(1.0)
    deg_inv_sqrt = jnp.where(deg > 0, deg ** -0.5, 0.0)
    norm = deg_inv_sqrt[src_sl] * deg_inv_sqrt[dst_sl]
    h = x @ W
    msg = h[src_sl] * norm[:, None]
    out = jnp.zeros((num_nodes, W.shape[1]), dtype=jnp.float32).at[dst_sl].add(msg)
    return out + b


def reference(x, edge_index, W1, b1, W2, b2):
    src = edge_index[0]
    dst = edge_index[1]
    h = _gcn_conv(x, src, dst, W1, b1, N_NODES)
    h = jax.nn.relu(h)
    # F.dropout with training=False (eval/deterministic reference) is identity
    out = _gcn_conv(h, src, dst, W2, b2, N_NODES)
    return out

if __name__ == "__main__":
    import jax
    _d = setup_inputs()
    print(jax.jit(kernel)(*tuple(_d.values())))

</pallas_src>

<mosaic_0001>
#map = affine_map<(d0, d1) -> (0)>
#map1 = affine_map<(d0, d1) -> (0, 0)>
#map2 = affine_map<(d0, d1) -> (0, 0, 0)>
module attributes {stable_mosaic.version = 14 : i64} {
  func.func @_sc_deg_body(%arg0: i32, %arg1: i32, %arg2: memref<327680xi32, #tpu.memory_space<hbm>>, %arg3: memref<128x8xf32, #tpu.memory_space<hbm>>, %arg4: memref<632x8xf32, #tpu.memory_space<hbm>>, %arg5: memref<2x10000x8xf32, #tpu.memory_space<hbm>>, %arg6: memref<10240xi32, #tpu.memory_space<vmem>>, %arg7: memref<128x8xf32, #tpu.memory_space<vmem>>, %arg8: memref<632x8xf32, #tpu.memory_space<vmem>>, %arg9: memref<!tpu.dma_semaphore, #tpu.memory_space<semaphore_mem>>, %arg10: memref<10112x8xf32, #tpu.memory_space<vmem_shared>>) attributes {dimension_semantics = [#tpu.dimension_semantics<core_parallel>, #tpu.dimension_semantics<subcore_parallel>], iteration_bounds = array<i64: 2, 16>, scalar_prefetch = 0 : i64, scratch_operands = 5 : i64, tpu.core_type = #tpu.core_type<sc_vector_subcore>, window_params = [{transform_indices = #map}, {transform_indices = #map1}, {transform_indices = #map1}, {transform_indices = #map2}]} {
    %mul3A = arith.constant 16 : i32
    %mul3A_0 = arith.muli %arg0, %mul3A : i32
    %add3A = arith.addi %mul3A_0, %arg1 : i32
    "tpu.region"() ({
      %run_scoped3A = tpu.sem_alloc : memref<!tpu.dma_semaphore, #tpu.memory_space<semaphore_mem>>
      tpu.enqueue_dma source(%arg4 : memref<632x8xf32, #tpu.memory_space<hbm>>) target(%arg8 : memref<632x8xf32, #tpu.memory_space<vmem>>) target_semaphore(%run_scoped3A : memref<!tpu.dma_semaphore, #tpu.memory_space<semaphore_mem>>)
      tpu.wait_dma2 semaphore(%run_scoped3A : memref<!tpu.dma_semaphore, #tpu.memory_space<semaphore_mem>>) src(%arg4 : memref<632x8xf32, #tpu.memory_space<hbm>>) dst(%arg8 : memref<632x8xf32, #tpu.memory_space<vmem>>)
      tpu.yield
    }) : () -> ()
    %lt3A = arith.constant 15 : i32
    %lt3A_1 = arith.cmpi slt, %arg1, %lt3A : i32
    %convert_element_type3A = arith.extui %lt3A_1 : i1 to i32
    %cond3A = arith.constant 0 : i32
    %cond3A_2 = arith.cmpi ne, %convert_element_type3A, %cond3A : i32
    scf.if %cond3A_2 {
      %mul3A_25 = arith.constant 632 : i32
      %mul3A_26 = arith.muli %arg1, %mul3A_25 : i32
      "tpu.region"() ({
        %run_scoped3A = tpu.sem_alloc : memref<!tpu.dma_semaphore, #tpu.memory_space<semaphore_mem>>
        %dma_start3A = arith.constant 0 : i32
        %dma_start3A_27 = tpu.memref_slice %arg10[%mul3A_26, %dma_start3A] : memref<10112x8xf32, #tpu.memory_space<vmem_shared>> -> memref<632x8xf32, #tpu.memory_space<vmem_shared>>
        %dma_start3A_28 = arith.constant 0 : i32
        %dma_start3A_29 = tpu.memref_slice %arg10[%mul3A_26, %dma_start3A_28] : memref<10112x8xf32, #tpu.memory_space<vmem_shared>> -> memref<632x8xf32, #tpu.memory_space<vmem_shared>>
        tpu.enqueue_dma source(%arg8 : memref<632x8xf32, #tpu.memory_space<vmem>>) target(%dma_start3A_29 : memref<632x8xf32, #tpu.memory_space<vmem_shared>>) target_semaphore(%run_scoped3A : memref<!tpu.dma_semaphore, #tpu.memory_space<semaphore_mem>>)
        %dma_wait3A = arith.constant 0 : i32
        %dma_wait3A_30 = tpu.memref_slice %arg10[%mul3A_26, %dma_wait3A] : memref<10112x8xf32, #tpu.memory_space<vmem_shared>> -> memref<632x8xf32, #tpu.memory_space<vmem_shared>>
        %dma_wait3A_31 = arith.constant 0 : i32
        %dma_wait3A_32 = tpu.memref_slice %arg10[%mul3A_26, %dma_wait3A_31] : memref<10112x8xf32, #tpu.memory_space<vmem_shared>> -> memref<632x8xf32, #tpu.memory_space<vmem_shared>>
        tpu.wait_dma2 semaphore(%run_scoped3A : memref<!tpu.dma_semaphore, #tpu.memory_space<semaphore_mem>>) src(%arg8 : memref<632x8xf32, #tpu.memory_space<vmem>>) dst(%dma_wait3A_32 : memref<632x8xf32, #tpu.memory_space<vmem_shared>>)
        tpu.yield
      }) : () -> ()
    } else {
    }
    %eq3A = arith.constant 15 : i32
    %eq3A_3 = arith.cmpi eq, %arg1, %eq3A : i32
    %convert_element_type3A_4 = arith.extui %eq3A_3 : i1 to i32
    %cond3A_5 = arith.constant 0 : i32
    %cond3A_6 = arith.cmpi ne, %convert_element_type3A_4, %cond3A_5 : i32
    scf.if %cond3A_6 {
      %mul3A_25 = arith.constant 632 : i32
      %mul3A_26 = arith.muli %arg1, %mul3A_25 : i32
      "tpu.region"() ({
        %run_scoped3A = tpu.sem_alloc : memref<!tpu.dma_semaphore, #tpu.memory_space<semaphore_mem>>
        %dma_start3A = arith.constant 0 : i32
        %dma_start3A_27 = arith.constant 0 : i32
        %dma_start3A_28 = tpu.memref_slice %arg8[%dma_start3A, %dma_start3A_27] : memref<632x8xf32, #tpu.memory_space<vmem>> -> memref<520x8xf32, #tpu.memory_space<vmem>>
        %dma_start3A_29 = arith.constant 0 : i32
        %dma_start3A_30 = tpu.memref_slice %arg10[%mul3A_26, %dma_start3A_29] : memref<10112x8xf32, #tpu.memory_space<vmem_shared>> -> memref<520x8xf32, #tpu.memory_space<vmem_shared>>
        %dma_start3A_31 = arith.constant 0 : i32
        %dma_start3A_32 = tpu.memref_slice %arg10[%mul3A_26, %dma_start3A_31] : memref<10112x8xf32, #tpu.memory_space<vmem_shared>> -> memref<520x8xf32, #tpu.memory_space<vmem_shared>>
        %dma_start3A_33 = arith.constant 0 : i32
        %dma_start3A_34 = arith.constant 0 : i32
        %dma_start3A_35 = tpu.memref_slice %arg8[%dma_start3A_33, %dma_start3A_34] : memref<632x8xf32, #tpu.memory_space<vmem>> -> memref<520x8xf32, #tpu.memory_space<vmem>>
        tpu.enqueue_dma source(%dma_start3A_35 : memref<520x8xf32, #tpu.memory_space<vmem>>) target(%dma_start3A_32 : memref<520x8xf32, #tpu.memory_space<vmem_shared>>) target_semaphore(%run_scoped3A : memref<!tpu.dma_semaphore, #tpu.memory_space<semaphore_mem>>)
        %dma_wait3A = arith.constant 0 : i32
        %dma_wait3A_36 = arith.constant 0 : i32
        %dma_wait3A_37 = tpu.memref_slice %arg8[%dma_wait3A, %dma_wait3A_36] : memref<632x8xf32, #tpu.memory_space<vmem>> -> memref<520x8xf32, #tpu.memory_space<vmem>>
        %dma_wait3A_38 = arith.constant 0 : i32
        %dma_wait3A_39 = tpu.memref_slice %arg10[%mul3A_26, %dma_wait3A_38] : memref<10112x8xf32, #tpu.memory_space<vmem_shared>> -> memref<520x8xf32, #tpu.memory_space<vmem_shared>>
        %dma_wait3A_40 = arith.constant 0 : i32
        %dma_wait3A_41 = tpu.memref_slice %arg10[%mul3A_26, %dma_wait3A_40] : memref<10112x8xf32, #tpu.memory_space<vmem_shared>> -> memref<520x8xf32, #tpu.memory_space<vmem_shared>>
        %dma_wait3A_42 = arith.constant 0 : i32
        %dma_wait3A_43 = arith.constant 0 : i32
        %dma_wait3A_44 = tpu.memref_slice %arg8[%dma_wait3A_42, %dma_wait3A_43] : memref<632x8xf32, #tpu.memory_space<vmem>> -> memref<520x8xf32, #tpu.memory_space<vmem>>
        tpu.wait_dma2 semaphore(%run_scoped3A : memref<!tpu.dma_semaphore, #tpu.memory_space<semaphore_mem>>) src(%dma_wait3A_44 : memref<520x8xf32, #tpu.memory_space<vmem>>) dst(%dma_wait3A_41 : memref<520x8xf32, #tpu.memory_space<vmem_shared>>)
        tpu.yield
      }) : () -> ()
    } else {
    }
    %mul3A_7 = arith.constant 10240 : i32
    %mul3A_8 = arith.muli %add3A, %mul3A_7 : i32
    "tpu.region"() ({
      %run_scoped3A = tpu.sem_alloc : memref<!tpu.dma_semaphore, #tpu.memory_space<semaphore_mem>>
      %dma_start3A = tpu.memref_slice %arg2[%mul3A_8] : memref<327680xi32, #tpu.memory_space<hbm>> -> memref<10240xi32, #tpu.memory_space<hbm>>
      %dma_start3A_25 = tpu.memref_slice %arg2[%mul3A_8] : memref<327680xi32, #tpu.memory_space<hbm>> -> memref<10240xi32, #tpu.memory_space<hbm>>
      tpu.enqueue_dma source(%dma_start3A_25 : memref<10240xi32, #tpu.memory_space<hbm>>) target(%arg6 : memref<10240xi32, #tpu.memory_space<vmem>>) target_semaphore(%run_scoped3A : memref<!tpu.dma_semaphore, #tpu.memory_space<semaphore_mem>>)
      %dma_wait3A = tpu.memref_slice %arg2[%mul3A_8] : memref<327680xi32, #tpu.memory_space<hbm>> -> memref<10240xi32, #tpu.memory_space<hbm>>
      %dma_wait3A_26 = tpu.memref_slice %arg2[%mul3A_8] : memref<327680xi32, #tpu.memory_space<hbm>> -> memref<10240xi32, #tpu.memory_space<hbm>>
      tpu.wait_dma2 semaphore(%run_scoped3A : memref<!tpu.dma_semaphore, #tpu.memory_space<semaphore_mem>>) src(%dma_wait3A_26 : memref<10240xi32, #tpu.memory_space<hbm>>) dst(%arg6 : memref<10240xi32, #tpu.memory_space<vmem>>)
      tpu.yield
    }) : () -> ()
    "tpu.region"() ({
      %run_scoped3A = tpu.sem_alloc : memref<!tpu.dma_semaphore, #tpu.memory_space<semaphore_mem>>
      tpu.enqueue_dma source(%arg3 : memref<128x8xf32, #tpu.memory_space<hbm>>) target(%arg7 : memref<128x8xf32, #tpu.memory_space<vmem>>) target_semaphore(%run_scoped3A : memref<!tpu.dma_semaphore, #tpu.memory_space<semaphore_mem>>)
      tpu.wait_dma2 semaphore(%run_scoped3A : memref<!tpu.dma_semaphore, #tpu.memory_space<semaphore_mem>>) src(%arg3 : memref<128x8xf32, #tpu.memory_space<hbm>>) dst(%arg7 : memref<128x8xf32, #tpu.memory_space<vmem>>)
      tpu.yield
    }) : () -> ()
    %barrier3A = arith.constant 0 : index
    tpu.barrier barrier_id(%barrier3A)
    %scan3A = arith.constant 0 : i32
    %scan3A_9 = arith.constant 0 : i32
    %scan3A_10 = arith.constant 80 : i32
    %scan3A_11 = arith.addi %scan3A_9, %scan3A_10 : i32
    %scan3A_12 = arith.constant 1 : i32
    scf.for %scan3A_25 = %scan3A_9 to %scan3A_11 step %scan3A_12  : i32 {
      %mul3A_26 = arith.constant 128 : i32
      %mul3A_27 = arith.muli %scan3A_25, %mul3A_26 : i32
      "tpu.region"() ({
        %run_scoped3A = tpu.sem_alloc : memref<!tpu.dma_semaphore, #tpu.memory_space<semaphore_mem>>
        %dma_start3A = tpu.memref_slice %arg6[%mul3A_27] : memref<10240xi32, #tpu.memory_space<vmem>> -> memref<128xi32, #tpu.memory_space<vmem>>
        %dma_start3A_28 = arith.constant 0 : i32
        %dma_start3A_29 = arith.constant 0 : i32
        %dma_start3A_30 = tpu.memref_slice %arg10[%dma_start3A_28, %dma_start3A_29] : memref<10112x8xf32, #tpu.memory_space<vmem_shared>> -> memref<10112x8xf32, #tpu.memory_space<vmem_shared>>
        tpu.enqueue_indirect_dma source(%arg7 : memref<128x8xf32, #tpu.memory_space<vmem>>) target(%dma_start3A_30 : memref<10112x8xf32, #tpu.memory_space<vmem_shared>>) offsets(%dma_start3A : memref<128xi32, #tpu.memory_space<vmem>>) semaphore(%run_scoped3A : memref<!tpu.dma_semaphore, #tpu.memory_space<semaphore_mem>>) {add = true}
        %dma_wait3A = tpu.memref_slice %arg6[%mul3A_27] : memref<10240xi32, #tpu.memory_space<vmem>> -> memref<128xi32, #tpu.memory_space<vmem>>
        %dma_wait3A_31 = arith.constant 0 : i32
        %dma_wait3A_32 = arith.constant 0 : i32
        %dma_wait3A_33 = tpu.memref_slice %arg10[%dma_wait3A_31, %dma_wait3A_32] : memref<10112x8xf32, #tpu.memory_space<vmem_shared>> -> memref<10112x8xf32, #tpu.memory_space<vmem_shared>>
        tpu.wait_indirect_dma semaphore(%run_scoped3A : memref<!tpu.dma_semaphore, #tpu.memory_space<semaphore_mem>>) src(%arg7 : memref<128x8xf32, #tpu.memory_space<vmem>>) dst(%dma_wait3A_33 : memref<10112x8xf32, #tpu.memory_space<vmem_shared>>)
        tpu.yield
      }) : () -> ()
    }
    %scan3A_13 = arith.constant 80 : i32
    %barrier3A_14 = arith.constant 0 : index
    tpu.barrier barrier_id(%barrier3A_14)
    %lt3A_15 = arith.constant 15 : i32
    %lt3A_16 = arith.cmpi slt, %arg1, %lt3A_15 : i32
    %convert_element_type3A_17 = arith.extui %lt3A_16 : i1 to i32
    %cond3A_18 = arith.constant 0 : i32
    %cond3A_19 = arith.cmpi ne, %convert_element_type3A_17, %cond3A_18 : i32
    scf.if %cond3A_19 {
      %mul3A_25 = arith.constant 632 : i32
      %mul3A_26 = arith.muli %arg1, %mul3A_25 : i32
      "tpu.region"() ({
        %run_scoped3A = tpu.sem_alloc : memref<!tpu.dma_semaphore, #tpu.memory_space<semaphore_mem>>
        %dma_start3A = arith.constant 0 : i32
        %dma_start3A_29 = tpu.memref_slice %arg10[%mul3A_26, %dma_start3A] : memref<10112x8xf32, #tpu.memory_space<vmem_shared>> -> memref<632x8xf32, #tpu.memory_space<vmem_shared>>
        %dma_start3A_30 = arith.constant 0 : i32
        %dma_start3A_31 = tpu.memref_slice %arg10[%mul3A_26, %dma_start3A_30] : memref<10112x8xf32, #tpu.memory_space<vmem_shared>> -> memref<632x8xf32, #tpu.memory_space<vmem_shared>>
        tpu.enqueue_dma source(%dma_start3A_31 : memref<632x8xf32, #tpu.memory_space<vmem_shared>>) target(%arg8 : memref<632x8xf32, #tpu.memory_space<vmem>>) target_semaphore(%run_scoped3A : memref<!tpu.dma_semaphore, #tpu.memory_space<semaphore_mem>>)
        %dma_wait3A = arith.constant 0 : i32
        %dma_wait3A_32 = tpu.memref_slice %arg10[%mul3A_26, %dma_wait3A] : memref<10112x8xf32, #tpu.memory_space<vmem_shared>> -> memref<632x8xf32, #tpu.memory_space<vmem_shared>>
        %dma_wait3A_33 = arith.constant 0 : i32
        %dma_wait3A_34 = tpu.memref_slice %arg10[%mul3A_26, %dma_wait3A_33] : memref<10112x8xf32, #tpu.memory_space<vmem_shared>> -> memref<632x8xf32, #tpu.memory_space<vmem_shared>>
        tpu.wait_dma2 semaphore(%run_scoped3A : memref<!tpu.dma_semaphore, #tpu.memory_space<semaphore_mem>>) src(%dma_wait3A_34 : memref<632x8xf32, #tpu.memory_space<vmem_shared>>) dst(%arg8 : memref<632x8xf32, #tpu.memory_space<vmem>>)
        tpu.yield
      }) : () -> ()
      %mul3A_27 = arith.constant 632 : i32
      %mul3A_28 = arith.muli %arg1, %mul3A_27 : i32
      "tpu.region"() ({
        %run_scoped3A = tpu.sem_alloc : memref<!tpu.dma_semaphore, #tpu.memory_space<semaphore_mem>>
        %dma_start3A = arith.constant 0 : i32
        %dma_start3A_29 = tpu.memref_slice %arg5[%arg0, %mul3A_28, %dma_start3A] : memref<2x10000x8xf32, #tpu.memory_space<hbm>> -> memref<1x632x8xf32, #tpu.memory_space<hbm>>
        %dma_start3A_30 = tpu.memref_squeeze %dma_start3A_29 : memref<1x632x8xf32, #tpu.memory_space<hbm>> -> memref<632x8xf32, #tpu.memory_space<hbm>>
        %dma_start3A_31 = arith.constant 0 : i32
        %dma_start3A_32 = tpu.memref_slice %arg5[%arg0, %mul3A_28, %dma_start3A_31] : memref<2x10000x8xf32, #tpu.memory_space<hbm>> -> memref<1x632x8xf32, #tpu.memory_space<hbm>>
        %dma_start3A_33 = tpu.memref_squeeze %dma_start3A_32 : memref<1x632x8xf32, #tpu.memory_space<hbm>> -> memref<632x8xf32, #tpu.memory_space<hbm>>
        tpu.enqueue_dma source(%arg8 : memref<632x8xf32, #tpu.memory_space<vmem>>) target(%dma_start3A_33 : memref<632x8xf32, #tpu.memory_space<hbm>>) target_semaphore(%run_scoped3A : memref<!tpu.dma_semaphore, #tpu.memory_space<semaphore_mem>>)
        %dma_wait3A = arith.constant 0 : i32
        %dma_wait3A_34 = tpu.memref_slice %arg5[%arg0, %mul3A_28, %dma_wait3A] : memref<2x10000x8xf32, #tpu.memory_space<hbm>> -> memref<1x632x8xf32, #tpu.memory_space<hbm>>
        %dma_wait3A_35 = tpu.memref_squeeze %dma_wait3A_34 : memref<1x632x8xf32, #tpu.memory_space<hbm>> -> memref<632x8xf32, #tpu.memory_space<hbm>>
        %dma_wait3A_36 = arith.constant 0 : i32
        %dma_wait3A_37 = tpu.memref_slice %arg5[%arg0, %mul3A_28, %dma_wait3A_36] : memref<2x10000x8xf32, #tpu.memory_space<hbm>> -> memref<1x632x8xf32, #tpu.memory_space<hbm>>
        %dma_wait3A_38 = tpu.memref_squeeze %dma_wait3A_37 : memref<1x632x8xf32, #tpu.memory_space<hbm>> -> memref<632x8xf32, #tpu.memory_space<hbm>>
        tpu.wait_dma2 semaphore(%run_scoped3A : memref<!tpu.dma_semaphore, #tpu.memory_space<semaphore_mem>>) src(%arg8 : memref<632x8xf32, #tpu.memory_space<vmem>>) dst(%dma_wait3A_38 : memref<632x8xf32, #tpu.memory_space<hbm>>)
        tpu.yield
      }) : () -> ()
    } else {
    }
    %eq3A_20 = arith.constant 15 : i32
    %eq3A_21 = arith.cmpi eq, %arg1, %eq3A_20 : i32
    %convert_element_type3A_22 = arith.extui %eq3A_21 : i1 to i32
    %cond3A_23 = arith.constant 0 : i32
    %cond3A_24 = arith.cmpi ne, %convert_element_type3A_22, %cond3A_23 : i32
    scf.if %cond3A_24 {
      %mul3A_25 = arith.constant 632 : i32
      %mul3A_26 = arith.muli %arg1, %mul3A_25 : i32
      "tpu.region"() ({
        %run_scoped3A = tpu.sem_alloc : memref<!tpu.dma_semaphore, #tpu.memory_space<semaphore_mem>>
        %dma_start3A = arith.constant 0 : i32
        %dma_start3A_29 = arith.constant 0 : i32
        %dma_start3A_30 = tpu.memref_slice %arg8[%dma_start3A, %dma_start3A_29] : memref<632x8xf32, #tpu.memory_space<vmem>> -> memref<520x8xf32, #tpu.memory_space<vmem>>
        %dma_start3A_31 = arith.constant 0 : i32
        %dma_start3A_32 = tpu.memref_slice %arg10[%mul3A_26, %dma_start3A_31] : memref<10112x8xf32, #tpu.memory_space<vmem_shared>> -> memref<520x8xf32, #tpu.memory_space<vmem_shared>>
        %dma_start3A_33 = arith.constant 0 : i32
        %dma_start3A_34 = arith.constant 0 : i32
        %dma_start3A_35 = tpu.memref_slice %arg8[%dma_start3A_33, %dma_start3A_34] : memref<632x8xf32, #tpu.memory_space<vmem>> -> memref<520x8xf32, #tpu.memory_space<vmem>>
        %dma_start3A_36 = arith.constant 0 : i32
        %dma_start3A_37 = tpu.memref_slice %arg10[%mul3A_26, %dma_start3A_36] : memref<10112x8xf32, #tpu.memory_space<vmem_shared>> -> memref<520x8xf32, #tpu.memory_space<vmem_shared>>
        tpu.enqueue_dma source(%dma_start3A_37 : memref<520x8xf32, #tpu.memory_space<vmem_shared>>) target(%dma_start3A_35 : memref<520x8xf32, #tpu.memory_space<vmem>>) target_semaphore(%run_scoped3A : memref<!tpu.dma_semaphore, #tpu.memory_space<semaphore_mem>>)
        %dma_wait3A = arith.constant 0 : i32
        %dma_wait3A_38 = arith.constant 0 : i32
        %dma_wait3A_39 = tpu.memref_slice %arg8[%dma_wait3A, %dma_wait3A_38] : memref<632x8xf32, #tpu.memory_space<vmem>> -> memref<520x8xf32, #tpu.memory_space<vmem>>
        %dma_wait3A_40 = arith.constant 0 : i32
        %dma_wait3A_41 = tpu.memref_slice %arg10[%mul3A_26, %dma_wait3A_40] : memref<10112x8xf32, #tpu.memory_space<vmem_shared>> -> memref<520x8xf32, #tpu.memory_space<vmem_shared>>
        %dma_wait3A_42 = arith.constant 0 : i32
        %dma_wait3A_43 = arith.constant 0 : i32
        %dma_wait3A_44 = tpu.memref_slice %arg8[%dma_wait3A_42, %dma_wait3A_43] : memref<632x8xf32, #tpu.memory_space<vmem>> -> memref<520x8xf32, #tpu.memory_space<vmem>>
        %dma_wait3A_45 = arith.constant 0 : i32
        %dma_wait3A_46 = tpu.memref_slice %arg10[%mul3A_26, %dma_wait3A_45] : memref<10112x8xf32, #tpu.memory_space<vmem_shared>> -> memref<520x8xf32, #tpu.memory_space<vmem_shared>>
        tpu.wait_dma2 semaphore(%run_scoped3A : memref<!tpu.dma_semaphore, #tpu.memory_space<semaphore_mem>>) src(%dma_wait3A_46 : memref<520x8xf32, #tpu.memory_space<vmem_shared>>) dst(%dma_wait3A_44 : memref<520x8xf32, #tpu.memory_space<vmem>>)
        tpu.yield
      }) : () -> ()
      %mul3A_27 = arith.constant 632 : i32
      %mul3A_28 = arith.muli %arg1, %mul3A_27 : i32
      "tpu.region"() ({
        %run_scoped3A = tpu.sem_alloc : memref<!tpu.dma_semaphore, #tpu.memory_space<semaphore_mem>>
        %dma_start3A = arith.constant 0 : i32
        %dma_start3A_29 = arith.constant 0 : i32
        %dma_start3A_30 = tpu.memref_slice %arg8[%dma_start3A, %dma_start3A_29] : memref<632x8xf32, #tpu.memory_space<vmem>> -> memref<520x8xf32, #tpu.memory_space<vmem>>
        %dma_start3A_31 = arith.constant 0 : i32
        %dma_start3A_32 = tpu.memref_slice %arg5[%arg0, %mul3A_28, %dma_start3A_31] : memref<2x10000x8xf32, #tpu.memory_space<hbm>> -> memref<1x520x8xf32, #tpu.memory_space<hbm>>
        %dma_start3A_33 = tpu.memref_squeeze %dma_start3A_32 : memref<1x520x8xf32, #tpu.memory_space<hbm>> -> memref<520x8xf32, #tpu.memory_space<hbm>>
        %dma_start3A_34 = arith.constant 0 : i32
        %dma_start3A_35 = tpu.memref_slice %arg5[%arg0, %mul3A_28, %dma_start3A_34] : memref<2x10000x8xf32, #tpu.memory_space<hbm>> -> memref<1x520x8xf32, #tpu.memory_space<hbm>>
        %dma_start3A_36 = tpu.memref_squeeze %dma_start3A_35 : memref<1x520x8xf32, #tpu.memory_space<hbm>> -> memref<520x8xf32, #tpu.memory_space<hbm>>
        %dma_start3A_37 = arith.constant 0 : i32
        %dma_start3A_38 = arith.constant 0 : i32
        %dma_start3A_39 = tpu.memref_slice %arg8[%dma_start3A_37, %dma_start3A_38] : memref<632x8xf32, #tpu.memory_space<vmem>> -> memref<520x8xf32, #tpu.memory_space<vmem>>
        tpu.enqueue_dma source(%dma_start3A_39 : memref<520x8xf32, #tpu.memory_space<vmem>>) target(%dma_start3A_36 : memref<520x8xf32, #tpu.memory_space<hbm>>) target_semaphore(%run_scoped3A : memref<!tpu.dma_semaphore, #tpu.memory_space<semaphore_mem>>)
        %dma_wait3A = arith.constant 0 : i32
        %dma_wait3A_40 = arith.constant 0 : i32
        %dma_wait3A_41 = tpu.memref_slice %arg8[%dma_wait3A, %dma_wait3A_40] : memref<632x8xf32, #tpu.memory_space<vmem>> -> memref<520x8xf32, #tpu.memory_space<vmem>>
        %dma_wait3A_42 = arith.constant 0 : i32
        %dma_wait3A_43 = tpu.memref_slice %arg5[%arg0, %mul3A_28, %dma_wait3A_42] : memref<2x10000x8xf32, #tpu.memory_space<hbm>> -> memref<1x520x8xf32, #tpu.memory_space<hbm>>
        %dma_wait3A_44 = tpu.memref_squeeze %dma_wait3A_43 : memref<1x520x8xf32, #tpu.memory_space<hbm>> -> memref<520x8xf32, #tpu.memory_space<hbm>>
        %dma_wait3A_45 = arith.constant 0 : i32
        %dma_wait3A_46 = tpu.memref_slice %arg5[%arg0, %mul3A_28, %dma_wait3A_45] : memref<2x10000x8xf32, #tpu.memory_space<hbm>> -> memref<1x520x8xf32, #tpu.memory_space<hbm>>
        %dma_wait3A_47 = tpu.memref_squeeze %dma_wait3A_46 : memref<1x520x8xf32, #tpu.memory_space<hbm>> -> memref<520x8xf32, #tpu.memory_space<hbm>>
        %dma_wait3A_48 = arith.constant 0 : i32
        %dma_wait3A_49 = arith.constant 0 : i32
        %dma_wait3A_50 = tpu.memref_slice %arg8[%dma_wait3A_48, %dma_wait3A_49] : memref<632x8xf32, #tpu.memory_space<vmem>> -> memref<520x8xf32, #tpu.memory_space<vmem>>
        tpu.wait_dma2 semaphore(%run_scoped3A : memref<!tpu.dma_semaphore, #tpu.memory_space<semaphore_mem>>) src(%dma_wait3A_50 : memref<520x8xf32, #tpu.memory_space<vmem>>) dst(%dma_wait3A_47 : memref<520x8xf32, #tpu.memory_space<hbm>>)
        tpu.yield
      }) : () -> ()
    } else {
    }
    return
  }
}

#map = affine_map<(d0, d1) -> (0)>
#map1 = affine_map<(d0, d1) -> (0, 0)>
#map2 = affine_map<(d0, d1) -> (0, 0, 0)>
module attributes {stable_mosaic.version = 14 : i64} {
  func.func @_sc_agg_body(%arg0: i32, %arg1: i32, %arg2: memref<327680xi32, #tpu.memory_space<hbm>>, %arg3: memref<327680xi32, #tpu.memory_space<hbm>>, %arg4: memref<10000x16xf32, #tpu.memory_space<hbm>>, %arg5: memref<632x16xf32, #tpu.memory_space<hbm>>, %arg6: memref<2x10000x16xf32, #tpu.memory_space<hbm>>, %arg7: memref<10240xi32, #tpu.memory_space<vmem>>, %arg8: memref<10240xi32, #tpu.memory_space<vmem>>, %arg9: memref<2x1024x16xf32, #tpu.memory_space<vmem>>, %arg10: memref<632x16xf32, #tpu.memory_space<vmem>>, %arg11: memref<!tpu.dma_semaphore, #tpu.memory_space<semaphore_mem>>, %arg12: memref<10112x16xf32, #tpu.memory_space<vmem_shared>>, %arg13: memref<10000x16xf32, #tpu.memory_space<vmem_shared>>) attributes {dimension_semantics = [#tpu.dimension_semantics<core_parallel>, #tpu.dimension_semantics<subcore_parallel>], iteration_bounds = array<i64: 2, 16>, scalar_prefetch = 0 : i64, scratch_operands = 7 : i64, tpu.core_type = #tpu.core_type<sc_vector_subcore>, window_params = [{transform_indices = #map}, {transform_indices = #map}, {transform_indices = #map1}, {transform_indices = #map1}, {transform_indices = #map2}]} {
    %mul3A = arith.constant 16 : i32
    %mul3A_0 = arith.muli %arg0, %mul3A : i32
    %add3A = arith.addi %mul3A_0, %arg1 : i32
    "tpu.region"() ({
      %run_scoped3A = tpu.sem_alloc : memref<!tpu.dma_semaphore, #tpu.memory_space<semaphore_mem>>
      tpu.enqueue_dma source(%arg5 : memref<632x16xf32, #tpu.memory_space<hbm>>) target(%arg10 : memref<632x16xf32, #tpu.memory_space<vmem>>) target_semaphore(%run_scoped3A : memref<!tpu.dma_semaphore, #tpu.memory_space<semaphore_mem>>)
      tpu.wait_dma2 semaphore(%run_scoped3A : memref<!tpu.dma_semaphore, #tpu.memory_space<semaphore_mem>>) src(%arg5 : memref<632x16xf32, #tpu.memory_space<hbm>>) dst(%arg10 : memref<632x16xf32, #tpu.memory_space<vmem>>)
      tpu.yield
    }) : () -> ()
    %lt3A = arith.constant 15 : i32
    %lt3A_1 = arith.cmpi slt, %arg1, %lt3A : i32
    %convert_element_type3A = arith.extui %lt3A_1 : i1 to i32
    %cond3A = arith.constant 0 : i32
    %cond3A_2 = arith.cmpi ne, %convert_element_type3A, %cond3A : i32
    scf.if %cond3A_2 {
      %mul3A_46 = arith.constant 632 : i32
      %mul3A_47 = arith.muli %arg1, %mul3A_46 : i32
      "tpu.region"() ({
        %run_scoped3A = tpu.sem_alloc : memref<!tpu.dma_semaphore, #tpu.memory_space<semaphore_mem>>
        %dma_start3A_48 = arith.constant 0 : i32
        %dma_start3A_49 = tpu.memref_slice %arg12[%mul3A_47, %dma_start3A_48] : memref<10112x16xf32, #tpu.memory_space<vmem_shared>> -> memref<632x16xf32, #tpu.memory_space<vmem_shared>>
        %dma_start3A_50 = arith.constant 0 : i32
        %dma_start3A_51 = tpu.memref_slice %arg12[%mul3A_47, %dma_start3A_50] : memref<10112x16xf32, #tpu.memory_space<vmem_shared>> -> memref<632x16xf32, #tpu.memory_space<vmem_shared>>
        tpu.enqueue_dma source(%arg10 : memref<632x16xf32, #tpu.memory_space<vmem>>) target(%dma_start3A_51 : memref<632x16xf32, #tpu.memory_space<vmem_shared>>) target_semaphore(%run_scoped3A : memref<!tpu.dma_semaphore, #tpu.memory_space<semaphore_mem>>)
        %dma_wait3A = arith.constant 0 : i32
        %dma_wait3A_52 = tpu.memref_slice %arg12[%mul3A_47, %dma_wait3A] : memref<10112x16xf32, #tpu.memory_space<vmem_shared>> -> memref<632x16xf32, #tpu.memory_space<vmem_shared>>
        %dma_wait3A_53 = arith.constant 0 : i32
        %dma_wait3A_54 = tpu.memref_slice %arg12[%mul3A_47, %dma_wait3A_53] : memref<10112x16xf32, #tpu.memory_space<vmem_shared>> -> memref<632x16xf32, #tpu.memory_space<vmem_shared>>
        tpu.wait_dma2 semaphore(%run_scoped3A : memref<!tpu.dma_semaphore, #tpu.memory_space<semaphore_mem>>) src(%arg10 : memref<632x16xf32, #tpu.memory_space<vmem>>) dst(%dma_wait3A_54 : memref<632x16xf32, #tpu.memory_space<vmem_shared>>)
        tpu.yield
      }) : () -> ()
    } else {
    }
    %eq3A = arith.constant 15 : i32
    %eq3A_3 = arith.cmpi eq, %arg1, %eq3A : i32
    %convert_element_type3A_4 = arith.extui %eq3A_3 : i1 to i32
    %cond3A_5 = arith.constant 0 : i32
    %cond3A_6 = arith.cmpi ne, %convert_element_type3A_4, %cond3A_5 : i32
    scf.if %cond3A_6 {
      %mul3A_46 = arith.constant 632 : i32
      %mul3A_47 = arith.muli %arg1, %mul3A_46 : i32
      "tpu.region"() ({
        %run_scoped3A = tpu.sem_alloc : memref<!tpu.dma_semaphore, #tpu.memory_space<semaphore_mem>>
        %dma_start3A_48 = arith.constant 0 : i32
        %dma_start3A_49 = arith.constant 0 : i32
        %dma_start3A_50 = tpu.memref_slice %arg10[%dma_start3A_48, %dma_start3A_49] : memref<632x16xf32, #tpu.memory_space<vmem>> -> memref<520x16xf32, #tpu.memory_space<vmem>>
        %dma_start3A_51 = arith.constant 0 : i32
        %dma_start3A_52 = tpu.memref_slice %arg12[%mul3A_47, %dma_start3A_51] : memref<10112x16xf32, #tpu.memory_space<vmem_shared>> -> memref<520x16xf32, #tpu.memory_space<vmem_shared>>
        %dma_start3A_53 = arith.constant 0 : i32
        %dma_start3A_54 = tpu.memref_slice %arg12[%mul3A_47, %dma_start3A_53] : memref<10112x16xf32, #tpu.memory_space<vmem_shared>> -> memref<520x16xf32, #tpu.memory_space<vmem_shared>>
        %dma_start3A_55 = arith.constant 0 : i32
        %dma_start3A_56 = arith.constant 0 : i32
        %dma_start3A_57 = tpu.memref_slice %arg10[%dma_start3A_55, %dma_start3A_56] : memref<632x16xf32, #tpu.memory_space<vmem>> -> memref<520x16xf32, #tpu.memory_space<vmem>>
        tpu.enqueue_dma source(%dma_start3A_57 : memref<520x16xf32, #tpu.memory_space<vmem>>) target(%dma_start3A_54 : memref<520x16xf32, #tpu.memory_space<vmem_shared>>) target_semaphore(%run_scoped3A : memref<!tpu.dma_semaphore, #tpu.memory_space<semaphore_mem>>)
        %dma_wait3A = arith.constant 0 : i32
        %dma_wait3A_58 = arith.constant 0 : i32
        %dma_wait3A_59 = tpu.memref_slice %arg10[%dma_wait3A, %dma_wait3A_58] : memref<632x16xf32, #tpu.memory_space<vmem>> -> memref<520x16xf32, #tpu.memory_space<vmem>>
        %dma_wait3A_60 = arith.constant 0 : i32
        %dma_wait3A_61 = tpu.memref_slice %arg12[%mul3A_47, %dma_wait3A_60] : memref<10112x16xf32, #tpu.memory_space<vmem_shared>> -> memref<520x16xf32, #tpu.memory_space<vmem_shared>>
        %dma_wait3A_62 = arith.constant 0 : i32
        %dma_wait3A_63 = tpu.memref_slice %arg12[%mul3A_47, %dma_wait3A_62] : memref<10112x16xf32, #tpu.memory_space<vmem_shared>> -> memref<520x16xf32, #tpu.memory_space<vmem_shared>>
        %dma_wait3A_64 = arith.constant 0 : i32
        %dma_wait3A_65 = arith.constant 0 : i32
        %dma_wait3A_66 = tpu.memref_slice %arg10[%dma_wait3A_64, %dma_wait3A_65] : memref<632x16xf32, #tpu.memory_space<vmem>> -> memref<520x16xf32, #tpu.memory_space<vmem>>
        tpu.wait_dma2 semaphore(%run_scoped3A : memref<!tpu.dma_semaphore, #tpu.memory_space<semaphore_mem>>) src(%dma_wait3A_66 : memref<520x16xf32, #tpu.memory_space<vmem>>) dst(%dma_wait3A_63 : memref<520x16xf32, #tpu.memory_space<vmem_shared>>)
        tpu.yield
      }) : () -> ()
    } else {
    }
    %lt3A_7 = arith.constant 15 : i32
    %lt3A_8 = arith.cmpi slt, %arg1, %lt3A_7 : i32
    %convert_element_type3A_9 = arith.extui %lt3A_8 : i1 to i32
    %cond3A_10 = arith.constant 0 : i32
    %cond3A_11 = arith.cmpi ne, %convert_element_type3A_9, %cond3A_10 : i32
    scf.if %cond3A_11 {
      %mul3A_46 = arith.constant 632 : i32
      %mul3A_47 = arith.muli %arg1, %mul3A_46 : i32
      "tpu.region"() ({
        %run_scoped3A = tpu.sem_alloc : memref<!tpu.dma_semaphore, #tpu.memory_space<semaphore_mem>>
        %dma_start3A_50 = arith.constant 0 : i32
        %dma_start3A_51 = tpu.memref_slice %arg4[%mul3A_47, %dma_start3A_50] : memref<10000x16xf32, #tpu.memory_space<hbm>> -> memref<632x16xf32, #tpu.memory_space<hbm>>
        %dma_start3A_52 = arith.constant 0 : i32
        %dma_start3A_53 = tpu.memref_slice %arg4[%mul3A_47, %dma_start3A_52] : memref<10000x16xf32, #tpu.memory_space<hbm>> -> memref<632x16xf32, #tpu.memory_space<hbm>>
        tpu.enqueue_dma source(%dma_start3A_53 : memref<632x16xf32, #tpu.memory_space<hbm>>) target(%arg10 : memref<632x16xf32, #tpu.memory_space<vmem>>) target_semaphore(%run_scoped3A : memref<!tpu.dma_semaphore, #tpu.memory_space<semaphore_mem>>)
        %dma_wait3A = arith.constant 0 : i32
        %dma_wait3A_54 = tpu.memref_slice %arg4[%mul3A_47, %dma_wait3A] : memref<10000x16xf32, #tpu.memory_space<hbm>> -> memref<632x16xf32, #tpu.memory_space<hbm>>
        %dma_wait3A_55 = arith.constant 0 : i32
        %dma_wait3A_56 = tpu.memref_slice %arg4[%mul3A_47, %dma_wait3A_55] : memref<10000x16xf32, #tpu.memory_space<hbm>> -> memref<632x16xf32, #tpu.memory_space<hbm>>
        tpu.wait_dma2 semaphore(%run_scoped3A : memref<!tpu.dma_semaphore, #tpu.memory_space<semaphore_mem>>) src(%dma_wait3A_56 : memref<632x16xf32, #tpu.memory_space<hbm>>) dst(%arg10 : memref<632x16xf32, #tpu.memory_space<vmem>>)
        tpu.yield
      }) : () -> ()
      %mul3A_48 = arith.constant 632 : i32
      %mul3A_49 = arith.muli %arg1, %mul3A_48 : i32
      "tpu.region"() ({
        %run_scoped3A = tpu.sem_alloc : memref<!tpu.dma_semaphore, #tpu.memory_space<semaphore_mem>>
        %dma_start3A_50 = arith.constant 0 : i32
        %dma_start3A_51 = tpu.memref_slice %arg13[%mul3A_49, %dma_start3A_50] : memref<10000x16xf32, #tpu.memory_space<vmem_shared>> -> memref<632x16xf32, #tpu.memory_space<vmem_shared>>
        %dma_start3A_52 = arith.constant 0 : i32
        %dma_start3A_53 = tpu.memref_slice %arg13[%mul3A_49, %dma_start3A_52] : memref<10000x16xf32, #tpu.memory_space<vmem_shared>> -> memref<632x16xf32, #tpu.memory_space<vmem_shared>>
        tpu.enqueue_dma source(%arg10 : memref<632x16xf32, #tpu.memory_space<vmem>>) target(%dma_start3A_53 : memref<632x16xf32, #tpu.memory_space<vmem_shared>>) target_semaphore(%run_scoped3A : memref<!tpu.dma_semaphore, #tpu.memory_space<semaphore_mem>>)
        %dma_wait3A = arith.constant 0 : i32
        %dma_wait3A_54 = tpu.memref_slice %arg13[%mul3A_49, %dma_wait3A] : memref<10000x16xf32, #tpu.memory_space<vmem_shared>> -> memref<632x16xf32, #tpu.memory_space<vmem_shared>>
        %dma_wait3A_55 = arith.constant 0 : i32
        %dma_wait3A_56 = tpu.memref_slice %arg13[%mul3A_49, %dma_wait3A_55] : memref<10000x16xf32, #tpu.memory_space<vmem_shared>> -> memref<632x16xf32, #tpu.memory_space<vmem_shared>>
        tpu.wait_dma2 semaphore(%run_scoped3A : memref<!tpu.dma_semaphore, #tpu.memory_space<semaphore_mem>>) src(%arg10 : memref<632x16xf32, #tpu.memory_space<vmem>>) dst(%dma_wait3A_56 : memref<632x16xf32, #tpu.memory_space<vmem_shared>>)
        tpu.yield
      }) : () -> ()
    } else {
    }
    %eq3A_12 = arith.constant 15 : i32
    %eq3A_13 = arith.cmpi eq, %arg1, %eq3A_12 : i32
    %convert_element_type3A_14 = arith.extui %eq3A_13 : i1 to i32
    %cond3A_15 = arith.constant 0 : i32
    %cond3A_16 = arith.cmpi ne, %convert_element_type3A_14, %cond3A_15 : i32
    scf.if %cond3A_16 {
      %mul3A_46 = arith.constant 632 : i32
      %mul3A_47 = arith.muli %arg1, %mul3A_46 : i32
      "tpu.region"() ({
        %run_scoped3A = tpu.sem_alloc : memref<!tpu.dma_semaphore, #tpu.memory_space<semaphore_mem>>
        %dma_start3A_50 = arith.constant 0 : i32
        %dma_start3A_51 = arith.constant 0 : i32
        %dma_start3A_52 = tpu.memref_slice %arg10[%dma_start3A_50, %dma_start3A_51] : memref<632x16xf32, #tpu.memory_space<vmem>> -> memref<520x16xf32, #tpu.memory_space<vmem>>
        %dma_start3A_53 = arith.constant 0 : i32
        %dma_start3A_54 = tpu.memref_slice %arg4[%mul3A_47, %dma_start3A_53] : memref<10000x16xf32, #tpu.memory_space<hbm>> -> memref<520x16xf32, #tpu.memory_space<hbm>>
        %dma_start3A_55 = arith.constant 0 : i32
        %dma_start3A_56 = arith.constant 0 : i32
        %dma_start3A_57 = tpu.memref_slice %arg10[%dma_start3A_55, %dma_start3A_56] : memref<632x16xf32, #tpu.memory_space<vmem>> -> memref<520x16xf32, #tpu.memory_space<vmem>>
        %dma_start3A_58 = arith.constant 0 : i32
        %dma_start3A_59 = tpu.memref_slice %arg4[%mul3A_47, %dma_start3A_58] : memref<10000x16xf32, #tpu.memory_space<hbm>> -> memref<520x16xf32, #tpu.memory_space<hbm>>
        tpu.enqueue_dma source(%dma_start3A_59 : memref<520x16xf32, #tpu.memory_space<hbm>>) target(%dma_start3A_57 : memref<520x16xf32, #tpu.memory_space<vmem>>) target_semaphore(%run_scoped3A : memref<!tpu.dma_semaphore, #tpu.memory_space<semaphore_mem>>)
        %dma_wait3A = arith.constant 0 : i32
        %dma_wait3A_60 = arith.constant 0 : i32
        %dma_wait3A_61 = tpu.memref_slice %arg10[%dma_wait3A, %dma_wait3A_60] : memref<632x16xf32, #tpu.memory_space<vmem>> -> memref<520x16xf32, #tpu.memory_space<vmem>>
        %dma_wait3A_62 = arith.constant 0 : i32
        %dma_wait3A_63 = tpu.memref_slice %arg4[%mul3A_47, %dma_wait3A_62] : memref<10000x16xf32, #tpu.memory_space<hbm>> -> memref<520x16xf32, #tpu.memory_space<hbm>>
        %dma_wait3A_64 = arith.constant 0 : i32
        %dma_wait3A_65 = arith.constant 0 : i32
        %dma_wait3A_66 = tpu.memref_slice %arg10[%dma_wait3A_64, %dma_wait3A_65] : memref<632x16xf32, #tpu.memory_space<vmem>> -> memref<520x16xf32, #tpu.memory_space<vmem>>
        %dma_wait3A_67 = arith.constant 0 : i32
        %dma_wait3A_68 = tpu.memref_slice %arg4[%mul3A_47, %dma_wait3A_67] : memref<10000x16xf32, #tpu.memory_space<hbm>> -> memref<520x16xf32, #tpu.memory_space<hbm>>
        tpu.wait_dma2 semaphore(%run_scoped3A : memref<!tpu.dma_semaphore, #tpu.memory_space<semaphore_mem>>) src(%dma_wait3A_68 : memref<520x16xf32, #tpu.memory_space<hbm>>) dst(%dma_wait3A_66 : memref<520x16xf32, #tpu.memory_space<vmem>>)
        tpu.yield
      }) : () -> ()
      %mul3A_48 = arith.constant 632 : i32
      %mul3A_49 = arith.muli %arg1, %mul3A_48 : i32
      "tpu.region"() ({
        %run_scoped3A = tpu.sem_alloc : memref<!tpu.dma_semaphore, #tpu.memory_space<semaphore_mem>>
        %dma_start3A_50 = arith.constant 0 : i32
        %dma_start3A_51 = arith.constant 0 : i32
        %dma_start3A_52 = tpu.memref_slice %arg10[%dma_start3A_50, %dma_start3A_51] : memref<632x16xf32, #tpu.memory_space<vmem>> -> memref<520x16xf32, #tpu.memory_space<vmem>>
        %dma_start3A_53 = arith.constant 0 : i32
        %dma_start3A_54 = tpu.memref_slice %arg13[%mul3A_49, %dma_start3A_53] : memref<10000x16xf32, #tpu.memory_space<vmem_shared>> -> memref<520x16xf32, #tpu.memory_space<vmem_shared>>
        %dma_start3A_55 = arith.constant 0 : i32
        %dma_start3A_56 = tpu.memref_slice %arg13[%mul3A_49, %dma_start3A_55] : memref<10000x16xf32, #tpu.memory_space<vmem_shared>> -> memref<520x16xf32, #tpu.memory_space<vmem_shared>>
        %dma_start3A_57 = arith.constant 0 : i32
        %dma_start3A_58 = arith.constant 0 : i32
        %dma_start3A_59 = tpu.memref_slice %arg10[%dma_start3A_57, %dma_start3A_58] : memref<632x16xf32, #tpu.memory_space<vmem>> -> memref<520x16xf32, #tpu.memory_space<vmem>>
        tpu.enqueue_dma source(%dma_start3A_59 : memref<520x16xf32, #tpu.memory_space<vmem>>) target(%dma_start3A_56 : memref<520x16xf32, #tpu.memory_space<vmem_shared>>) target_semaphore(%run_scoped3A : memref<!tpu.dma_semaphore, #tpu.memory_space<semaphore_mem>>)
        %dma_wait3A = arith.constant 0 : i32
        %dma_wait3A_60 = arith.constant 0 : i32
        %dma_wait3A_61 = tpu.memref_slice %arg10[%dma_wait3A, %dma_wait3A_60] : memref<632x16xf32, #tpu.memory_space<vmem>> -> memref<520x16xf32, #tpu.memory_space<vmem>>
        %dma_wait3A_62 = arith.constant 0 : i32
        %dma_wait3A_63 = tpu.memref_slice %arg13[%mul3A_49, %dma_wait3A_62] : memref<10000x16xf32, #tpu.memory_space<vmem_shared>> -> memref<520x16xf32, #tpu.memory_space<vmem_shared>>
        %dma_wait3A_64 = arith.constant 0 : i32
        %dma_wait3A_65 = tpu.memref_slice %arg13[%mul3A_49, %dma_wait3A_64] : memref<10000x16xf32, #tpu.memory_space<vmem_shared>> -> memref<520x16xf32, #tpu.memory_space<vmem_shared>>
        %dma_wait3A_66 = arith.constant 0 : i32
        %dma_wait3A_67 = arith.constant 0 : i32
        %dma_wait3A_68 = tpu.memref_slice %arg10[%dma_wait3A_66, %dma_wait3A_67] : memref<632x16xf32, #tpu.memory_space<vmem>> -> memref<520x16xf32, #tpu.memory_space<vmem>>
        tpu.wait_dma2 semaphore(%run_scoped3A : memref<!tpu.dma_semaphore, #tpu.memory_space<semaphore_mem>>) src(%dma_wait3A_68 : memref<520x16xf32, #tpu.memory_space<vmem>>) dst(%dma_wait3A_65 : memref<520x16xf32, #tpu.memory_space<vmem_shared>>)
        tpu.yield
      }) : () -> ()
    } else {
    }
    %mul3A_17 = arith.constant 10240 : i32
    %mul3A_18 = arith.muli %add3A, %mul3A_17 : i32
    "tpu.region"() ({
      %run_scoped3A = tpu.sem_alloc : memref<!tpu.dma_semaphore, #tpu.memory_space<semaphore_mem>>
      %dma_start3A_46 = tpu.memref_slice %arg2[%mul3A_18] : memref<327680xi32, #tpu.memory_space<hbm>> -> memref<10240xi32, #tpu.memory_space<hbm>>
      %dma_start3A_47 = tpu.memref_slice %arg2[%mul3A_18] : memref<327680xi32, #tpu.memory_space<hbm>> -> memref<10240xi32, #tpu.memory_space<hbm>>
      tpu.enqueue_dma source(%dma_start3A_47 : memref<10240xi32, #tpu.memory_space<hbm>>) target(%arg7 : memref<10240xi32, #tpu.memory_space<vmem>>) target_semaphore(%run_scoped3A : memref<!tpu.dma_semaphore, #tpu.memory_space<semaphore_mem>>)
      %dma_wait3A = tpu.memref_slice %arg2[%mul3A_18] : memref<327680xi32, #tpu.memory_space<hbm>> -> memref<10240xi32, #tpu.memory_space<hbm>>
      %dma_wait3A_48 = tpu.memref_slice %arg2[%mul3A_18] : memref<327680xi32, #tpu.memory_space<hbm>> -> memref<10240xi32, #tpu.memory_space<hbm>>
      tpu.wait_dma2 semaphore(%run_scoped3A : memref<!tpu.dma_semaphore, #tpu.memory_space<semaphore_mem>>) src(%dma_wait3A_48 : memref<10240xi32, #tpu.memory_space<hbm>>) dst(%arg7 : memref<10240xi32, #tpu.memory_space<vmem>>)
      tpu.yield
    }) : () -> ()
    %mul3A_19 = arith.constant 10240 : i32
    %mul3A_20 = arith.muli %add3A, %mul3A_19 : i32
    "tpu.region"() ({
      %run_scoped3A = tpu.sem_alloc : memref<!tpu.dma_semaphore, #tpu.memory_space<semaphore_mem>>
      %dma_start3A_46 = tpu.memref_slice %arg3[%mul3A_20] : memref<327680xi32, #tpu.memory_space<hbm>> -> memref<10240xi32, #tpu.memory_space<hbm>>
      %dma_start3A_47 = tpu.memref_slice %arg3[%mul3A_20] : memref<327680xi32, #tpu.memory_space<hbm>> -> memref<10240xi32, #tpu.memory_space<hbm>>
      tpu.enqueue_dma source(%dma_start3A_47 : memref<10240xi32, #tpu.memory_space<hbm>>) target(%arg8 : memref<10240xi32, #tpu.memory_space<vmem>>) target_semaphore(%run_scoped3A : memref<!tpu.dma_semaphore, #tpu.memory_space<semaphore_mem>>)
      %dma_wait3A = tpu.memref_slice %arg3[%mul3A_20] : memref<327680xi32, #tpu.memory_space<hbm>> -> memref<10240xi32, #tpu.memory_space<hbm>>
      %dma_wait3A_48 = tpu.memref_slice %arg3[%mul3A_20] : memref<327680xi32, #tpu.memory_space<hbm>> -> memref<10240xi32, #tpu.memory_space<hbm>>
      tpu.wait_dma2 semaphore(%run_scoped3A : memref<!tpu.dma_semaphore, #tpu.memory_space<semaphore_mem>>) src(%dma_wait3A_48 : memref<10240xi32, #tpu.memory_space<hbm>>) dst(%arg8 : memref<10240xi32, #tpu.memory_space<vmem>>)
      tpu.yield
    }) : () -> ()
    %barrier3A = arith.constant 0 : index
    tpu.barrier barrier_id(%barrier3A)
    %dma_start3A = arith.constant 0 : i32
    %dma_start3A_21 = arith.constant 0 : i32
    %dma_start3A_22 = arith.constant 0 : i32
    %dma_start3A_23 = tpu.memref_slice %arg9[%dma_start3A, %dma_start3A_21, %dma_start3A_22] : memref<2x1024x16xf32, #tpu.memory_space<vmem>> -> memref<1x1024x16xf32, #tpu.memory_space<vmem>>
    %dma_start3A_24 = tpu.memref_squeeze %dma_start3A_23 : memref<1x1024x16xf32, #tpu.memory_space<vmem>> -> memref<1024x16xf32, #tpu.memory_space<vmem>>
    %dma_start3A_25 = arith.constant 0 : i32
    %dma_start3A_26 = tpu.memref_slice %arg7[%dma_start3A_25] : memref<10240xi32, #tpu.memory_space<vmem>> -> memref<1024xi32, #tpu.memory_space<vmem>>
    %dma_start3A_27 = arith.constant 0 : i32
    %dma_start3A_28 = arith.constant 0 : i32
    %dma_start3A_29 = tpu.memref_slice %arg13[%dma_start3A_27, %dma_start3A_28] : memref<10000x16xf32, #tpu.memory_space<vmem_shared>> -> memref<10000x16xf32, #tpu.memory_space<vmem_shared>>
    tpu.enqueue_indirect_dma source(%dma_start3A_29 : memref<10000x16xf32, #tpu.memory_space<vmem_shared>>) target(%dma_start3A_24 : memref<1024x16xf32, #tpu.memory_space<vmem>>) offsets(%dma_start3A_26 : memref<1024xi32, #tpu.memory_space<vmem>>) semaphore(%arg11 : memref<!tpu.dma_semaphore, #tpu.memory_space<semaphore_mem>>)
    %scan3A = arith.constant 0 : i32
    %scan3A_30 = arith.constant 0 : i32
    %scan3A_31 = arith.constant 10 : i32
    %scan3A_32 = arith.addi %scan3A_30, %scan3A_31 : i32
    %scan3A_33 = arith.constant 1 : i32
    scf.for %scan3A_46 = %scan3A_30 to %scan3A_32 step %scan3A_33  : i32 {
      %rem3A = arith.constant 2 : i32
      %rem3A_47 = arith.remsi %scan3A_46, %rem3A : i32
      %lt3A_48 = arith.constant 9 : i32
      %lt3A_49 = arith.cmpi slt, %scan3A_46, %lt3A_48 : i32
      %convert_element_type3A_50 = arith.extui %lt3A_49 : i1 to i32
      %cond3A_51 = arith.constant 0 : i32
      %cond3A_52 = arith.cmpi ne, %convert_element_type3A_50, %cond3A_51 : i32
      scf.if %cond3A_52 {
        %add3A_114 = arith.constant 1 : i32
        %add3A_115 = arith.addi %scan3A_46, %add3A_114 : i32
        %sub3A = arith.constant 1 : i32
        %sub3A_116 = arith.subi %sub3A, %rem3A_47 : i32
        %mul3A_117 = arith.constant 1024 : i32
        %mul3A_118 = arith.muli %add3A_115, %mul3A_117 : i32
        %dma_start3A_119 = arith.constant 0 : i32
        %dma_start3A_120 = arith.constant 0 : i32
        %dma_start3A_121 = tpu.memref_slice %arg9[%sub3A_116, %dma_start3A_119, %dma_start3A_120] : memref<2x1024x16xf32, #tpu.memory_space<vmem>> -> memref<1x1024x16xf32, #tpu.memory_space<vmem>>
        %dma_start3A_122 = tpu.memref_squeeze %dma_start3A_121 : memref<1x1024x16xf32, #tpu.memory_space<vmem>> -> memref<1024x16xf32, #tpu.memory_space<vmem>>
        %dma_start3A_123 = tpu.memref_slice %arg7[%mul3A_118] : memref<10240xi32, #tpu.memory_space<vmem>> -> memref<1024xi32, #tpu.memory_space<vmem>>
        %dma_start3A_124 = arith.constant 0 : i32
        %dma_start3A_125 = arith.constant 0 : i32
        %dma_start3A_126 = tpu.memref_slice %arg13[%dma_start3A_124, %dma_start3A_125] : memref<10000x16xf32, #tpu.memory_space<vmem_shared>> -> memref<10000x16xf32, #tpu.memory_space<vmem_shared>>
        tpu.enqueue_indirect_dma source(%dma_start3A_126 : memref<10000x16xf32, #tpu.memory_space<vmem_shared>>) target(%dma_start3A_122 : memref<1024x16xf32, #tpu.memory_space<vmem>>) offsets(%dma_start3A_123 : memref<1024xi32, #tpu.memory_space<vmem>>) semaphore(%arg11 : memref<!tpu.dma_semaphore, #tpu.memory_space<semaphore_mem>>)
      } else {
      }
      %dma_wait3A = arith.constant 0 : i32
      %dma_wait3A_53 = arith.constant 0 : i32
      %dma_wait3A_54 = tpu.memref_slice %arg9[%rem3A_47, %dma_wait3A, %dma_wait3A_53] : memref<2x1024x16xf32, #tpu.memory_space<vmem>> -> memref<1x1024x16xf32, #tpu.memory_space<vmem>>
      %dma_wait3A_55 = tpu.memref_squeeze %dma_wait3A_54 : memref<1x1024x16xf32, #tpu.memory_space<vmem>> -> memref<1024x16xf32, #tpu.memory_space<vmem>>
      %dma_wait3A_56 = arith.constant 0 : i32
      %dma_wait3A_57 = arith.constant 0 : i32
      %dma_wait3A_58 = tpu.memref_slice %arg4[%dma_wait3A_56, %dma_wait3A_57] : memref<10000x16xf32, #tpu.memory_space<hbm>> -> memref<1024x16xf32, #tpu.memory_space<hbm>>
      %dma_wait3A_59 = arith.constant 0 : i32
      %dma_wait3A_60 = arith.constant 0 : i32
      %dma_wait3A_61 = tpu.memref_slice %arg9[%rem3A_47, %dma_wait3A_59, %dma_wait3A_60] : memref<2x1024x16xf32, #tpu.memory_space<vmem>> -> memref<1x1024x16xf32, #tpu.memory_space<vmem>>
      %dma_wait3A_62 = tpu.memref_squeeze %dma_wait3A_61 : memref<1x1024x16xf32, #tpu.memory_space<vmem>> -> memref<1024x16xf32, #tpu.memory_space<vmem>>
      %dma_wait3A_63 = arith.constant 0 : i32
      %dma_wait3A_64 = arith.constant 0 : i32
      %dma_wait3A_65 = tpu.memref_slice %arg4[%dma_wait3A_63, %dma_wait3A_64] : memref<10000x16xf32, #tpu.memory_space<hbm>> -> memref<1024x16xf32, #tpu.memory_space<hbm>>
      tpu.wait_dma2 semaphore(%arg11 : memref<!tpu.dma_semaphore, #tpu.memory_space<semaphore_mem>>) src(%dma_wait3A_65 : memref<1024x16xf32, #tpu.memory_space<hbm>>) dst(%dma_wait3A_62 : memref<1024x16xf32, #tpu.memory_space<vmem>>)
      %mul3A_66 = arith.constant 8 : i32
      %mul3A_67 = arith.muli %scan3A_46, %mul3A_66 : i32
      %add3A_68 = arith.constant 0 : i32
      %add3A_69 = arith.addi %mul3A_67, %add3A_68 : i32
      %mul3A_70 = arith.constant 128 : i32
      %mul3A_71 = arith.muli %add3A_69, %mul3A_70 : i32
      "tpu.region"() ({
        %run_scoped3A = tpu.sem_alloc : memref<!tpu.dma_semaphore, #tpu.memory_space<semaphore_mem>>
        %dma_start3A_114 = arith.constant 0 : i32
        %dma_start3A_115 = arith.constant 0 : i32
        %dma_start3A_116 = tpu.memref_slice %arg9[%rem3A_47, %dma_start3A_114, %dma_start3A_115] : memref<2x1024x16xf32, #tpu.memory_space<vmem>> -> memref<1x128x16xf32, #tpu.memory_space<vmem>>
        %dma_start3A_117 = tpu.memref_squeeze %dma_start3A_116 : memref<1x128x16xf32, #tpu.memory_space<vmem>> -> memref<128x16xf32, #tpu.memory_space<vmem>>
        %dma_start3A_118 = tpu.memref_slice %arg8[%mul3A_71] : memref<10240xi32, #tpu.memory_space<vmem>> -> memref<128xi32, #tpu.memory_space<vmem>>
        %dma_start3A_119 = arith.constant 0 : i32
        %dma_start3A_120 = arith.constant 0 : i32
        %dma_start3A_121 = tpu.memref_slice %arg12[%dma_start3A_119, %dma_start3A_120] : memref<10112x16xf32, #tpu.memory_space<vmem_shared>> -> memref<10112x16xf32, #tpu.memory_space<vmem_shared>>
        tpu.enqueue_indirect_dma source(%dma_start3A_117 : memref<128x16xf32, #tpu.memory_space<vmem>>) target(%dma_start3A_121 : memref<10112x16xf32, #tpu.memory_space<vmem_shared>>) offsets(%dma_start3A_118 : memref<128xi32, #tpu.memory_space<vmem>>) semaphore(%run_scoped3A : memref<!tpu.dma_semaphore, #tpu.memory_space<semaphore_mem>>) {add = true}
        %dma_wait3A_122 = arith.constant 0 : i32
        %dma_wait3A_123 = arith.constant 0 : i32
        %dma_wait3A_124 = tpu.memref_slice %arg9[%rem3A_47, %dma_wait3A_122, %dma_wait3A_123] : memref<2x1024x16xf32, #tpu.memory_space<vmem>> -> memref<1x128x16xf32, #tpu.memory_space<vmem>>
        %dma_wait3A_125 = tpu.memref_squeeze %dma_wait3A_124 : memref<1x128x16xf32, #tpu.memory_space<vmem>> -> memref<128x16xf32, #tpu.memory_space<vmem>>
        %dma_wait3A_126 = tpu.memref_slice %arg8[%mul3A_71] : memref<10240xi32, #tpu.memory_space<vmem>> -> memref<128xi32, #tpu.memory_space<vmem>>
        %dma_wait3A_127 = arith.constant 0 : i32
        %dma_wait3A_128 = arith.constant 0 : i32
        %dma_wait3A_129 = tpu.memref_slice %arg12[%dma_wait3A_127, %dma_wait3A_128] : memref<10112x16xf32, #tpu.memory_space<vmem_shared>> -> memref<10112x16xf32, #tpu.memory_space<vmem_shared>>
        tpu.wait_indirect_dma semaphore(%run_scoped3A : memref<!tpu.dma_semaphore, #tpu.memory_space<semaphore_mem>>) src(%dma_wait3A_125 : memref<128x16xf32, #tpu.memory_space<vmem>>) dst(%dma_wait3A_129 : memref<10112x16xf32, #tpu.memory_space<vmem_shared>>)
        tpu.yield
      }) : () -> ()
      %mul3A_72 = arith.constant 8 : i32
      %mul3A_73 = arith.muli %scan3A_46, %mul3A_72 : i32
      %add3A_74 = arith.constant 1 : i32
      %add3A_75 = arith.addi %mul3A_73, %add3A_74 : i32
      %mul3A_76 = arith.constant 128 : i32
      %mul3A_77 = arith.muli %add3A_75, %mul3A_76 : i32
      "tpu.region"() ({
        %run_scoped3A = tpu.sem_alloc : memref<!tpu.dma_semaphore, #tpu.memory_space<semaphore_mem>>
        %dma_start3A_114 = arith.constant 128 : i32
        %dma_start3A_115 = arith.constant 0 : i32
        %dma_start3A_116 = tpu.memref_slice %arg9[%rem3A_47, %dma_start3A_114, %dma_start3A_115] : memref<2x1024x16xf32, #tpu.memory_space<vmem>> -> memref<1x128x16xf32, #tpu.memory_space<vmem>>
        %dma_start3A_117 = tpu.memref_squeeze %dma_start3A_116 : memref<1x128x16xf32, #tpu.memory_space<vmem>> -> memref<128x16xf32, #tpu.memory_space<vmem>>
        %dma_start3A_118 = tpu.memref_slice %arg8[%mul3A_77] : memref<10240xi32, #tpu.memory_space<vmem>> -> memref<128xi32, #tpu.memory_space<vmem>>
        %dma_start3A_119 = arith.constant 0 : i32
        %dma_start3A_120 = arith.constant 0 : i32
        %dma_start3A_121 = tpu.memref_slice %arg12[%dma_start3A_119, %dma_start3A_120] : memref<10112x16xf32, #tpu.memory_space<vmem_shared>> -> memref<10112x16xf32, #tpu.memory_space<vmem_shared>>
        tpu.enqueue_indirect_dma source(%dma_start3A_117 : memref<128x16xf32, #tpu.memory_space<vmem>>) target(%dma_start3A_121 : memref<10112x16xf32, #tpu.memory_space<vmem_shared>>) offsets(%dma_start3A_118 : memref<128xi32, #tpu.memory_space<vmem>>) semaphore(%run_scoped3A : memref<!tpu.dma_semaphore, #tpu.memory_space<semaphore_mem>>) {add = true}
        %dma_wait3A_122 = arith.constant 128 : i32
        %dma_wait3A_123 = arith.constant 0 : i32
        %dma_wait3A_124 = tpu.memref_slice %arg9[%rem3A_47, %dma_wait3A_122, %dma_wait3A_123] : memref<2x1024x16xf32, #tpu.memory_space<vmem>> -> memref<1x128x16xf32, #tpu.memory_space<vmem>>
        %dma_wait3A_125 = tpu.memref_squeeze %dma_wait3A_124 : memref<1x128x16xf32, #tpu.memory_space<vmem>> -> memref<128x16xf32, #tpu.memory_space<vmem>>
        %dma_wait3A_126 = tpu.memref_slice %arg8[%mul3A_77] : memref<10240xi32, #tpu.memory_space<vmem>> -> memref<128xi32, #tpu.memory_space<vmem>>
        %dma_wait3A_127 = arith.constant 0 : i32
        %dma_wait3A_128 = arith.constant 0 : i32
        %dma_wait3A_129 = tpu.memref_slice %arg12[%dma_wait3A_127, %dma_wait3A_128] : memref<10112x16xf32, #tpu.memory_space<vmem_shared>> -> memref<10112x16xf32, #tpu.memory_space<vmem_shared>>
        tpu.wait_indirect_dma semaphore(%run_scoped3A : memref<!tpu.dma_semaphore, #tpu.memory_space<semaphore_mem>>) src(%dma_wait3A_125 : memref<128x16xf32, #tpu.memory_space<vmem>>) dst(%dma_wait3A_129 : memref<10112x16xf32, #tpu.memory_space<vmem_shared>>)
        tpu.yield
      }) : () -> ()
      %mul3A_78 = arith.constant 8 : i32
      %mul3A_79 = arith.muli %scan3A_46, %mul3A_78 : i32
      %add3A_80 = arith.constant 2 : i32
      %add3A_81 = arith.addi %mul3A_79, %add3A_80 : i32
      %mul3A_82 = arith.constant 128 : i32
      %mul3A_83 = arith.muli %add3A_81, %mul3A_82 : i32
      "tpu.region"() ({
        %run_scoped3A = tpu.sem_alloc : memref<!tpu.dma_semaphore, #tpu.memory_space<semaphore_mem>>
        %dma_start3A_114 = arith.constant 256 : i32
        %dma_start3A_115 = arith.constant 0 : i32
        %dma_start3A_116 = tpu.memref_slice %arg9[%rem3A_47, %dma_start3A_114, %dma_start3A_115] : memref<2x1024x16xf32, #tpu.memory_space<vmem>> -> memref<1x128x16xf32, #tpu.memory_space<vmem>>
        %dma_start3A_117 = tpu.memref_squeeze %dma_start3A_116 : memref<1x128x16xf32, #tpu.memory_space<vmem>> -> memref<128x16xf32, #tpu.memory_space<vmem>>
        %dma_start3A_118 = tpu.memref_slice %arg8[%mul3A_83] : memref<10240xi32, #tpu.memory_space<vmem>> -> memref<128xi32, #tpu.memory_space<vmem>>
        %dma_start3A_119 = arith.constant 0 : i32
        %dma_start3A_120 = arith.constant 0 : i32
        %dma_start3A_121 = tpu.memref_slice %arg12[%dma_start3A_119, %dma_start3A_120] : memref<10112x16xf32, #tpu.memory_space<vmem_shared>> -> memref<10112x16xf32, #tpu.memory_space<vmem_shared>>
        tpu.enqueue_indirect_dma source(%dma_start3A_117 : memref<128x16xf32, #tpu.memory_space<vmem>>) target(%dma_start3A_121 : memref<10112x16xf32, #tpu.memory_space<vmem_shared>>) offsets(%dma_start3A_118 : memref<128xi32, #tpu.memory_space<vmem>>) semaphore(%run_scoped3A : memref<!tpu.dma_semaphore, #tpu.memory_space<semaphore_mem>>) {add = true}
        %dma_wait3A_122 = arith.constant 256 : i32
        %dma_wait3A_123 = arith.constant 0 : i32
        %dma_wait3A_124 = tpu.memref_slice %arg9[%rem3A_47, %dma_wait3A_122, %dma_wait3A_123] : memref<2x1024x16xf32, #tpu.memory_space<vmem>> -> memref<1x128x16xf32, #tpu.memory_space<vmem>>
        %dma_wait3A_125 = tpu.memref_squeeze %dma_wait3A_124 : memref<1x128x16xf32, #tpu.memory_space<vmem>> -> memref<128x16xf32, #tpu.memory_space<vmem>>
        %dma_wait3A_126 = tpu.memref_slice %arg8[%mul3A_83] : memref<10240xi32, #tpu.memory_space<vmem>> -> memref<128xi32, #tpu.memory_space<vmem>>
        %dma_wait3A_127 = arith.constant 0 : i32
        %dma_wait3A_128 = arith.constant 0 : i32
        %dma_wait3A_129 = tpu.memref_slice %arg12[%dma_wait3A_127, %dma_wait3A_128] : memref<10112x16xf32, #tpu.memory_space<vmem_shared>> -> memref<10112x16xf32, #tpu.memory_space<vmem_shared>>
        tpu.wait_indirect_dma semaphore(%run_scoped3A : memref<!tpu.dma_semaphore, #tpu.memory_space<semaphore_mem>>) src(%dma_wait3A_125 : memref<128x16xf32, #tpu.memory_space<vmem>>) dst(%dma_wait3A_129 : memref<10112x16xf32, #tpu.memory_space<vmem_shared>>)
        tpu.yield
      }) : () -> ()
      %mul3A_84 = arith.constant 8 : i32
      %mul3A_85 = arith.muli %scan3A_46, %mul3A_84 : i32
      %add3A_86 = arith.constant 3 : i32
      %add3A_87 = arith.addi %mul3A_85, %add3A_86 : i32
      %mul3A_88 = arith.constant 128 : i32
      %mul3A_89 = arith.muli %add3A_87, %mul3A_88 : i32
      "tpu.region"() ({
        %run_scoped3A = tpu.sem_alloc : memref<!tpu.dma_semaphore, #tpu.memory_space<semaphore_mem>>
        %dma_start3A_114 = arith.constant 384 : i32
        %dma_start3A_115 = arith.constant 0 : i32
        %dma_start3A_116 = tpu.memref_slice %arg9[%rem3A_47, %dma_start3A_114, %dma_start3A_115] : memref<2x1024x16xf32, #tpu.memory_space<vmem>> -> memref<1x128x16xf32, #tpu.memory_space<vmem>>
        %dma_start3A_117 = tpu.memref_squeeze %dma_start3A_116 : memref<1x128x16xf32, #tpu.memory_space<vmem>> -> memref<128x16xf32, #tpu.memory_space<vmem>>
        %dma_start3A_118 = tpu.memref_slice %arg8[%mul3A_89] : memref<10240xi32, #tpu.memory_space<vmem>> -> memref<128xi32, #tpu.memory_space<vmem>>
        %dma_start3A_119 = arith.constant 0 : i32
        %dma_start3A_120 = arith.constant 0 : i32
        %dma_start3A_121 = tpu.memref_slice %arg12[%dma_start3A_119, %dma_start3A_120] : memref<10112x16xf32, #tpu.memory_space<vmem_shared>> -> memref<10112x16xf32, #tpu.memory_space<vmem_shared>>
        tpu.enqueue_indirect_dma source(%dma_start3A_117 : memref<128x16xf32, #tpu.memory_space<vmem>>) target(%dma_start3A_121 : memref<10112x16xf32, #tpu.memory_space<vmem_shared>>) offsets(%dma_start3A_118 : memref<128xi32, #tpu.memory_space<vmem>>) semaphore(%run_scoped3A : memref<!tpu.dma_semaphore, #tpu.memory_space<semaphore_mem>>) {add = true}
        %dma_wait3A_122 = arith.constant 384 : i32
        %dma_wait3A_123 = arith.constant 0 : i32
        %dma_wait3A_124 = tpu.memref_slice %arg9[%rem3A_47, %dma_wait3A_122, %dma_wait3A_123] : memref<2x1024x16xf32, #tpu.memory_space<vmem>> -> memref<1x128x16xf32, #tpu.memory_space<vmem>>
        %dma_wait3A_125 = tpu.memref_squeeze %dma_wait3A_124 : memref<1x128x16xf32, #tpu.memory_space<vmem>> -> memref<128x16xf32, #tpu.memory_space<vmem>>
        %dma_wait3A_126 = tpu.memref_slice %arg8[%mul3A_89] : memref<10240xi32, #tpu.memory_space<vmem>> -> memref<128xi32, #tpu.memory_space<vmem>>
        %dma_wait3A_127 = arith.constant 0 : i32
        %dma_wait3A_128 = arith.constant 0 : i32
        %dma_wait3A_129 = tpu.memref_slice %arg12[%dma_wait3A_127, %dma_wait3A_128] : memref<10112x16xf32, #tpu.memory_space<vmem_shared>> -> memref<10112x16xf32, #tpu.memory_space<vmem_shared>>
        tpu.wait_indirect_dma semaphore(%run_scoped3A : memref<!tpu.dma_semaphore, #tpu.memory_space<semaphore_mem>>) src(%dma_wait3A_125 : memref<128x16xf32, #tpu.memory_space<vmem>>) dst(%dma_wait3A_129 : memref<10112x16xf32, #tpu.memory_space<vmem_shared>>)
        tpu.yield
      }) : () -> ()
      %mul3A_90 = arith.constant 8 : i32
      %mul3A_91 = arith.muli %scan3A_46, %mul3A_90 : i32
      %add3A_92 = arith.constant 4 : i32
      %add3A_93 = arith.addi %mul3A_91, %add3A_92 : i32
      %mul3A_94 = arith.constant 128 : i32
      %mul3A_95 = arith.muli %add3A_93, %mul3A_94 : i32
      "tpu.region"() ({
        %run_scoped3A = tpu.sem_alloc : memref<!tpu.dma_semaphore, #tpu.memory_space<semaphore_mem>>
        %dma_start3A_114 = arith.constant 512 : i32
        %dma_start3A_115 = arith.constant 0 : i32
        %dma_start3A_116 = tpu.memref_slice %arg9[%rem3A_47, %dma_start3A_114, %dma_start3A_115] : memref<2x1024x16xf32, #tpu.memory_space<vmem>> -> memref<1x128x16xf32, #tpu.memory_space<vmem>>
        %dma_start3A_117 = tpu.memref_squeeze %dma_start3A_116 : memref<1x128x16xf32, #tpu.memory_space<vmem>> -> memref<128x16xf32, #tpu.memory_space<vmem>>
        %dma_start3A_118 = tpu.memref_slice %arg8[%mul3A_95] : memref<10240xi32, #tpu.memory_space<vmem>> -> memref<128xi32, #tpu.memory_space<vmem>>
        %dma_start3A_119 = arith.constant 0 : i32
        %dma_start3A_120 = arith.constant 0 : i32
        %dma_start3A_121 = tpu.memref_slice %arg12[%dma_start3A_119, %dma_start3A_120] : memref<10112x16xf32, #tpu.memory_space<vmem_shared>> -> memref<10112x16xf32, #tpu.memory_space<vmem_shared>>
        tpu.enqueue_indirect_dma source(%dma_start3A_117 : memref<128x16xf32, #tpu.memory_space<vmem>>) target(%dma_start3A_121 : memref<10112x16xf32, #tpu.memory_space<vmem_shared>>) offsets(%dma_start3A_118 : memref<128xi32, #tpu.memory_space<vmem>>) semaphore(%run_scoped3A : memref<!tpu.dma_semaphore, #tpu.memory_space<semaphore_mem>>) {add = true}
        %dma_wait3A_122 = arith.constant 512 : i32
        %dma_wait3A_123 = arith.constant 0 : i32
        %dma_wait3A_124 = tpu.memref_slice %arg9[%rem3A_47, %dma_wait3A_122, %dma_wait3A_123] : memref<2x1024x16xf32, #tpu.memory_space<vmem>> -> memref<1x128x16xf32, #tpu.memory_space<vmem>>
        %dma_wait3A_125 = tpu.memref_squeeze %dma_wait3A_124 : memref<1x128x16xf32, #tpu.memory_space<vmem>> -> memref<128x16xf32, #tpu.memory_space<vmem>>
        %dma_wait3A_126 = tpu.memref_slice %arg8[%mul3A_95] : memref<10240xi32, #tpu.memory_space<vmem>> -> memref<128xi32, #tpu.memory_space<vmem>>
        %dma_wait3A_127 = arith.constant 0 : i32
        %dma_wait3A_128 = arith.constant 0 : i32
        %dma_wait3A_129 = tpu.memref_slice %arg12[%dma_wait3A_127, %dma_wait3A_128] : memref<10112x16xf32, #tpu.memory_space<vmem_shared>> -> memref<10112x16xf32, #tpu.memory_space<vmem_shared>>
        tpu.wait_indirect_dma semaphore(%run_scoped3A : memref<!tpu.dma_semaphore, #tpu.memory_space<semaphore_mem>>) src(%dma_wait3A_125 : memref<128x16xf32, #tpu.memory_space<vmem>>) dst(%dma_wait3A_129 : memref<10112x16xf32, #tpu.memory_space<vmem_shared>>)
        tpu.yield
      }) : () -> ()
      %mul3A_96 = arith.constant 8 : i32
      %mul3A_97 = arith.muli %scan3A_46, %mul3A_96 : i32
      %add3A_98 = arith.constant 5 : i32
      %add3A_99 = arith.addi %mul3A_97, %add3A_98 : i32
      %mul3A_100 = arith.constant 128 : i32
      %mul3A_101 = arith.muli %add3A_99, %mul3A_100 : i32
      "tpu.region"() ({
        %run_scoped3A = tpu.sem_alloc : memref<!tpu.dma_semaphore, #tpu.memory_space<semaphore_mem>>
        %dma_start3A_114 = arith.constant 640 : i32
        %dma_start3A_115 = arith.constant 0 : i32
        %dma_start3A_116 = tpu.memref_slice %arg9[%rem3A_47, %dma_start3A_114, %dma_start3A_115] : memref<2x1024x16xf32, #tpu.memory_space<vmem>> -> memref<1x128x16xf32, #tpu.memory_space<vmem>>
        %dma_start3A_117 = tpu.memref_squeeze %dma_start3A_116 : memref<1x128x16xf32, #tpu.memory_space<vmem>> -> memref<128x16xf32, #tpu.memory_space<vmem>>
        %dma_start3A_118 = tpu.memref_slice %arg8[%mul3A_101] : memref<10240xi32, #tpu.memory_space<vmem>> -> memref<128xi32, #tpu.memory_space<vmem>>
        %dma_start3A_119 = arith.constant 0 : i32
        %dma_start3A_120 = arith.constant 0 : i32
        %dma_start3A_121 = tpu.memref_slice %arg12[%dma_start3A_119, %dma_start3A_120] : memref<10112x16xf32, #tpu.memory_space<vmem_shared>> -> memref<10112x16xf32, #tpu.memory_space<vmem_shared>>
        tpu.enqueue_indirect_dma source(%dma_start3A_117 : memref<128x16xf32, #tpu.memory_space<vmem>>) target(%dma_start3A_121 : memref<10112x16xf32, #tpu.memory_space<vmem_shared>>) offsets(%dma_start3A_118 : memref<128xi32, #tpu.memory_space<vmem>>) semaphore(%run_scoped3A : memref<!tpu.dma_semaphore, #tpu.memory_space<semaphore_mem>>) {add = true}
        %dma_wait3A_122 = arith.constant 640 : i32
        %dma_wait3A_123 = arith.constant 0 : i32
        %dma_wait3A_124 = tpu.memref_slice %arg9[%rem3A_47, %dma_wait3A_122, %dma_wait3A_123] : memref<2x1024x16xf32, #tpu.memory_space<vmem>> -> memref<1x128x16xf32, #tpu.memory_space<vmem>>
        %dma_wait3A_125 = tpu.memref_squeeze %dma_wait3A_124 : memref<1x128x16xf32, #tpu.memory_space<vmem>> -> memref<128x16xf32, #tpu.memory_space<vmem>>
        %dma_wait3A_126 = tpu.memref_slice %arg8[%mul3A_101] : memref<10240xi32, #tpu.memory_space<vmem>> -> memref<128xi32, #tpu.memory_space<vmem>>
        %dma_wait3A_127 = arith.constant 0 : i32
        %dma_wait3A_128 = arith.constant 0 : i32
        %dma_wait3A_129 = tpu.memref_slice %arg12[%dma_wait3A_127, %dma_wait3A_128] : memref<10112x16xf32, #tpu.memory_space<vmem_shared>> -> memref<10112x16xf32, #tpu.memory_space<vmem_shared>>
        tpu.wait_indirect_dma semaphore(%run_scoped3A : memref<!tpu.dma_semaphore, #tpu.memory_space<semaphore_mem>>) src(%dma_wait3A_125 : memref<128x16xf32, #tpu.memory_space<vmem>>) dst(%dma_wait3A_129 : memref<10112x16xf32, #tpu.memory_space<vmem_shared>>)
        tpu.yield
      }) : () -> ()
      %mul3A_102 = arith.constant 8 : i32
      %mul3A_103 = arith.muli %scan3A_46, %mul3A_102 : i32
      %add3A_104 = arith.constant 6 : i32
      %add3A_105 = arith.addi %mul3A_103, %add3A_104 : i32
      %mul3A_106 = arith.constant 128 : i32
      %mul3A_107 = arith.muli %add3A_105, %mul3A_106 : i32
      "tpu.region"() ({
        %run_scoped3A = tpu.sem_alloc : memref<!tpu.dma_semaphore, #tpu.memory_space<semaphore_mem>>
        %dma_start3A_114 = arith.constant 768 : i32
        %dma_start3A_115 = arith.constant 0 : i32
        %dma_start3A_116 = tpu.memref_slice %arg9[%rem3A_47, %dma_start3A_114, %dma_start3A_115] : memref<2x1024x16xf32, #tpu.memory_space<vmem>> -> memref<1x128x16xf32, #tpu.memory_space<vmem>>
        %dma_start3A_117 = tpu.memref_squeeze %dma_start3A_116 : memref<1x128x16xf32, #tpu.memory_space<vmem>> -> memref<128x16xf32, #tpu.memory_space<vmem>>
        %dma_start3A_118 = tpu.memref_slice %arg8[%mul3A_107] : memref<10240xi32, #tpu.memory_space<vmem>> -> memref<128xi32, #tpu.memory_space<vmem>>
        %dma_start3A_119 = arith.constant 0 : i32
        %dma_start3A_120 = arith.constant 0 : i32
        %dma_start3A_121 = tpu.memref_slice %arg12[%dma_start3A_119, %dma_start3A_120] : memref<10112x16xf32, #tpu.memory_space<vmem_shared>> -> memref<10112x16xf32, #tpu.memory_space<vmem_shared>>
        tpu.enqueue_indirect_dma source(%dma_start3A_117 : memref<128x16xf32, #tpu.memory_space<vmem>>) target(%dma_start3A_121 : memref<10112x16xf32, #tpu.memory_space<vmem_shared>>) offsets(%dma_start3A_118 : memref<128xi32, #tpu.memory_space<vmem>>) semaphore(%run_scoped3A : memref<!tpu.dma_semaphore, #tpu.memory_space<semaphore_mem>>) {add = true}
        %dma_wait3A_122 = arith.constant 768 : i32
        %dma_wait3A_123 = arith.constant 0 : i32
        %dma_wait3A_124 = tpu.memref_slice %arg9[%rem3A_47, %dma_wait3A_122, %dma_wait3A_123] : memref<2x1024x16xf32, #tpu.memory_space<vmem>> -> memref<1x128x16xf32, #tpu.memory_space<vmem>>
        %dma_wait3A_125 = tpu.memref_squeeze %dma_wait3A_124 : memref<1x128x16xf32, #tpu.memory_space<vmem>> -> memref<128x16xf32, #tpu.memory_space<vmem>>
        %dma_wait3A_126 = tpu.memref_slice %arg8[%mul3A_107] : memref<10240xi32, #tpu.memory_space<vmem>> -> memref<128xi32, #tpu.memory_space<vmem>>
        %dma_wait3A_127 = arith.constant 0 : i32
        %dma_wait3A_128 = arith.constant 0 : i32
        %dma_wait3A_129 = tpu.memref_slice %arg12[%dma_wait3A_127, %dma_wait3A_128] : memref<10112x16xf32, #tpu.memory_space<vmem_shared>> -> memref<10112x16xf32, #tpu.memory_space<vmem_shared>>
        tpu.wait_indirect_dma semaphore(%run_scoped3A : memref<!tpu.dma_semaphore, #tpu.memory_space<semaphore_mem>>) src(%dma_wait3A_125 : memref<128x16xf32, #tpu.memory_space<vmem>>) dst(%dma_wait3A_129 : memref<10112x16xf32, #tpu.memory_space<vmem_shared>>)
        tpu.yield
      }) : () -> ()
      %mul3A_108 = arith.constant 8 : i32
      %mul3A_109 = arith.muli %scan3A_46, %mul3A_108 : i32
      %add3A_110 = arith.constant 7 : i32
      %add3A_111 = arith.addi %mul3A_109, %add3A_110 : i32
      %mul3A_112 = arith.constant 128 : i32
      %mul3A_113 = arith.muli %add3A_111, %mul3A_112 : i32
      "tpu.region"() ({
        %run_scoped3A = tpu.sem_alloc : memref<!tpu.dma_semaphore, #tpu.memory_space<semaphore_mem>>
        %dma_start3A_114 = arith.constant 896 : i32
        %dma_start3A_115 = arith.constant 0 : i32
        %dma_start3A_116 = tpu.memref_slice %arg9[%rem3A_47, %dma_start3A_114, %dma_start3A_115] : memref<2x1024x16xf32, #tpu.memory_space<vmem>> -> memref<1x128x16xf32, #tpu.memory_space<vmem>>
        %dma_start3A_117 = tpu.memref_squeeze %dma_start3A_116 : memref<1x128x16xf32, #tpu.memory_space<vmem>> -> memref<128x16xf32, #tpu.memory_space<vmem>>
        %dma_start3A_118 = tpu.memref_slice %arg8[%mul3A_113] : memref<10240xi32, #tpu.memory_space<vmem>> -> memref<128xi32, #tpu.memory_space<vmem>>
        %dma_start3A_119 = arith.constant 0 : i32
        %dma_start3A_120 = arith.constant 0 : i32
        %dma_start3A_121 = tpu.memref_slice %arg12[%dma_start3A_119, %dma_start3A_120] : memref<10112x16xf32, #tpu.memory_space<vmem_shared>> -> memref<10112x16xf32, #tpu.memory_space<vmem_shared>>
        tpu.enqueue_indirect_dma source(%dma_start3A_117 : memref<128x16xf32, #tpu.memory_space<vmem>>) target(%dma_start3A_121 : memref<10112x16xf32, #tpu.memory_space<vmem_shared>>) offsets(%dma_start3A_118 : memref<128xi32, #tpu.memory_space<vmem>>) semaphore(%run_scoped3A : memref<!tpu.dma_semaphore, #tpu.memory_space<semaphore_mem>>) {add = true}
        %dma_wait3A_122 = arith.constant 896 : i32
        %dma_wait3A_123 = arith.constant 0 : i32
        %dma_wait3A_124 = tpu.memref_slice %arg9[%rem3A_47, %dma_wait3A_122, %dma_wait3A_123] : memref<2x1024x16xf32, #tpu.memory_space<vmem>> -> memref<1x128x16xf32, #tpu.memory_space<vmem>>
        %dma_wait3A_125 = tpu.memref_squeeze %dma_wait3A_124 : memref<1x128x16xf32, #tpu.memory_space<vmem>> -> memref<128x16xf32, #tpu.memory_space<vmem>>
        %dma_wait3A_126 = tpu.memref_slice %arg8[%mul3A_113] : memref<10240xi32, #tpu.memory_space<vmem>> -> memref<128xi32, #tpu.memory_space<vmem>>
        %dma_wait3A_127 = arith.constant 0 : i32
        %dma_wait3A_128 = arith.constant 0 : i32
        %dma_wait3A_129 = tpu.memref_slice %arg12[%dma_wait3A_127, %dma_wait3A_128] : memref<10112x16xf32, #tpu.memory_space<vmem_shared>> -> memref<10112x16xf32, #tpu.memory_space<vmem_shared>>
        tpu.wait_indirect_dma semaphore(%run_scoped3A : memref<!tpu.dma_semaphore, #tpu.memory_space<semaphore_mem>>) src(%dma_wait3A_125 : memref<128x16xf32, #tpu.memory_space<vmem>>) dst(%dma_wait3A_129 : memref<10112x16xf32, #tpu.memory_space<vmem_shared>>)
        tpu.yield
      }) : () -> ()
    }
    %scan3A_34 = arith.constant 10 : i32
    %barrier3A_35 = arith.constant 0 : index
    tpu.barrier barrier_id(%barrier3A_35)
    %lt3A_36 = arith.constant 15 : i32
    %lt3A_37 = arith.cmpi slt, %arg1, %lt3A_36 : i32
    %convert_element_type3A_38 = arith.extui %lt3A_37 : i1 to i32
    %cond3A_39 = arith.constant 0 : i32
    %cond3A_40 = arith.cmpi ne, %convert_element_type3A_38, %cond3A_39 : i32
    scf.if %cond3A_40 {
      %mul3A_46 = arith.constant 632 : i32
      %mul3A_47 = arith.muli %arg1, %mul3A_46 : i32
      "tpu.region"() ({
        %run_scoped3A = tpu.sem_alloc : memref<!tpu.dma_semaphore, #tpu.memory_space<semaphore_mem>>
        %dma_start3A_50 = arith.constant 0 : i32
        %dma_start3A_51 = tpu.memref_slice %arg12[%mul3A_47, %dma_start3A_50] : memref<10112x16xf32, #tpu.memory_space<vmem_shared>> -> memref<632x16xf32, #tpu.memory_space<vmem_shared>>
        %dma_start3A_52 = arith.constant 0 : i32
        %dma_start3A_53 = tpu.memref_slice %arg12[%mul3A_47, %dma_start3A_52] : memref<10112x16xf32, #tpu.memory_space<vmem_shared>> -> memref<632x16xf32, #tpu.memory_space<vmem_shared>>
        tpu.enqueue_dma source(%dma_start3A_53 : memref<632x16xf32, #tpu.memory_space<vmem_shared>>) target(%arg10 : memref<632x16xf32, #tpu.memory_space<vmem>>) target_semaphore(%run_scoped3A : memref<!tpu.dma_semaphore, #tpu.memory_space<semaphore_mem>>)
        %dma_wait3A = arith.constant 0 : i32
        %dma_wait3A_54 = tpu.memref_slice %arg12[%mul3A_47, %dma_wait3A] : memref<10112x16xf32, #tpu.memory_space<vmem_shared>> -> memref<632x16xf32, #tpu.memory_space<vmem_shared>>
        %dma_wait3A_55 = arith.constant 0 : i32
        %dma_wait3A_56 = tpu.memref_slice %arg12[%mul3A_47, %dma_wait3A_55] : memref<10112x16xf32, #tpu.memory_space<vmem_shared>> -> memref<632x16xf32, #tpu.memory_space<vmem_shared>>
        tpu.wait_dma2 semaphore(%run_scoped3A : memref<!tpu.dma_semaphore, #tpu.memory_space<semaphore_mem>>) src(%dma_wait3A_56 : memref<632x16xf32, #tpu.memory_space<vmem_shared>>) dst(%arg10 : memref<632x16xf32, #tpu.memory_space<vmem>>)
        tpu.yield
      }) : () -> ()
      %mul3A_48 = arith.constant 632 : i32
      %mul3A_49 = arith.muli %arg1, %mul3A_48 : i32
      "tpu.region"() ({
        %run_scoped3A = tpu.sem_alloc : memref<!tpu.dma_semaphore, #tpu.memory_space<semaphore_mem>>
        %dma_start3A_50 = arith.constant 0 : i32
        %dma_start3A_51 = tpu.memref_slice %arg6[%arg0, %mul3A_49, %dma_start3A_50] : memref<2x10000x16xf32, #tpu.memory_space<hbm>> -> memref<1x632x16xf32, #tpu.memory_space<hbm>>
        %dma_start3A_52 = tpu.memref_squeeze %dma_start3A_51 : memref<1x632x16xf32, #tpu.memory_space<hbm>> -> memref<632x16xf32, #tpu.memory_space<hbm>>
        %dma_start3A_53 = arith.constant 0 : i32
        %dma_start3A_54 = tpu.memref_slice %arg6[%arg0, %mul3A_49, %dma_start3A_53] : memref<2x10000x16xf32, #tpu.memory_space<hbm>> -> memref<1x632x16xf32, #tpu.memory_space<hbm>>
        %dma_start3A_55 = tpu.memref_squeeze %dma_start3A_54 : memref<1x632x16xf32, #tpu.memory_space<hbm>> -> memref<632x16xf32, #tpu.memory_space<hbm>>
        tpu.enqueue_dma source(%arg10 : memref<632x16xf32, #tpu.memory_space<vmem>>) target(%dma_start3A_55 : memref<632x16xf32, #tpu.memory_space<hbm>>) target_semaphore(%run_scoped3A : memref<!tpu.dma_semaphore, #tpu.memory_space<semaphore_mem>>)
        %dma_wait3A = arith.constant 0 : i32
        %dma_wait3A_56 = tpu.memref_slice %arg6[%arg0, %mul3A_49, %dma_wait3A] : memref<2x10000x16xf32, #tpu.memory_space<hbm>> -> memref<1x632x16xf32, #tpu.memory_space<hbm>>
        %dma_wait3A_57 = tpu.memref_squeeze %dma_wait3A_56 : memref<1x632x16xf32, #tpu.memory_space<hbm>> -> memref<632x16xf32, #tpu.memory_space<hbm>>
        %dma_wait3A_58 = arith.constant 0 : i32
        %dma_wait3A_59 = tpu.memref_slice %arg6[%arg0, %mul3A_49, %dma_wait3A_58] : memref<2x10000x16xf32, #tpu.memory_space<hbm>> -> memref<1x632x16xf32, #tpu.memory_space<hbm>>
        %dma_wait3A_60 = tpu.memref_squeeze %dma_wait3A_59 : memref<1x632x16xf32, #tpu.memory_space<hbm>> -> memref<632x16xf32, #tpu.memory_space<hbm>>
        tpu.wait_dma2 semaphore(%run_scoped3A : memref<!tpu.dma_semaphore, #tpu.memory_space<semaphore_mem>>) src(%arg10 : memref<632x16xf32, #tpu.memory_space<vmem>>) dst(%dma_wait3A_60 : memref<632x16xf32, #tpu.memory_space<hbm>>)
        tpu.yield
      }) : () -> ()
    } else {
    }
    %eq3A_41 = arith.constant 15 : i32
    %eq3A_42 = arith.cmpi eq, %arg1, %eq3A_41 : i32
    %convert_element_type3A_43 = arith.extui %eq3A_42 : i1 to i32
    %cond3A_44 = arith.constant 0 : i32
    %cond3A_45 = arith.cmpi ne, %convert_element_type3A_43, %cond3A_44 : i32
    scf.if %cond3A_45 {
      %mul3A_46 = arith.constant 632 : i32
      %mul3A_47 = arith.muli %arg1, %mul3A_46 : i32
      "tpu.region"() ({
        %run_scoped3A = tpu.sem_alloc : memref<!tpu.dma_semaphore, #tpu.memory_space<semaphore_mem>>
        %dma_start3A_50 = arith.constant 0 : i32
        %dma_start3A_51 = arith.constant 0 : i32
        %dma_start3A_52 = tpu.memref_slice %arg10[%dma_start3A_50, %dma_start3A_51] : memref<632x16xf32, #tpu.memory_space<vmem>> -> memref<520x16xf32, #tpu.memory_space<vmem>>
        %dma_start3A_53 = arith.constant 0 : i32
        %dma_start3A_54 = tpu.memref_slice %arg12[%mul3A_47, %dma_start3A_53] : memref<10112x16xf32, #tpu.memory_space<vmem_shared>> -> memref<520x16xf32, #tpu.memory_space<vmem_shared>>
        %dma_start3A_55 = arith.constant 0 : i32
        %dma_start3A_56 = arith.constant 0 : i32
        %dma_start3A_57 = tpu.memref_slice %arg10[%dma_start3A_55, %dma_start3A_56] : memref<632x16xf32, #tpu.memory_space<vmem>> -> memref<520x16xf32, #tpu.memory_space<vmem>>
        %dma_start3A_58 = arith.constant 0 : i32
        %dma_start3A_59 = tpu.memref_slice %arg12[%mul3A_47, %dma_start3A_58] : memref<10112x16xf32, #tpu.memory_space<vmem_shared>> -> memref<520x16xf32, #tpu.memory_space<vmem_shared>>
        tpu.enqueue_dma source(%dma_start3A_59 : memref<520x16xf32, #tpu.memory_space<vmem_shared>>) target(%dma_start3A_57 : memref<520x16xf32, #tpu.memory_space<vmem>>) target_semaphore(%run_scoped3A : memref<!tpu.dma_semaphore, #tpu.memory_space<semaphore_mem>>)
        %dma_wait3A = arith.constant 0 : i32
        %dma_wait3A_60 = arith.constant 0 : i32
        %dma_wait3A_61 = tpu.memref_slice %arg10[%dma_wait3A, %dma_wait3A_60] : memref<632x16xf32, #tpu.memory_space<vmem>> -> memref<520x16xf32, #tpu.memory_space<vmem>>
        %dma_wait3A_62 = arith.constant 0 : i32
        %dma_wait3A_63 = tpu.memref_slice %arg12[%mul3A_47, %dma_wait3A_62] : memref<10112x16xf32, #tpu.memory_space<vmem_shared>> -> memref<520x16xf32, #tpu.memory_space<vmem_shared>>
        %dma_wait3A_64 = arith.constant 0 : i32
        %dma_wait3A_65 = arith.constant 0 : i32
        %dma_wait3A_66 = tpu.memref_slice %arg10[%dma_wait3A_64, %dma_wait3A_65] : memref<632x16xf32, #tpu.memory_space<vmem>> -> memref<520x16xf32, #tpu.memory_space<vmem>>
        %dma_wait3A_67 = arith.constant 0 : i32
        %dma_wait3A_68 = tpu.memref_slice %arg12[%mul3A_47, %dma_wait3A_67] : memref<10112x16xf32, #tpu.memory_space<vmem_shared>> -> memref<520x16xf32, #tpu.memory_space<vmem_shared>>
        tpu.wait_dma2 semaphore(%run_scoped3A : memref<!tpu.dma_semaphore, #tpu.memory_space<semaphore_mem>>) src(%dma_wait3A_68 : memref<520x16xf32, #tpu.memory_space<vmem_shared>>) dst(%dma_wait3A_66 : memref<520x16xf32, #tpu.memory_space<vmem>>)
        tpu.yield
      }) : () -> ()
      %mul3A_48 = arith.constant 632 : i32
      %mul3A_49 = arith.muli %arg1, %mul3A_48 : i32
      "tpu.region"() ({
        %run_scoped3A = tpu.sem_alloc : memref<!tpu.dma_semaphore, #tpu.memory_space<semaphore_mem>>
        %dma_start3A_50 = arith.constant 0 : i32
        %dma_start3A_51 = arith.constant 0 : i32
        %dma_start3A_52 = tpu.memref_slice %arg10[%dma_start3A_50, %dma_start3A_51] : memref<632x16xf32, #tpu.memory_space<vmem>> -> memref<520x16xf32, #tpu.memory_space<vmem>>
        %dma_start3A_53 = arith.constant 0 : i32
        %dma_start3A_54 = tpu.memref_slice %arg6[%arg0, %mul3A_49, %dma_start3A_53] : memref<2x10000x16xf32, #tpu.memory_space<hbm>> -> memref<1x520x16xf32, #tpu.memory_space<hbm>>
        %dma_start3A_55 = tpu.memref_squeeze %dma_start3A_54 : memref<1x520x16xf32, #tpu.memory_space<hbm>> -> memref<520x16xf32, #tpu.memory_space<hbm>>
        %dma_start3A_56 = arith.constant 0 : i32
        %dma_start3A_57 = tpu.memref_slice %arg6[%arg0, %mul3A_49, %dma_start3A_56] : memref<2x10000x16xf32, #tpu.memory_space<hbm>> -> memref<1x520x16xf32, #tpu.memory_space<hbm>>
        %dma_start3A_58 = tpu.memref_squeeze %dma_start3A_57 : memref<1x520x16xf32, #tpu.memory_space<hbm>> -> memref<520x16xf32, #tpu.memory_space<hbm>>
        %dma_start3A_59 = arith.constant 0 : i32
        %dma_start3A_60 = arith.constant 0 : i32
        %dma_start3A_61 = tpu.memref_slice %arg10[%dma_start3A_59, %dma_start3A_60] : memref<632x16xf32, #tpu.memory_space<vmem>> -> memref<520x16xf32, #tpu.memory_space<vmem>>
        tpu.enqueue_dma source(%dma_start3A_61 : memref<520x16xf32, #tpu.memory_space<vmem>>) target(%dma_start3A_58 : memref<520x16xf32, #tpu.memory_space<hbm>>) target_semaphore(%run_scoped3A : memref<!tpu.dma_semaphore, #tpu.memory_space<semaphore_mem>>)
        %dma_wait3A = arith.constant 0 : i32
        %dma_wait3A_62 = arith.constant 0 : i32
        %dma_wait3A_63 = tpu.memref_slice %arg10[%dma_wait3A, %dma_wait3A_62] : memref<632x16xf32, #tpu.memory_space<vmem>> -> memref<520x16xf32, #tpu.memory_space<vmem>>
        %dma_wait3A_64 = arith.constant 0 : i32
        %dma_wait3A_65 = tpu.memref_slice %arg6[%arg0, %mul3A_49, %dma_wait3A_64] : memref<2x10000x16xf32, #tpu.memory_space<hbm>> -> memref<1x520x16xf32, #tpu.memory_space<hbm>>
        %dma_wait3A_66 = tpu.memref_squeeze %dma_wait3A_65 : memref<1x520x16xf32, #tpu.memory_space<hbm>> -> memref<520x16xf32, #tpu.memory_space<hbm>>
        %dma_wait3A_67 = arith.constant 0 : i32
        %dma_wait3A_68 = tpu.memref_slice %arg6[%arg0, %mul3A_49, %dma_wait3A_67] : memref<2x10000x16xf32, #tpu.memory_space<hbm>> -> memref<1x520x16xf32, #tpu.memory_space<hbm>>
        %dma_wait3A_69 = tpu.memref_squeeze %dma_wait3A_68 : memref<1x520x16xf32, #tpu.memory_space<hbm>> -> memref<520x16xf32, #tpu.memory_space<hbm>>
        %dma_wait3A_70 = arith.constant 0 : i32
        %dma_wait3A_71 = arith.constant 0 : i32
        %dma_wait3A_72 = tpu.memref_slice %arg10[%dma_wait3A_70, %dma_wait3A_71] : memref<632x16xf32, #tpu.memory_space<vmem>> -> memref<520x16xf32, #tpu.memory_space<vmem>>
        tpu.wait_dma2 semaphore(%run_scoped3A : memref<!tpu.dma_semaphore, #tpu.memory_space<semaphore_mem>>) src(%dma_wait3A_72 : memref<520x16xf32, #tpu.memory_space<vmem>>) dst(%dma_wait3A_69 : memref<520x16xf32, #tpu.memory_space<hbm>>)
        tpu.yield
      }) : () -> ()
    } else {
    }
    return
  }
}

#map = affine_map<(d0, d1) -> (0)>
#map1 = affine_map<(d0, d1) -> (0, 0)>
#map2 = affine_map<(d0, d1) -> (0, 0, 0)>
module attributes {stable_mosaic.version = 14 : i64} {
  func.func @_sc_agg_body(%arg0: i32, %arg1: i32, %arg2: memref<327680xi32, #tpu.memory_space<hbm>>, %arg3: memref<327680xi32, #tpu.memory_space<hbm>>, %arg4: memref<10000x16xf32, #tpu.memory_space<hbm>>, %arg5: memref<632x16xf32, #tpu.memory_space<hbm>>, %arg6: memref<2x10000x16xf32, #tpu.memory_space<hbm>>, %arg7: memref<10240xi32, #tpu.memory_space<vmem>>, %arg8: memref<10240xi32, #tpu.memory_space<vmem>>, %arg9: memref<2x1024x16xf32, #tpu.memory_space<vmem>>, %arg10: memref<632x16xf32, #tpu.memory_space<vmem>>, %arg11: memref<!tpu.dma_semaphore, #tpu.memory_space<semaphore_mem>>, %arg12: memref<10112x16xf32, #tpu.memory_space<vmem_shared>>, %arg13: memref<10000x16xf32, #tpu.memory_space<vmem_shared>>) attributes {dimension_semantics = [#tpu.dimension_semantics<core_parallel>, #tpu.dimension_semantics<subcore_parallel>], iteration_bounds = array<i64: 2, 16>, scalar_prefetch = 0 : i64, scratch_operands = 7 : i64, tpu.core_type = #tpu.core_type<sc_vector_subcore>, window_params = [{transform_indices = #map}, {transform_indices = #map}, {transform_indices = #map1}, {transform_indices = #map1}, {transform_indices = #map2}]} {
    %mul3A = arith.constant 16 : i32
    %mul3A_0 = arith.muli %arg0, %mul3A : i32
    %add3A = arith.addi %mul3A_0, %arg1 : i32
    "tpu.region"() ({
      %run_scoped3A = tpu.sem_alloc : memref<!tpu.dma_semaphore, #tpu.memory_space<semaphore_mem>>
      tpu.enqueue_dma source(%arg5 : memref<632x16xf32, #tpu.memory_space<hbm>>) target(%arg10 : memref<632x16xf32, #tpu.memory_space<vmem>>) target_semaphore(%run_scoped3A : memref<!tpu.dma_semaphore, #tpu.memory_space<semaphore_mem>>)
      tpu.wait_dma2 semaphore(%run_scoped3A : memref<!tpu.dma_semaphore, #tpu.memory_space<semaphore_mem>>) src(%arg5 : memref<632x16xf32, #tpu.memory_space<hbm>>) dst(%arg10 : memref<632x16xf32, #tpu.memory_space<vmem>>)
      tpu.yield
    }) : () -> ()
    %lt3A = arith.constant 15 : i32
    %lt3A_1 = arith.cmpi slt, %arg1, %lt3A : i32
    %convert_element_type3A = arith.extui %lt3A_1 : i1 to i32
    %cond3A = arith.constant 0 : i32
    %cond3A_2 = arith.cmpi ne, %convert_element_type3A, %cond3A : i32
    scf.if %cond3A_2 {
      %mul3A_46 = arith.constant 632 : i32
      %mul3A_47 = arith.muli %arg1, %mul3A_46 : i32
      "tpu.region"() ({
        %run_scoped3A = tpu.sem_alloc : memref<!tpu.dma_semaphore, #tpu.memory_space<semaphore_mem>>
        %dma_start3A_48 = arith.constant 0 : i32
        %dma_start3A_49 = tpu.memref_slice %arg12[%mul3A_47, %dma_start3A_48] : memref<10112x16xf32, #tpu.memory_space<vmem_shared>> -> memref<632x16xf32, #tpu.memory_space<vmem_shared>>
        %dma_start3A_50 = arith.constant 0 : i32
        %dma_start3A_51 = tpu.memref_slice %arg12[%mul3A_47, %dma_start3A_50] : memref<10112x16xf32, #tpu.memory_space<vmem_shared>> -> memref<632x16xf32, #tpu.memory_space<vmem_shared>>
        tpu.enqueue_dma source(%arg10 : memref<632x16xf32, #tpu.memory_space<vmem>>) target(%dma_start3A_51 : memref<632x16xf32, #tpu.memory_space<vmem_shared>>) target_semaphore(%run_scoped3A : memref<!tpu.dma_semaphore, #tpu.memory_space<semaphore_mem>>)
        %dma_wait3A = arith.constant 0 : i32
        %dma_wait3A_52 = tpu.memref_slice %arg12[%mul3A_47, %dma_wait3A] : memref<10112x16xf32, #tpu.memory_space<vmem_shared>> -> memref<632x16xf32, #tpu.memory_space<vmem_shared>>
        %dma_wait3A_53 = arith.constant 0 : i32
        %dma_wait3A_54 = tpu.memref_slice %arg12[%mul3A_47, %dma_wait3A_53] : memref<10112x16xf32, #tpu.memory_space<vmem_shared>> -> memref<632x16xf32, #tpu.memory_space<vmem_shared>>
        tpu.wait_dma2 semaphore(%run_scoped3A : memref<!tpu.dma_semaphore, #tpu.memory_space<semaphore_mem>>) src(%arg10 : memref<632x16xf32, #tpu.memory_space<vmem>>) dst(%dma_wait3A_54 : memref<632x16xf32, #tpu.memory_space<vmem_shared>>)
        tpu.yield
      }) : () -> ()
    } else {
    }
    %eq3A = arith.constant 15 : i32
    %eq3A_3 = arith.cmpi eq, %arg1, %eq3A : i32
    %convert_element_type3A_4 = arith.extui %eq3A_3 : i1 to i32
    %cond3A_5 = arith.constant 0 : i32
    %cond3A_6 = arith.cmpi ne, %convert_element_type3A_4, %cond3A_5 : i32
    scf.if %cond3A_6 {
      %mul3A_46 = arith.constant 632 : i32
      %mul3A_47 = arith.muli %arg1, %mul3A_46 : i32
      "tpu.region"() ({
        %run_scoped3A = tpu.sem_alloc : memref<!tpu.dma_semaphore, #tpu.memory_space<semaphore_mem>>
        %dma_start3A_48 = arith.constant 0 : i32
        %dma_start3A_49 = arith.constant 0 : i32
        %dma_start3A_50 = tpu.memref_slice %arg10[%dma_start3A_48, %dma_start3A_49] : memref<632x16xf32, #tpu.memory_space<vmem>> -> memref<520x16xf32, #tpu.memory_space<vmem>>
        %dma_start3A_51 = arith.constant 0 : i32
        %dma_start3A_52 = tpu.memref_slice %arg12[%mul3A_47, %dma_start3A_51] : memref<10112x16xf32, #tpu.memory_space<vmem_shared>> -> memref<520x16xf32, #tpu.memory_space<vmem_shared>>
        %dma_start3A_53 = arith.constant 0 : i32
        %dma_start3A_54 = tpu.memref_slice %arg12[%mul3A_47, %dma_start3A_53] : memref<10112x16xf32, #tpu.memory_space<vmem_shared>> -> memref<520x16xf32, #tpu.memory_space<vmem_shared>>
        %dma_start3A_55 = arith.constant 0 : i32
        %dma_start3A_56 = arith.constant 0 : i32
        %dma_start3A_57 = tpu.memref_slice %arg10[%dma_start3A_55, %dma_start3A_56] : memref<632x16xf32, #tpu.memory_space<vmem>> -> memref<520x16xf32, #tpu.memory_space<vmem>>
        tpu.enqueue_dma source(%dma_start3A_57 : memref<520x16xf32, #tpu.memory_space<vmem>>) target(%dma_start3A_54 : memref<520x16xf32, #tpu.memory_space<vmem_shared>>) target_semaphore(%run_scoped3A : memref<!tpu.dma_semaphore, #tpu.memory_space<semaphore_mem>>)
        %dma_wait3A = arith.constant 0 : i32
        %dma_wait3A_58 = arith.constant 0 : i32
        %dma_wait3A_59 = tpu.memref_slice %arg10[%dma_wait3A, %dma_wait3A_58] : memref<632x16xf32, #tpu.memory_space<vmem>> -> memref<520x16xf32, #tpu.memory_space<vmem>>
        %dma_wait3A_60 = arith.constant 0 : i32
        %dma_wait3A_61 = tpu.memref_slice %arg12[%mul3A_47, %dma_wait3A_60] : memref<10112x16xf32, #tpu.memory_space<vmem_shared>> -> memref<520x16xf32, #tpu.memory_space<vmem_shared>>
        %dma_wait3A_62 = arith.constant 0 : i32
        %dma_wait3A_63 = tpu.memref_slice %arg12[%mul3A_47, %dma_wait3A_62] : memref<10112x16xf32, #tpu.memory_space<vmem_shared>> -> memref<520x16xf32, #tpu.memory_space<vmem_shared>>
        %dma_wait3A_64 = arith.constant 0 : i32
        %dma_wait3A_65 = arith.constant 0 : i32
        %dma_wait3A_66 = tpu.memref_slice %arg10[%dma_wait3A_64, %dma_wait3A_65] : memref<632x16xf32, #tpu.memory_space<vmem>> -> memref<520x16xf32, #tpu.memory_space<vmem>>
        tpu.wait_dma2 semaphore(%run_scoped3A : memref<!tpu.dma_semaphore, #tpu.memory_space<semaphore_mem>>) src(%dma_wait3A_66 : memref<520x16xf32, #tpu.memory_space<vmem>>) dst(%dma_wait3A_63 : memref<520x16xf32, #tpu.memory_space<vmem_shared>>)
        tpu.yield
      }) : () -> ()
    } else {
    }
    %lt3A_7 = arith.constant 15 : i32
    %lt3A_8 = arith.cmpi slt, %arg1, %lt3A_7 : i32
    %convert_element_type3A_9 = arith.extui %lt3A_8 : i1 to i32
    %cond3A_10 = arith.constant 0 : i32
    %cond3A_11 = arith.cmpi ne, %convert_element_type3A_9, %cond3A_10 : i32
    scf.if %cond3A_11 {
      %mul3A_46 = arith.constant 632 : i32
      %mul3A_47 = arith.muli %arg1, %mul3A_46 : i32
      "tpu.region"() ({
        %run_scoped3A = tpu.sem_alloc : memref<!tpu.dma_semaphore, #tpu.memory_space<semaphore_mem>>
        %dma_start3A_50 = arith.constant 0 : i32
        %dma_start3A_51 = tpu.memref_slice %arg4[%mul3A_47, %dma_start3A_50] : memref<10000x16xf32, #tpu.memory_space<hbm>> -> memref<632x16xf32, #tpu.memory_space<hbm>>
        %dma_start3A_52 = arith.constant 0 : i32
        %dma_start3A_53 = tpu.memref_slice %arg4[%mul3A_47, %dma_start3A_52] : memref<10000x16xf32, #tpu.memory_space<hbm>> -> memref<632x16xf32, #tpu.memory_space<hbm>>
        tpu.enqueue_dma source(%dma_start3A_53 : memref<632x16xf32, #tpu.memory_space<hbm>>) target(%arg10 : memref<632x16xf32, #tpu.memory_space<vmem>>) target_semaphore(%run_scoped3A : memref<!tpu.dma_semaphore, #tpu.memory_space<semaphore_mem>>)
        %dma_wait3A = arith.constant 0 : i32
        %dma_wait3A_54 = tpu.memref_slice %arg4[%mul3A_47, %dma_wait3A] : memref<10000x16xf32, #tpu.memory_space<hbm>> -> memref<632x16xf32, #tpu.memory_space<hbm>>
        %dma_wait3A_55 = arith.constant 0 : i32
        %dma_wait3A_56 = tpu.memref_slice %arg4[%mul3A_47, %dma_wait3A_55] : memref<10000x16xf32, #tpu.memory_space<hbm>> -> memref<632x16xf32, #tpu.memory_space<hbm>>
        tpu.wait_dma2 semaphore(%run_scoped3A : memref<!tpu.dma_semaphore, #tpu.memory_space<semaphore_mem>>) src(%dma_wait3A_56 : memref<632x16xf32, #tpu.memory_space<hbm>>) dst(%arg10 : memref<632x16xf32, #tpu.memory_space<vmem>>)
        tpu.yield
      }) : () -> ()
      %mul3A_48 = arith.constant 632 : i32
      %mul3A_49 = arith.muli %arg1, %mul3A_48 : i32
      "tpu.region"() ({
        %run_scoped3A = tpu.sem_alloc : memref<!tpu.dma_semaphore, #tpu.memory_space<semaphore_mem>>
        %dma_start3A_50 = arith.constant 0 : i32
        %dma_start3A_51 = tpu.memref_slice %arg13[%mul3A_49, %dma_start3A_50] : memref<10000x16xf32, #tpu.memory_space<vmem_shared>> -> memref<632x16xf32, #tpu.memory_space<vmem_shared>>
        %dma_start3A_52 = arith.constant 0 : i32
        %dma_start3A_53 = tpu.memref_slice %arg13[%mul3A_49, %dma_start3A_52] : memref<10000x16xf32, #tpu.memory_space<vmem_shared>> -> memref<632x16xf32, #tpu.memory_space<vmem_shared>>
        tpu.enqueue_dma source(%arg10 : memref<632x16xf32, #tpu.memory_space<vmem>>) target(%dma_start3A_53 : memref<632x16xf32, #tpu.memory_space<vmem_shared>>) target_semaphore(%run_scoped3A : memref<!tpu.dma_semaphore, #tpu.memory_space<semaphore_mem>>)
        %dma_wait3A = arith.constant 0 : i32
        %dma_wait3A_54 = tpu.memref_slice %arg13[%mul3A_49, %dma_wait3A] : memref<10000x16xf32, #tpu.memory_space<vmem_shared>> -> memref<632x16xf32, #tpu.memory_space<vmem_shared>>
        %dma_wait3A_55 = arith.constant 0 : i32
        %dma_wait3A_56 = tpu.memref_slice %arg13[%mul3A_49, %dma_wait3A_55] : memref<10000x16xf32, #tpu.memory_space<vmem_shared>> -> memref<632x16xf32, #tpu.memory_space<vmem_shared>>
        tpu.wait_dma2 semaphore(%run_scoped3A : memref<!tpu.dma_semaphore, #tpu.memory_space<semaphore_mem>>) src(%arg10 : memref<632x16xf32, #tpu.memory_space<vmem>>) dst(%dma_wait3A_56 : memref<632x16xf32, #tpu.memory_space<vmem_shared>>)
        tpu.yield
      }) : () -> ()
    } else {
    }
    %eq3A_12 = arith.constant 15 : i32
    %eq3A_13 = arith.cmpi eq, %arg1, %eq3A_12 : i32
    %convert_element_type3A_14 = arith.extui %eq3A_13 : i1 to i32
    %cond3A_15 = arith.constant 0 : i32
    %cond3A_16 = arith.cmpi ne, %convert_element_type3A_14, %cond3A_15 : i32
    scf.if %cond3A_16 {
      %mul3A_46 = arith.constant 632 : i32
      %mul3A_47 = arith.muli %arg1, %mul3A_46 : i32
      "tpu.region"() ({
        %run_scoped3A = tpu.sem_alloc : memref<!tpu.dma_semaphore, #tpu.memory_space<semaphore_mem>>
        %dma_start3A_50 = arith.constant 0 : i32
        %dma_start3A_51 = arith.constant 0 : i32
        %dma_start3A_52 = tpu.memref_slice %arg10[%dma_start3A_50, %dma_start3A_51] : memref<632x16xf32, #tpu.memory_space<vmem>> -> memref<520x16xf32, #tpu.memory_space<vmem>>
        %dma_start3A_53 = arith.constant 0 : i32
        %dma_start3A_54 = tpu.memref_slice %arg4[%mul3A_47, %dma_start3A_53] : memref<10000x16xf32, #tpu.memory_space<hbm>> -> memref<520x16xf32, #tpu.memory_space<hbm>>
        %dma_start3A_55 = arith.constant 0 : i32
        %dma_start3A_56 = arith.constant 0 : i32
        %dma_start3A_57 = tpu.memref_slice %arg10[%dma_start3A_55, %dma_start3A_56] : memref<632x16xf32, #tpu.memory_space<vmem>> -> memref<520x16xf32, #tpu.memory_space<vmem>>
        %dma_start3A_58 = arith.constant 0 : i32
        %dma_start3A_59 = tpu.memref_slice %arg4[%mul3A_47, %dma_start3A_58] : memref<10000x16xf32, #tpu.memory_space<hbm>> -> memref<520x16xf32, #tpu.memory_space<hbm>>
        tpu.enqueue_dma source(%dma_start3A_59 : memref<520x16xf32, #tpu.memory_space<hbm>>) target(%dma_start3A_57 : memref<520x16xf32, #tpu.memory_space<vmem>>) target_semaphore(%run_scoped3A : memref<!tpu.dma_semaphore, #tpu.memory_space<semaphore_mem>>)
        %dma_wait3A = arith.constant 0 : i32
        %dma_wait3A_60 = arith.constant 0 : i32
        %dma_wait3A_61 = tpu.memref_slice %arg10[%dma_wait3A, %dma_wait3A_60] : memref<632x16xf32, #tpu.memory_space<vmem>> -> memref<520x16xf32, #tpu.memory_space<vmem>>
        %dma_wait3A_62 = arith.constant 0 : i32
        %dma_wait3A_63 = tpu.memref_slice %arg4[%mul3A_47, %dma_wait3A_62] : memref<10000x16xf32, #tpu.memory_space<hbm>> -> memref<520x16xf32, #tpu.memory_space<hbm>>
        %dma_wait3A_64 = arith.constant 0 : i32
        %dma_wait3A_65 = arith.constant 0 : i32
        %dma_wait3A_66 = tpu.memref_slice %arg10[%dma_wait3A_64, %dma_wait3A_65] : memref<632x16xf32, #tpu.memory_space<vmem>> -> memref<520x16xf32, #tpu.memory_space<vmem>>
        %dma_wait3A_67 = arith.constant 0 : i32
        %dma_wait3A_68 = tpu.memref_slice %arg4[%mul3A_47, %dma_wait3A_67] : memref<10000x16xf32, #tpu.memory_space<hbm>> -> memref<520x16xf32, #tpu.memory_space<hbm>>
        tpu.wait_dma2 semaphore(%run_scoped3A : memref<!tpu.dma_semaphore, #tpu.memory_space<semaphore_mem>>) src(%dma_wait3A_68 : memref<520x16xf32, #tpu.memory_space<hbm>>) dst(%dma_wait3A_66 : memref<520x16xf32, #tpu.memory_space<vmem>>)
        tpu.yield
      }) : () -> ()
      %mul3A_48 = arith.constant 632 : i32
      %mul3A_49 = arith.muli %arg1, %mul3A_48 : i32
      "tpu.region"() ({
        %run_scoped3A = tpu.sem_alloc : memref<!tpu.dma_semaphore, #tpu.memory_space<semaphore_mem>>
        %dma_start3A_50 = arith.constant 0 : i32
        %dma_start3A_51 = arith.constant 0 : i32
        %dma_start3A_52 = tpu.memref_slice %arg10[%dma_start3A_50, %dma_start3A_51] : memref<632x16xf32, #tpu.memory_space<vmem>> -> memref<520x16xf32, #tpu.memory_space<vmem>>
        %dma_start3A_53 = arith.constant 0 : i32
        %dma_start3A_54 = tpu.memref_slice %arg13[%mul3A_49, %dma_start3A_53] : memref<10000x16xf32, #tpu.memory_space<vmem_shared>> -> memref<520x16xf32, #tpu.memory_space<vmem_shared>>
        %dma_start3A_55 = arith.constant 0 : i32
        %dma_start3A_56 = tpu.memref_slice %arg13[%mul3A_49, %dma_start3A_55] : memref<10000x16xf32, #tpu.memory_space<vmem_shared>> -> memref<520x16xf32, #tpu.memory_space<vmem_shared>>
        %dma_start3A_57 = arith.constant 0 : i32
        %dma_start3A_58 = arith.constant 0 : i32
        %dma_start3A_59 = tpu.memref_slice %arg10[%dma_start3A_57, %dma_start3A_58] : memref<632x16xf32, #tpu.memory_space<vmem>> -> memref<520x16xf32, #tpu.memory_space<vmem>>
        tpu.enqueue_dma source(%dma_start3A_59 : memref<520x16xf32, #tpu.memory_space<vmem>>) target(%dma_start3A_56 : memref<520x16xf32, #tpu.memory_space<vmem_shared>>) target_semaphore(%run_scoped3A : memref<!tpu.dma_semaphore, #tpu.memory_space<semaphore_mem>>)
        %dma_wait3A = arith.constant 0 : i32
        %dma_wait3A_60 = arith.constant 0 : i32
        %dma_wait3A_61 = tpu.memref_slice %arg10[%dma_wait3A, %dma_wait3A_60] : memref<632x16xf32, #tpu.memory_space<vmem>> -> memref<520x16xf32, #tpu.memory_space<vmem>>
        %dma_wait3A_62 = arith.constant 0 : i32
        %dma_wait3A_63 = tpu.memref_slice %arg13[%mul3A_49, %dma_wait3A_62] : memref<10000x16xf32, #tpu.memory_space<vmem_shared>> -> memref<520x16xf32, #tpu.memory_space<vmem_shared>>
        %dma_wait3A_64 = arith.constant 0 : i32
        %dma_wait3A_65 = tpu.memref_slice %arg13[%mul3A_49, %dma_wait3A_64] : memref<10000x16xf32, #tpu.memory_space<vmem_shared>> -> memref<520x16xf32, #tpu.memory_space<vmem_shared>>
        %dma_wait3A_66 = arith.constant 0 : i32
        %dma_wait3A_67 = arith.constant 0 : i32
        %dma_wait3A_68 = tpu.memref_slice %arg10[%dma_wait3A_66, %dma_wait3A_67] : memref<632x16xf32, #tpu.memory_space<vmem>> -> memref<520x16xf32, #tpu.memory_space<vmem>>
        tpu.wait_dma2 semaphore(%run_scoped3A : memref<!tpu.dma_semaphore, #tpu.memory_space<semaphore_mem>>) src(%dma_wait3A_68 : memref<520x16xf32, #tpu.memory_space<vmem>>) dst(%dma_wait3A_65 : memref<520x16xf32, #tpu.memory_space<vmem_shared>>)
        tpu.yield
      }) : () -> ()
    } else {
    }
    %mul3A_17 = arith.constant 10240 : i32
    %mul3A_18 = arith.muli %add3A, %mul3A_17 : i32
    "tpu.region"() ({
      %run_scoped3A = tpu.sem_alloc : memref<!tpu.dma_semaphore, #tpu.memory_space<semaphore_mem>>
      %dma_start3A_46 = tpu.memref_slice %arg2[%mul3A_18] : memref<327680xi32, #tpu.memory_space<hbm>> -> memref<10240xi32, #tpu.memory_space<hbm>>
      %dma_start3A_47 = tpu.memref_slice %arg2[%mul3A_18] : memref<327680xi32, #tpu.memory_space<hbm>> -> memref<10240xi32, #tpu.memory_space<hbm>>
      tpu.enqueue_dma source(%dma_start3A_47 : memref<10240xi32, #tpu.memory_space<hbm>>) target(%arg7 : memref<10240xi32, #tpu.memory_space<vmem>>) target_semaphore(%run_scoped3A : memref<!tpu.dma_semaphore, #tpu.memory_space<semaphore_mem>>)
      %dma_wait3A = tpu.memref_slice %arg2[%mul3A_18] : memref<327680xi32, #tpu.memory_space<hbm>> -> memref<10240xi32, #tpu.memory_space<hbm>>
      %dma_wait3A_48 = tpu.memref_slice %arg2[%mul3A_18] : memref<327680xi32, #tpu.memory_space<hbm>> -> memref<10240xi32, #tpu.memory_space<hbm>>
      tpu.wait_dma2 semaphore(%run_scoped3A : memref<!tpu.dma_semaphore, #tpu.memory_space<semaphore_mem>>) src(%dma_wait3A_48 : memref<10240xi32, #tpu.memory_space<hbm>>) dst(%arg7 : memref<10240xi32, #tpu.memory_space<vmem>>)
      tpu.yield
    }) : () -> ()
    %mul3A_19 = arith.constant 10240 : i32
    %mul3A_20 = arith.muli %add3A, %mul3A_19 : i32
    "tpu.region"() ({
      %run_scoped3A = tpu.sem_alloc : memref<!tpu.dma_semaphore, #tpu.memory_space<semaphore_mem>>
      %dma_start3A_46 = tpu.memref_slice %arg3[%mul3A_20] : memref<327680xi32, #tpu.memory_space<hbm>> -> memref<10240xi32, #tpu.memory_space<hbm>>
      %dma_start3A_47 = tpu.memref_slice %arg3[%mul3A_20] : memref<327680xi32, #tpu.memory_space<hbm>> -> memref<10240xi32, #tpu.memory_space<hbm>>
      tpu.enqueue_dma source(%dma_start3A_47 : memref<10240xi32, #tpu.memory_space<hbm>>) target(%arg8 : memref<10240xi32, #tpu.memory_space<vmem>>) target_semaphore(%run_scoped3A : memref<!tpu.dma_semaphore, #tpu.memory_space<semaphore_mem>>)
      %dma_wait3A = tpu.memref_slice %arg3[%mul3A_20] : memref<327680xi32, #tpu.memory_space<hbm>> -> memref<10240xi32, #tpu.memory_space<hbm>>
      %dma_wait3A_48 = tpu.memref_slice %arg3[%mul3A_20] : memref<327680xi32, #tpu.memory_space<hbm>> -> memref<10240xi32, #tpu.memory_space<hbm>>
      tpu.wait_dma2 semaphore(%run_scoped3A : memref<!tpu.dma_semaphore, #tpu.memory_space<semaphore_mem>>) src(%dma_wait3A_48 : memref<10240xi32, #tpu.memory_space<hbm>>) dst(%arg8 : memref<10240xi32, #tpu.memory_space<vmem>>)
      tpu.yield
    }) : () -> ()
    %barrier3A = arith.constant 0 : index
    tpu.barrier barrier_id(%barrier3A)
    %dma_start3A = arith.constant 0 : i32
    %dma_start3A_21 = arith.constant 0 : i32
    %dma_start3A_22 = arith.constant 0 : i32
    %dma_start3A_23 = tpu.memref_slice %arg9[%dma_start3A, %dma_start3A_21, %dma_start3A_22] : memref<2x1024x16xf32, #tpu.memory_space<vmem>> -> memref<1x1024x16xf32, #tpu.memory_space<vmem>>
    %dma_start3A_24 = tpu.memref_squeeze %dma_start3A_23 : memref<1x1024x16xf32, #tpu.memory_space<vmem>> -> memref<1024x16xf32, #tpu.memory_space<vmem>>
    %dma_start3A_25 = arith.constant 0 : i32
    %dma_start3A_26 = tpu.memref_slice %arg7[%dma_start3A_25] : memref<10240xi32, #tpu.memory_space<vmem>> -> memref<1024xi32, #tpu.memory_space<vmem>>
    %dma_start3A_27 = arith.constant 0 : i32
    %dma_start3A_28 = arith.constant 0 : i32
    %dma_start3A_29 = tpu.memref_slice %arg13[%dma_start3A_27, %dma_start3A_28] : memref<10000x16xf32, #tpu.memory_space<vmem_shared>> -> memref<10000x16xf32, #tpu.memory_space<vmem_shared>>
    tpu.enqueue_indirect_dma source(%dma_start3A_29 : memref<10000x16xf32, #tpu.memory_space<vmem_shared>>) target(%dma_start3A_24 : memref<1024x16xf32, #tpu.memory_space<vmem>>) offsets(%dma_start3A_26 : memref<1024xi32, #tpu.memory_space<vmem>>) semaphore(%arg11 : memref<!tpu.dma_semaphore, #tpu.memory_space<semaphore_mem>>)
    %scan3A = arith.constant 0 : i32
    %scan3A_30 = arith.constant 0 : i32
    %scan3A_31 = arith.constant 10 : i32
    %scan3A_32 = arith.addi %scan3A_30, %scan3A_31 : i32
    %scan3A_33 = arith.constant 1 : i32
    scf.for %scan3A_46 = %scan3A_30 to %scan3A_32 step %scan3A_33  : i32 {
      %rem3A = arith.constant 2 : i32
      %rem3A_47 = arith.remsi %scan3A_46, %rem3A : i32
      %lt3A_48 = arith.constant 9 : i32
      %lt3A_49 = arith.cmpi slt, %scan3A_46, %lt3A_48 : i32
      %convert_element_type3A_50 = arith.extui %lt3A_49 : i1 to i32
      %cond3A_51 = arith.constant 0 : i32
      %cond3A_52 = arith.cmpi ne, %convert_element_type3A_50, %cond3A_51 : i32
      scf.if %cond3A_52 {
        %add3A_114 = arith.constant 1 : i32
        %add3A_115 = arith.addi %scan3A_46, %add3A_114 : i32
        %sub3A = arith.constant 1 : i32
        %sub3A_116 = arith.subi %sub3A, %rem3A_47 : i32
        %mul3A_117 = arith.constant 1024 : i32
        %mul3A_118 = arith.muli %add3A_115, %mul3A_117 : i32
        %dma_start3A_119 = arith.constant 0 : i32
        %dma_start3A_120 = arith.constant 0 : i32
        %dma_start3A_121 = tpu.memref_slice %arg9[%sub3A_116, %dma_start3A_119, %dma_start3A_120] : memref<2x1024x16xf32, #tpu.memory_space<vmem>> -> memref<1x1024x16xf32, #tpu.memory_space<vmem>>
        %dma_start3A_122 = tpu.memref_squeeze %dma_start3A_121 : memref<1x1024x16xf32, #tpu.memory_space<vmem>> -> memref<1024x16xf32, #tpu.memory_space<vmem>>
        %dma_start3A_123 = tpu.memref_slice %arg7[%mul3A_118] : memref<10240xi32, #tpu.memory_space<vmem>> -> memref<1024xi32, #tpu.memory_space<vmem>>
        %dma_start3A_124 = arith.constant 0 : i32
        %dma_start3A_125 = arith.constant 0 : i32
        %dma_start3A_126 = tpu.memref_slice %arg13[%dma_start3A_124, %dma_start3A_125] : memref<10000x16xf32, #tpu.memory_space<vmem_shared>> -> memref<10000x16xf32, #tpu.memory_space<vmem_shared>>
        tpu.enqueue_indirect_dma source(%dma_start3A_126 : memref<10000x16xf32, #tpu.memory_space<vmem_shared>>) target(%dma_start3A_122 : memref<1024x16xf32, #tpu.memory_space<vmem>>) offsets(%dma_start3A_123 : memref<1024xi32, #tpu.memory_space<vmem>>) semaphore(%arg11 : memref<!tpu.dma_semaphore, #tpu.memory_space<semaphore_mem>>)
      } else {
      }
      %dma_wait3A = arith.constant 0 : i32
      %dma_wait3A_53 = arith.constant 0 : i32
      %dma_wait3A_54 = tpu.memref_slice %arg9[%rem3A_47, %dma_wait3A, %dma_wait3A_53] : memref<2x1024x16xf32, #tpu.memory_space<vmem>> -> memref<1x1024x16xf32, #tpu.memory_space<vmem>>
      %dma_wait3A_55 = tpu.memref_squeeze %dma_wait3A_54 : memref<1x1024x16xf32, #tpu.memory_space<vmem>> -> memref<1024x16xf32, #tpu.memory_space<vmem>>
      %dma_wait3A_56 = arith.constant 0 : i32
      %dma_wait3A_57 = arith.constant 0 : i32
      %dma_wait3A_58 = tpu.memref_slice %arg4[%dma_wait3A_56, %dma_wait3A_57] : memref<10000x16xf32, #tpu.memory_space<hbm>> -> memref<1024x16xf32, #tpu.memory_space<hbm>>
      %dma_wait3A_59 = arith.constant 0 : i32
      %dma_wait3A_60 = arith.constant 0 : i32
      %dma_wait3A_61 = tpu.memref_slice %arg9[%rem3A_47, %dma_wait3A_59, %dma_wait3A_60] : memref<2x1024x16xf32, #tpu.memory_space<vmem>> -> memref<1x1024x16xf32, #tpu.memory_space<vmem>>
      %dma_wait3A_62 = tpu.memref_squeeze %dma_wait3A_61 : memref<1x1024x16xf32, #tpu.memory_space<vmem>> -> memref<1024x16xf32, #tpu.memory_space<vmem>>
      %dma_wait3A_63 = arith.constant 0 : i32
      %dma_wait3A_64 = arith.constant 0 : i32
      %dma_wait3A_65 = tpu.memref_slice %arg4[%dma_wait3A_63, %dma_wait3A_64] : memref<10000x16xf32, #tpu.memory_space<hbm>> -> memref<1024x16xf32, #tpu.memory_space<hbm>>
      tpu.wait_dma2 semaphore(%arg11 : memref<!tpu.dma_semaphore, #tpu.memory_space<semaphore_mem>>) src(%dma_wait3A_65 : memref<1024x16xf32, #tpu.memory_space<hbm>>) dst(%dma_wait3A_62 : memref<1024x16xf32, #tpu.memory_space<vmem>>)
      %mul3A_66 = arith.constant 8 : i32
      %mul3A_67 = arith.muli %scan3A_46, %mul3A_66 : i32
      %add3A_68 = arith.constant 0 : i32
      %add3A_69 = arith.addi %mul3A_67, %add3A_68 : i32
      %mul3A_70 = arith.constant 128 : i32
      %mul3A_71 = arith.muli %add3A_69, %mul3A_70 : i32
      "tpu.region"() ({
        %run_scoped3A = tpu.sem_alloc : memref<!tpu.dma_semaphore, #tpu.memory_space<semaphore_mem>>
        %dma_start3A_114 = arith.constant 0 : i32
        %dma_start3A_115 = arith.constant 0 : i32
        %dma_start3A_116 = tpu.memref_slice %arg9[%rem3A_47, %dma_start3A_114, %dma_start3A_115] : memref<2x1024x16xf32, #tpu.memory_space<vmem>> -> memref<1x128x16xf32, #tpu.memory_space<vmem>>
        %dma_start3A_117 = tpu.memref_squeeze %dma_start3A_116 : memref<1x128x16xf32, #tpu.memory_space<vmem>> -> memref<128x16xf32, #tpu.memory_space<vmem>>
        %dma_start3A_118 = tpu.memref_slice %arg8[%mul3A_71] : memref<10240xi32, #tpu.memory_space<vmem>> -> memref<128xi32, #tpu.memory_space<vmem>>
        %dma_start3A_119 = arith.constant 0 : i32
        %dma_start3A_120 = arith.constant 0 : i32
        %dma_start3A_121 = tpu.memref_slice %arg12[%dma_start3A_119, %dma_start3A_120] : memref<10112x16xf32, #tpu.memory_space<vmem_shared>> -> memref<10112x16xf32, #tpu.memory_space<vmem_shared>>
        tpu.enqueue_indirect_dma source(%dma_start3A_117 : memref<128x16xf32, #tpu.memory_space<vmem>>) target(%dma_start3A_121 : memref<10112x16xf32, #tpu.memory_space<vmem_shared>>) offsets(%dma_start3A_118 : memref<128xi32, #tpu.memory_space<vmem>>) semaphore(%run_scoped3A : memref<!tpu.dma_semaphore, #tpu.memory_space<semaphore_mem>>) {add = true}
        %dma_wait3A_122 = arith.constant 0 : i32
        %dma_wait3A_123 = arith.constant 0 : i32
        %dma_wait3A_124 = tpu.memref_slice %arg9[%rem3A_47, %dma_wait3A_122, %dma_wait3A_123] : memref<2x1024x16xf32, #tpu.memory_space<vmem>> -> memref<1x128x16xf32, #tpu.memory_space<vmem>>
        %dma_wait3A_125 = tpu.memref_squeeze %dma_wait3A_124 : memref<1x128x16xf32, #tpu.memory_space<vmem>> -> memref<128x16xf32, #tpu.memory_space<vmem>>
        %dma_wait3A_126 = tpu.memref_slice %arg8[%mul3A_71] : memref<10240xi32, #tpu.memory_space<vmem>> -> memref<128xi32, #tpu.memory_space<vmem>>
        %dma_wait3A_127 = arith.constant 0 : i32
        %dma_wait3A_128 = arith.constant 0 : i32
        %dma_wait3A_129 = tpu.memref_slice %arg12[%dma_wait3A_127, %dma_wait3A_128] : memref<10112x16xf32, #tpu.memory_space<vmem_shared>> -> memref<10112x16xf32, #tpu.memory_space<vmem_shared>>
        tpu.wait_indirect_dma semaphore(%run_scoped3A : memref<!tpu.dma_semaphore, #tpu.memory_space<semaphore_mem>>) src(%dma_wait3A_125 : memref<128x16xf32, #tpu.memory_space<vmem>>) dst(%dma_wait3A_129 : memref<10112x16xf32, #tpu.memory_space<vmem_shared>>)
        tpu.yield
      }) : () -> ()
      %mul3A_72 = arith.constant 8 : i32
      %mul3A_73 = arith.muli %scan3A_46, %mul3A_72 : i32
      %add3A_74 = arith.constant 1 : i32
      %add3A_75 = arith.addi %mul3A_73, %add3A_74 : i32
      %mul3A_76 = arith.constant 128 : i32
      %mul3A_77 = arith.muli %add3A_75, %mul3A_76 : i32
      "tpu.region"() ({
        %run_scoped3A = tpu.sem_alloc : memref<!tpu.dma_semaphore, #tpu.memory_space<semaphore_mem>>
        %dma_start3A_114 = arith.constant 128 : i32
        %dma_start3A_115 = arith.constant 0 : i32
        %dma_start3A_116 = tpu.memref_slice %arg9[%rem3A_47, %dma_start3A_114, %dma_start3A_115] : memref<2x1024x16xf32, #tpu.memory_space<vmem>> -> memref<1x128x16xf32, #tpu.memory_space<vmem>>
        %dma_start3A_117 = tpu.memref_squeeze %dma_start3A_116 : memref<1x128x16xf32, #tpu.memory_space<vmem>> -> memref<128x16xf32, #tpu.memory_space<vmem>>
        %dma_start3A_118 = tpu.memref_slice %arg8[%mul3A_77] : memref<10240xi32, #tpu.memory_space<vmem>> -> memref<128xi32, #tpu.memory_space<vmem>>
        %dma_start3A_119 = arith.constant 0 : i32
        %dma_start3A_120 = arith.constant 0 : i32
        %dma_start3A_121 = tpu.memref_slice %arg12[%dma_start3A_119, %dma_start3A_120] : memref<10112x16xf32, #tpu.memory_space<vmem_shared>> -> memref<10112x16xf32, #tpu.memory_space<vmem_shared>>
        tpu.enqueue_indirect_dma source(%dma_start3A_117 : memref<128x16xf32, #tpu.memory_space<vmem>>) target(%dma_start3A_121 : memref<10112x16xf32, #tpu.memory_space<vmem_shared>>) offsets(%dma_start3A_118 : memref<128xi32, #tpu.memory_space<vmem>>) semaphore(%run_scoped3A : memref<!tpu.dma_semaphore, #tpu.memory_space<semaphore_mem>>) {add = true}
        %dma_wait3A_122 = arith.constant 128 : i32
        %dma_wait3A_123 = arith.constant 0 : i32
        %dma_wait3A_124 = tpu.memref_slice %arg9[%rem3A_47, %dma_wait3A_122, %dma_wait3A_123] : memref<2x1024x16xf32, #tpu.memory_space<vmem>> -> memref<1x128x16xf32, #tpu.memory_space<vmem>>
        %dma_wait3A_125 = tpu.memref_squeeze %dma_wait3A_124 : memref<1x128x16xf32, #tpu.memory_space<vmem>> -> memref<128x16xf32, #tpu.memory_space<vmem>>
        %dma_wait3A_126 = tpu.memref_slice %arg8[%mul3A_77] : memref<10240xi32, #tpu.memory_space<vmem>> -> memref<128xi32, #tpu.memory_space<vmem>>
        %dma_wait3A_127 = arith.constant 0 : i32
        %dma_wait3A_128 = arith.constant 0 : i32
        %dma_wait3A_129 = tpu.memref_slice %arg12[%dma_wait3A_127, %dma_wait3A_128] : memref<10112x16xf32, #tpu.memory_space<vmem_shared>> -> memref<10112x16xf32, #tpu.memory_space<vmem_shared>>
        tpu.wait_indirect_dma semaphore(%run_scoped3A : memref<!tpu.dma_semaphore, #tpu.memory_space<semaphore_mem>>) src(%dma_wait3A_125 : memref<128x16xf32, #tpu.memory_space<vmem>>) dst(%dma_wait3A_129 : memref<10112x16xf32, #tpu.memory_space<vmem_shared>>)
        tpu.yield
      }) : () -> ()
      %mul3A_78 = arith.constant 8 : i32
      %mul3A_79 = arith.muli %scan3A_46, %mul3A_78 : i32
      %add3A_80 = arith.constant 2 : i32
      %add3A_81 = arith.addi %mul3A_79, %add3A_80 : i32
      %mul3A_82 = arith.constant 128 : i32
      %mul3A_83 = arith.muli %add3A_81, %mul3A_82 : i32
      "tpu.region"() ({
        %run_scoped3A = tpu.sem_alloc : memref<!tpu.dma_semaphore, #tpu.memory_space<semaphore_mem>>
        %dma_start3A_114 = arith.constant 256 : i32
        %dma_start3A_115 = arith.constant 0 : i32
        %dma_start3A_116 = tpu.memref_slice %arg9[%rem3A_47, %dma_start3A_114, %dma_start3A_115] : memref<2x1024x16xf32, #tpu.memory_space<vmem>> -> memref<1x128x16xf32, #tpu.memory_space<vmem>>
        %dma_start3A_117 = tpu.memref_squeeze %dma_start3A_116 : memref<1x128x16xf32, #tpu.memory_space<vmem>> -> memref<128x16xf32, #tpu.memory_space<vmem>>
        %dma_start3A_118 = tpu.memref_slice %arg8[%mul3A_83] : memref<10240xi32, #tpu.memory_space<vmem>> -> memref<128xi32, #tpu.memory_space<vmem>>
        %dma_start3A_119 = arith.constant 0 : i32
        %dma_start3A_120 = arith.constant 0 : i32
        %dma_start3A_121 = tpu.memref_slice %arg12[%dma_start3A_119, %dma_start3A_120] : memref<10112x16xf32, #tpu.memory_space<vmem_shared>> -> memref<10112x16xf32, #tpu.memory_space<vmem_shared>>
        tpu.enqueue_indirect_dma source(%dma_start3A_117 : memref<128x16xf32, #tpu.memory_space<vmem>>) target(%dma_start3A_121 : memref<10112x16xf32, #tpu.memory_space<vmem_shared>>) offsets(%dma_start3A_118 : memref<128xi32, #tpu.memory_space<vmem>>) semaphore(%run_scoped3A : memref<!tpu.dma_semaphore, #tpu.memory_space<semaphore_mem>>) {add = true}
        %dma_wait3A_122 = arith.constant 256 : i32
        %dma_wait3A_123 = arith.constant 0 : i32
        %dma_wait3A_124 = tpu.memref_slice %arg9[%rem3A_47, %dma_wait3A_122, %dma_wait3A_123] : memref<2x1024x16xf32, #tpu.memory_space<vmem>> -> memref<1x128x16xf32, #tpu.memory_space<vmem>>
        %dma_wait3A_125 = tpu.memref_squeeze %dma_wait3A_124 : memref<1x128x16xf32, #tpu.memory_space<vmem>> -> memref<128x16xf32, #tpu.memory_space<vmem>>
        %dma_wait3A_126 = tpu.memref_slice %arg8[%mul3A_83] : memref<10240xi32, #tpu.memory_space<vmem>> -> memref<128xi32, #tpu.memory_space<vmem>>
        %dma_wait3A_127 = arith.constant 0 : i32
        %dma_wait3A_128 = arith.constant 0 : i32
        %dma_wait3A_129 = tpu.memref_slice %arg12[%dma_wait3A_127, %dma_wait3A_128] : memref<10112x16xf32, #tpu.memory_space<vmem_shared>> -> memref<10112x16xf32, #tpu.memory_space<vmem_shared>>
        tpu.wait_indirect_dma semaphore(%run_scoped3A : memref<!tpu.dma_semaphore, #tpu.memory_space<semaphore_mem>>) src(%dma_wait3A_125 : memref<128x16xf32, #tpu.memory_space<vmem>>) dst(%dma_wait3A_129 : memref<10112x16xf32, #tpu.memory_space<vmem_shared>>)
        tpu.yield
      }) : () -> ()
      %mul3A_84 = arith.constant 8 : i32
      %mul3A_85 = arith.muli %scan3A_46, %mul3A_84 : i32
      %add3A_86 = arith.constant 3 : i32
      %add3A_87 = arith.addi %mul3A_85, %add3A_86 : i32
      %mul3A_88 = arith.constant 128 : i32
      %mul3A_89 = arith.muli %add3A_87, %mul3A_88 : i32
      "tpu.region"() ({
        %run_scoped3A = tpu.sem_alloc : memref<!tpu.dma_semaphore, #tpu.memory_space<semaphore_mem>>
        %dma_start3A_114 = arith.constant 384 : i32
        %dma_start3A_115 = arith.constant 0 : i32
        %dma_start3A_116 = tpu.memref_slice %arg9[%rem3A_47, %dma_start3A_114, %dma_start3A_115] : memref<2x1024x16xf32, #tpu.memory_space<vmem>> -> memref<1x128x16xf32, #tpu.memory_space<vmem>>
        %dma_start3A_117 = tpu.memref_squeeze %dma_start3A_116 : memref<1x128x16xf32, #tpu.memory_space<vmem>> -> memref<128x16xf32, #tpu.memory_space<vmem>>
        %dma_start3A_118 = tpu.memref_slice %arg8[%mul3A_89] : memref<10240xi32, #tpu.memory_space<vmem>> -> memref<128xi32, #tpu.memory_space<vmem>>
        %dma_start3A_119 = arith.constant 0 : i32
        %dma_start3A_120 = arith.constant 0 : i32
        %dma_start3A_121 = tpu.memref_slice %arg12[%dma_start3A_119, %dma_start3A_120] : memref<10112x16xf32, #tpu.memory_space<vmem_shared>> -> memref<10112x16xf32, #tpu.memory_space<vmem_shared>>
        tpu.enqueue_indirect_dma source(%dma_start3A_117 : memref<128x16xf32, #tpu.memory_space<vmem>>) target(%dma_start3A_121 : memref<10112x16xf32, #tpu.memory_space<vmem_shared>>) offsets(%dma_start3A_118 : memref<128xi32, #tpu.memory_space<vmem>>) semaphore(%run_scoped3A : memref<!tpu.dma_semaphore, #tpu.memory_space<semaphore_mem>>) {add = true}
        %dma_wait3A_122 = arith.constant 384 : i32
        %dma_wait3A_123 = arith.constant 0 : i32
        %dma_wait3A_124 = tpu.memref_slice %arg9[%rem3A_47, %dma_wait3A_122, %dma_wait3A_123] : memref<2x1024x16xf32, #tpu.memory_space<vmem>> -> memref<1x128x16xf32, #tpu.memory_space<vmem>>
        %dma_wait3A_125 = tpu.memref_squeeze %dma_wait3A_124 : memref<1x128x16xf32, #tpu.memory_space<vmem>> -> memref<128x16xf32, #tpu.memory_space<vmem>>
        %dma_wait3A_126 = tpu.memref_slice %arg8[%mul3A_89] : memref<10240xi32, #tpu.memory_space<vmem>> -> memref<128xi32, #tpu.memory_space<vmem>>
        %dma_wait3A_127 = arith.constant 0 : i32
        %dma_wait3A_128 = arith.constant 0 : i32
        %dma_wait3A_129 = tpu.memref_slice %arg12[%dma_wait3A_127, %dma_wait3A_128] : memref<10112x16xf32, #tpu.memory_space<vmem_shared>> -> memref<10112x16xf32, #tpu.memory_space<vmem_shared>>
        tpu.wait_indirect_dma semaphore(%run_scoped3A : memref<!tpu.dma_semaphore, #tpu.memory_space<semaphore_mem>>) src(%dma_wait3A_125 : memref<128x16xf32, #tpu.memory_space<vmem>>) dst(%dma_wait3A_129 : memref<10112x16xf32, #tpu.memory_space<vmem_shared>>)
        tpu.yield
      }) : () -> ()
      %mul3A_90 = arith.constant 8 : i32
      %mul3A_91 = arith.muli %scan3A_46, %mul3A_90 : i32
      %add3A_92 = arith.constant 4 : i32
      %add3A_93 = arith.addi %mul3A_91, %add3A_92 : i32
      %mul3A_94 = arith.constant 128 : i32
      %mul3A_95 = arith.muli %add3A_93, %mul3A_94 : i32
      "tpu.region"() ({
        %run_scoped3A = tpu.sem_alloc : memref<!tpu.dma_semaphore, #tpu.memory_space<semaphore_mem>>
        %dma_start3A_114 = arith.constant 512 : i32
        %dma_start3A_115 = arith.constant 0 : i32
        %dma_start3A_116 = tpu.memref_slice %arg9[%rem3A_47, %dma_start3A_114, %dma_start3A_115] : memref<2x1024x16xf32, #tpu.memory_space<vmem>> -> memref<1x128x16xf32, #tpu.memory_space<vmem>>
        %dma_start3A_117 = tpu.memref_squeeze %dma_start3A_116 : memref<1x128x16xf32, #tpu.memory_space<vmem>> -> memref<128x16xf32, #tpu.memory_space<vmem>>
        %dma_start3A_118 = tpu.memref_slice %arg8[%mul3A_95] : memref<10240xi32, #tpu.memory_space<vmem>> -> memref<128xi32, #tpu.memory_space<vmem>>
        %dma_start3A_119 = arith.constant 0 : i32
        %dma_start3A_120 = arith.constant 0 : i32
        %dma_start3A_121 = tpu.memref_slice %arg12[%dma_start3A_119, %dma_start3A_120] : memref<10112x16xf32, #tpu.memory_space<vmem_shared>> -> memref<10112x16xf32, #tpu.memory_space<vmem_shared>>
        tpu.enqueue_indirect_dma source(%dma_start3A_117 : memref<128x16xf32, #tpu.memory_space<vmem>>) target(%dma_start3A_121 : memref<10112x16xf32, #tpu.memory_space<vmem_shared>>) offsets(%dma_start3A_118 : memref<128xi32, #tpu.memory_space<vmem>>) semaphore(%run_scoped3A : memref<!tpu.dma_semaphore, #tpu.memory_space<semaphore_mem>>) {add = true}
        %dma_wait3A_122 = arith.constant 512 : i32
        %dma_wait3A_123 = arith.constant 0 : i32
        %dma_wait3A_124 = tpu.memref_slice %arg9[%rem3A_47, %dma_wait3A_122, %dma_wait3A_123] : memref<2x1024x16xf32, #tpu.memory_space<vmem>> -> memref<1x128x16xf32, #tpu.memory_space<vmem>>
        %dma_wait3A_125 = tpu.memref_squeeze %dma_wait3A_124 : memref<1x128x16xf32, #tpu.memory_space<vmem>> -> memref<128x16xf32, #tpu.memory_space<vmem>>
        %dma_wait3A_126 = tpu.memref_slice %arg8[%mul3A_95] : memref<10240xi32, #tpu.memory_space<vmem>> -> memref<128xi32, #tpu.memory_space<vmem>>
        %dma_wait3A_127 = arith.constant 0 : i32
        %dma_wait3A_128 = arith.constant 0 : i32
        %dma_wait3A_129 = tpu.memref_slice %arg12[%dma_wait3A_127, %dma_wait3A_128] : memref<10112x16xf32, #tpu.memory_space<vmem_shared>> -> memref<10112x16xf32, #tpu.memory_space<vmem_shared>>
        tpu.wait_indirect_dma semaphore(%run_scoped3A : memref<!tpu.dma_semaphore, #tpu.memory_space<semaphore_mem>>) src(%dma_wait3A_125 : memref<128x16xf32, #tpu.memory_space<vmem>>) dst(%dma_wait3A_129 : memref<10112x16xf32, #tpu.memory_space<vmem_shared>>)
        tpu.yield
      }) : () -> ()
      %mul3A_96 = arith.constant 8 : i32
      %mul3A_97 = arith.muli %scan3A_46, %mul3A_96 : i32
      %add3A_98 = arith.constant 5 : i32
      %add3A_99 = arith.addi %mul3A_97, %add3A_98 : i32
      %mul3A_100 = arith.constant 128 : i32
      %mul3A_101 = arith.muli %add3A_99, %mul3A_100 : i32
      "tpu.region"() ({
        %run_scoped3A = tpu.sem_alloc : memref<!tpu.dma_semaphore, #tpu.memory_space<semaphore_mem>>
        %dma_start3A_114 = arith.constant 640 : i32
        %dma_start3A_115 = arith.constant 0 : i32
        %dma_start3A_116 = tpu.memref_slice %arg9[%rem3A_47, %dma_start3A_114, %dma_start3A_115] : memref<2x1024x16xf32, #tpu.memory_space<vmem>> -> memref<1x128x16xf32, #tpu.memory_space<vmem>>
        %dma_start3A_117 = tpu.memref_squeeze %dma_start3A_116 : memref<1x128x16xf32, #tpu.memory_space<vmem>> -> memref<128x16xf32, #tpu.memory_space<vmem>>
        %dma_start3A_118 = tpu.memref_slice %arg8[%mul3A_101] : memref<10240xi32, #tpu.memory_space<vmem>> -> memref<128xi32, #tpu.memory_space<vmem>>
        %dma_start3A_119 = arith.constant 0 : i32
        %dma_start3A_120 = arith.constant 0 : i32
        %dma_start3A_121 = tpu.memref_slice %arg12[%dma_start3A_119, %dma_start3A_120] : memref<10112x16xf32, #tpu.memory_space<vmem_shared>> -> memref<10112x16xf32, #tpu.memory_space<vmem_shared>>
        tpu.enqueue_indirect_dma source(%dma_start3A_117 : memref<128x16xf32, #tpu.memory_space<vmem>>) target(%dma_start3A_121 : memref<10112x16xf32, #tpu.memory_space<vmem_shared>>) offsets(%dma_start3A_118 : memref<128xi32, #tpu.memory_space<vmem>>) semaphore(%run_scoped3A : memref<!tpu.dma_semaphore, #tpu.memory_space<semaphore_mem>>) {add = true}
        %dma_wait3A_122 = arith.constant 640 : i32
        %dma_wait3A_123 = arith.constant 0 : i32
        %dma_wait3A_124 = tpu.memref_slice %arg9[%rem3A_47, %dma_wait3A_122, %dma_wait3A_123] : memref<2x1024x16xf32, #tpu.memory_space<vmem>> -> memref<1x128x16xf32, #tpu.memory_space<vmem>>
        %dma_wait3A_125 = tpu.memref_squeeze %dma_wait3A_124 : memref<1x128x16xf32, #tpu.memory_space<vmem>> -> memref<128x16xf32, #tpu.memory_space<vmem>>
        %dma_wait3A_126 = tpu.memref_slice %arg8[%mul3A_101] : memref<10240xi32, #tpu.memory_space<vmem>> -> memref<128xi32, #tpu.memory_space<vmem>>
        %dma_wait3A_127 = arith.constant 0 : i32
        %dma_wait3A_128 = arith.constant 0 : i32
        %dma_wait3A_129 = tpu.memref_slice %arg12[%dma_wait3A_127, %dma_wait3A_128] : memref<10112x16xf32, #tpu.memory_space<vmem_shared>> -> memref<10112x16xf32, #tpu.memory_space<vmem_shared>>
        tpu.wait_indirect_dma semaphore(%run_scoped3A : memref<!tpu.dma_semaphore, #tpu.memory_space<semaphore_mem>>) src(%dma_wait3A_125 : memref<128x16xf32, #tpu.memory_space<vmem>>) dst(%dma_wait3A_129 : memref<10112x16xf32, #tpu.memory_space<vmem_shared>>)
        tpu.yield
      }) : () -> ()
      %mul3A_102 = arith.constant 8 : i32
      %mul3A_103 = arith.muli %scan3A_46, %mul3A_102 : i32
      %add3A_104 = arith.constant 6 : i32
      %add3A_105 = arith.addi %mul3A_103, %add3A_104 : i32
      %mul3A_106 = arith.constant 128 : i32
      %mul3A_107 = arith.muli %add3A_105, %mul3A_106 : i32
      "tpu.region"() ({
        %run_scoped3A = tpu.sem_alloc : memref<!tpu.dma_semaphore, #tpu.memory_space<semaphore_mem>>
        %dma_start3A_114 = arith.constant 768 : i32
        %dma_start3A_115 = arith.constant 0 : i32
        %dma_start3A_116 = tpu.memref_slice %arg9[%rem3A_47, %dma_start3A_114, %dma_start3A_115] : memref<2x1024x16xf32, #tpu.memory_space<vmem>> -> memref<1x128x16xf32, #tpu.memory_space<vmem>>
        %dma_start3A_117 = tpu.memref_squeeze %dma_start3A_116 : memref<1x128x16xf32, #tpu.memory_space<vmem>> -> memref<128x16xf32, #tpu.memory_space<vmem>>
        %dma_start3A_118 = tpu.memref_slice %arg8[%mul3A_107] : memref<10240xi32, #tpu.memory_space<vmem>> -> memref<128xi32, #tpu.memory_space<vmem>>
        %dma_start3A_119 = arith.constant 0 : i32
        %dma_start3A_120 = arith.constant 0 : i32
        %dma_start3A_121 = tpu.memref_slice %arg12[%dma_start3A_119, %dma_start3A_120] : memref<10112x16xf32, #tpu.memory_space<vmem_shared>> -> memref<10112x16xf32, #tpu.memory_space<vmem_shared>>
        tpu.enqueue_indirect_dma source(%dma_start3A_117 : memref<128x16xf32, #tpu.memory_space<vmem>>) target(%dma_start3A_121 : memref<10112x16xf32, #tpu.memory_space<vmem_shared>>) offsets(%dma_start3A_118 : memref<128xi32, #tpu.memory_space<vmem>>) semaphore(%run_scoped3A : memref<!tpu.dma_semaphore, #tpu.memory_space<semaphore_mem>>) {add = true}
        %dma_wait3A_122 = arith.constant 768 : i32
        %dma_wait3A_123 = arith.constant 0 : i32
        %dma_wait3A_124 = tpu.memref_slice %arg9[%rem3A_47, %dma_wait3A_122, %dma_wait3A_123] : memref<2x1024x16xf32, #tpu.memory_space<vmem>> -> memref<1x128x16xf32, #tpu.memory_space<vmem>>
        %dma_wait3A_125 = tpu.memref_squeeze %dma_wait3A_124 : memref<1x128x16xf32, #tpu.memory_space<vmem>> -> memref<128x16xf32, #tpu.memory_space<vmem>>
        %dma_wait3A_126 = tpu.memref_slice %arg8[%mul3A_107] : memref<10240xi32, #tpu.memory_space<vmem>> -> memref<128xi32, #tpu.memory_space<vmem>>
        %dma_wait3A_127 = arith.constant 0 : i32
        %dma_wait3A_128 = arith.constant 0 : i32
        %dma_wait3A_129 = tpu.memref_slice %arg12[%dma_wait3A_127, %dma_wait3A_128] : memref<10112x16xf32, #tpu.memory_space<vmem_shared>> -> memref<10112x16xf32, #tpu.memory_space<vmem_shared>>
        tpu.wait_indirect_dma semaphore(%run_scoped3A : memref<!tpu.dma_semaphore, #tpu.memory_space<semaphore_mem>>) src(%dma_wait3A_125 : memref<128x16xf32, #tpu.memory_space<vmem>>) dst(%dma_wait3A_129 : memref<10112x16xf32, #tpu.memory_space<vmem_shared>>)
        tpu.yield
      }) : () -> ()
      %mul3A_108 = arith.constant 8 : i32
      %mul3A_109 = arith.muli %scan3A_46, %mul3A_108 : i32
      %add3A_110 = arith.constant 7 : i32
      %add3A_111 = arith.addi %mul3A_109, %add3A_110 : i32
      %mul3A_112 = arith.constant 128 : i32
      %mul3A_113 = arith.muli %add3A_111, %mul3A_112 : i32
      "tpu.region"() ({
        %run_scoped3A = tpu.sem_alloc : memref<!tpu.dma_semaphore, #tpu.memory_space<semaphore_mem>>
        %dma_start3A_114 = arith.constant 896 : i32
        %dma_start3A_115 = arith.constant 0 : i32
        %dma_start3A_116 = tpu.memref_slice %arg9[%rem3A_47, %dma_start3A_114, %dma_start3A_115] : memref<2x1024x16xf32, #tpu.memory_space<vmem>> -> memref<1x128x16xf32, #tpu.memory_space<vmem>>
        %dma_start3A_117 = tpu.memref_squeeze %dma_start3A_116 : memref<1x128x16xf32, #tpu.memory_space<vmem>> -> memref<128x16xf32, #tpu.memory_space<vmem>>
        %dma_start3A_118 = tpu.memref_slice %arg8[%mul3A_113] : memref<10240xi32, #tpu.memory_space<vmem>> -> memref<128xi32, #tpu.memory_space<vmem>>
        %dma_start3A_119 = arith.constant 0 : i32
        %dma_start3A_120 = arith.constant 0 : i32
        %dma_start3A_121 = tpu.memref_slice %arg12[%dma_start3A_119, %dma_start3A_120] : memref<10112x16xf32, #tpu.memory_space<vmem_shared>> -> memref<10112x16xf32, #tpu.memory_space<vmem_shared>>
        tpu.enqueue_indirect_dma source(%dma_start3A_117 : memref<128x16xf32, #tpu.memory_space<vmem>>) target(%dma_start3A_121 : memref<10112x16xf32, #tpu.memory_space<vmem_shared>>) offsets(%dma_start3A_118 : memref<128xi32, #tpu.memory_space<vmem>>) semaphore(%run_scoped3A : memref<!tpu.dma_semaphore, #tpu.memory_space<semaphore_mem>>) {add = true}
        %dma_wait3A_122 = arith.constant 896 : i32
        %dma_wait3A_123 = arith.constant 0 : i32
        %dma_wait3A_124 = tpu.memref_slice %arg9[%rem3A_47, %dma_wait3A_122, %dma_wait3A_123] : memref<2x1024x16xf32, #tpu.memory_space<vmem>> -> memref<1x128x16xf32, #tpu.memory_space<vmem>>
        %dma_wait3A_125 = tpu.memref_squeeze %dma_wait3A_124 : memref<1x128x16xf32, #tpu.memory_space<vmem>> -> memref<128x16xf32, #tpu.memory_space<vmem>>
        %dma_wait3A_126 = tpu.memref_slice %arg8[%mul3A_113] : memref<10240xi32, #tpu.memory_space<vmem>> -> memref<128xi32, #tpu.memory_space<vmem>>
        %dma_wait3A_127 = arith.constant 0 : i32
        %dma_wait3A_128 = arith.constant 0 : i32
        %dma_wait3A_129 = tpu.memref_slice %arg12[%dma_wait3A_127, %dma_wait3A_128] : memref<10112x16xf32, #tpu.memory_space<vmem_shared>> -> memref<10112x16xf32, #tpu.memory_space<vmem_shared>>
        tpu.wait_indirect_dma semaphore(%run_scoped3A : memref<!tpu.dma_semaphore, #tpu.memory_space<semaphore_mem>>) src(%dma_wait3A_125 : memref<128x16xf32, #tpu.memory_space<vmem>>) dst(%dma_wait3A_129 : memref<10112x16xf32, #tpu.memory_space<vmem_shared>>)
        tpu.yield
      }) : () -> ()
    }
    %scan3A_34 = arith.constant 10 : i32
    %barrier3A_35 = arith.constant 0 : index
    tpu.barrier barrier_id(%barrier3A_35)
    %lt3A_36 = arith.constant 15 : i32
    %lt3A_37 = arith.cmpi slt, %arg1, %lt3A_36 : i32
    %convert_element_type3A_38 = arith.extui %lt3A_37 : i1 to i32
    %cond3A_39 = arith.constant 0 : i32
    %cond3A_40 = arith.cmpi ne, %convert_element_type3A_38, %cond3A_39 : i32
    scf.if %cond3A_40 {
      %mul3A_46 = arith.constant 632 : i32
      %mul3A_47 = arith.muli %arg1, %mul3A_46 : i32
      "tpu.region"() ({
        %run_scoped3A = tpu.sem_alloc : memref<!tpu.dma_semaphore, #tpu.memory_space<semaphore_mem>>
        %dma_start3A_50 = arith.constant 0 : i32
        %dma_start3A_51 = tpu.memref_slice %arg12[%mul3A_47, %dma_start3A_50] : memref<10112x16xf32, #tpu.memory_space<vmem_shared>> -> memref<632x16xf32, #tpu.memory_space<vmem_shared>>
        %dma_start3A_52 = arith.constant 0 : i32
        %dma_start3A_53 = tpu.memref_slice %arg12[%mul3A_47, %dma_start3A_52] : memref<10112x16xf32, #tpu.memory_space<vmem_shared>> -> memref<632x16xf32, #tpu.memory_space<vmem_shared>>
        tpu.enqueue_dma source(%dma_start3A_53 : memref<632x16xf32, #tpu.memory_space<vmem_shared>>) target(%arg10 : memref<632x16xf32, #tpu.memory_space<vmem>>) target_semaphore(%run_scoped3A : memref<!tpu.dma_semaphore, #tpu.memory_space<semaphore_mem>>)
        %dma_wait3A = arith.constant 0 : i32
        %dma_wait3A_54 = tpu.memref_slice %arg12[%mul3A_47, %dma_wait3A] : memref<10112x16xf32, #tpu.memory_space<vmem_shared>> -> memref<632x16xf32, #tpu.memory_space<vmem_shared>>
        %dma_wait3A_55 = arith.constant 0 : i32
        %dma_wait3A_56 = tpu.memref_slice %arg12[%mul3A_47, %dma_wait3A_55] : memref<10112x16xf32, #tpu.memory_space<vmem_shared>> -> memref<632x16xf32, #tpu.memory_space<vmem_shared>>
        tpu.wait_dma2 semaphore(%run_scoped3A : memref<!tpu.dma_semaphore, #tpu.memory_space<semaphore_mem>>) src(%dma_wait3A_56 : memref<632x16xf32, #tpu.memory_space<vmem_shared>>) dst(%arg10 : memref<632x16xf32, #tpu.memory_space<vmem>>)
        tpu.yield
      }) : () -> ()
      %mul3A_48 = arith.constant 632 : i32
      %mul3A_49 = arith.muli %arg1, %mul3A_48 : i32
      "tpu.region"() ({
        %run_scoped3A = tpu.sem_alloc : memref<!tpu.dma_semaphore, #tpu.memory_space<semaphore_mem>>
        %dma_start3A_50 = arith.constant 0 : i32
        %dma_start3A_51 = tpu.memref_slice %arg6[%arg0, %mul3A_49, %dma_start3A_50] : memref<2x10000x16xf32, #tpu.memory_space<hbm>> -> memref<1x632x16xf32, #tpu.memory_space<hbm>>
        %dma_start3A_52 = tpu.memref_squeeze %dma_start3A_51 : memref<1x632x16xf32, #tpu.memory_space<hbm>> -> memref<632x16xf32, #tpu.memory_space<hbm>>
        %dma_start3A_53 = arith.constant 0 : i32
        %dma_start3A_54 = tpu.memref_slice %arg6[%arg0, %mul3A_49, %dma_start3A_53] : memref<2x10000x16xf32, #tpu.memory_space<hbm>> -> memref<1x632x16xf32, #tpu.memory_space<hbm>>
        %dma_start3A_55 = tpu.memref_squeeze %dma_start3A_54 : memref<1x632x16xf32, #tpu.memory_space<hbm>> -> memref<632x16xf32, #tpu.memory_space<hbm>>
        tpu.enqueue_dma source(%arg10 : memref<632x16xf32, #tpu.memory_space<vmem>>) target(%dma_start3A_55 : memref<632x16xf32, #tpu.memory_space<hbm>>) target_semaphore(%run_scoped3A : memref<!tpu.dma_semaphore, #tpu.memory_space<semaphore_mem>>)
        %dma_wait3A = arith.constant 0 : i32
        %dma_wait3A_56 = tpu.memref_slice %arg6[%arg0, %mul3A_49, %dma_wait3A] : memref<2x10000x16xf32, #tpu.memory_space<hbm>> -> memref<1x632x16xf32, #tpu.memory_space<hbm>>
        %dma_wait3A_57 = tpu.memref_squeeze %dma_wait3A_56 : memref<1x632x16xf32, #tpu.memory_space<hbm>> -> memref<632x16xf32, #tpu.memory_space<hbm>>
        %dma_wait3A_58 = arith.constant 0 : i32
        %dma_wait3A_59 = tpu.memref_slice %arg6[%arg0, %mul3A_49, %dma_wait3A_58] : memref<2x10000x16xf32, #tpu.memory_space<hbm>> -> memref<1x632x16xf32, #tpu.memory_space<hbm>>
        %dma_wait3A_60 = tpu.memref_squeeze %dma_wait3A_59 : memref<1x632x16xf32, #tpu.memory_space<hbm>> -> memref<632x16xf32, #tpu.memory_space<hbm>>
        tpu.wait_dma2 semaphore(%run_scoped3A : memref<!tpu.dma_semaphore, #tpu.memory_space<semaphore_mem>>) src(%arg10 : memref<632x16xf32, #tpu.memory_space<vmem>>) dst(%dma_wait3A_60 : memref<632x16xf32, #tpu.memory_space<hbm>>)
        tpu.yield
      }) : () -> ()
    } else {
    }
    %eq3A_41 = arith.constant 15 : i32
    %eq3A_42 = arith.cmpi eq, %arg1, %eq3A_41 : i32
    %convert_element_type3A_43 = arith.extui %eq3A_42 : i1 to i32
    %cond3A_44 = arith.constant 0 : i32
    %cond3A_45 = arith.cmpi ne, %convert_element_type3A_43, %cond3A_44 : i32
    scf.if %cond3A_45 {
      %mul3A_46 = arith.constant 632 : i32
      %mul3A_47 = arith.muli %arg1, %mul3A_46 : i32
      "tpu.region"() ({
        %run_scoped3A = tpu.sem_alloc : memref<!tpu.dma_semaphore, #tpu.memory_space<semaphore_mem>>
        %dma_start3A_50 = arith.constant 0 : i32
        %dma_start3A_51 = arith.constant 0 : i32
        %dma_start3A_52 = tpu.memref_slice %arg10[%dma_start3A_50, %dma_start3A_51] : memref<632x16xf32, #tpu.memory_space<vmem>> -> memref<520x16xf32, #tpu.memory_space<vmem>>
        %dma_start3A_53 = arith.constant 0 : i32
        %dma_start3A_54 = tpu.memref_slice %arg12[%mul3A_47, %dma_start3A_53] : memref<10112x16xf32, #tpu.memory_space<vmem_shared>> -> memref<520x16xf32, #tpu.memory_space<vmem_shared>>
        %dma_start3A_55 = arith.constant 0 : i32
        %dma_start3A_56 = arith.constant 0 : i32
        %dma_start3A_57 = tpu.memref_slice %arg10[%dma_start3A_55, %dma_start3A_56] : memref<632x16xf32, #tpu.memory_space<vmem>> -> memref<520x16xf32, #tpu.memory_space<vmem>>
        %dma_start3A_58 = arith.constant 0 : i32
        %dma_start3A_59 = tpu.memref_slice %arg12[%mul3A_47, %dma_start3A_58] : memref<10112x16xf32, #tpu.memory_space<vmem_shared>> -> memref<520x16xf32, #tpu.memory_space<vmem_shared>>
        tpu.enqueue_dma source(%dma_start3A_59 : memref<520x16xf32, #tpu.memory_space<vmem_shared>>) target(%dma_start3A_57 : memref<520x16xf32, #tpu.memory_space<vmem>>) target_semaphore(%run_scoped3A : memref<!tpu.dma_semaphore, #tpu.memory_space<semaphore_mem>>)
        %dma_wait3A = arith.constant 0 : i32
        %dma_wait3A_60 = arith.constant 0 : i32
        %dma_wait3A_61 = tpu.memref_slice %arg10[%dma_wait3A, %dma_wait3A_60] : memref<632x16xf32, #tpu.memory_space<vmem>> -> memref<520x16xf32, #tpu.memory_space<vmem>>
        %dma_wait3A_62 = arith.constant 0 : i32
        %dma_wait3A_63 = tpu.memref_slice %arg12[%mul3A_47, %dma_wait3A_62] : memref<10112x16xf32, #tpu.memory_space<vmem_shared>> -> memref<520x16xf32, #tpu.memory_space<vmem_shared>>
        %dma_wait3A_64 = arith.constant 0 : i32
        %dma_wait3A_65 = arith.constant 0 : i32
        %dma_wait3A_66 = tpu.memref_slice %arg10[%dma_wait3A_64, %dma_wait3A_65] : memref<632x16xf32, #tpu.memory_space<vmem>> -> memref<520x16xf32, #tpu.memory_space<vmem>>
        %dma_wait3A_67 = arith.constant 0 : i32
        %dma_wait3A_68 = tpu.memref_slice %arg12[%mul3A_47, %dma_wait3A_67] : memref<10112x16xf32, #tpu.memory_space<vmem_shared>> -> memref<520x16xf32, #tpu.memory_space<vmem_shared>>
        tpu.wait_dma2 semaphore(%run_scoped3A : memref<!tpu.dma_semaphore, #tpu.memory_space<semaphore_mem>>) src(%dma_wait3A_68 : memref<520x16xf32, #tpu.memory_space<vmem_shared>>) dst(%dma_wait3A_66 : memref<520x16xf32, #tpu.memory_space<vmem>>)
        tpu.yield
      }) : () -> ()
      %mul3A_48 = arith.constant 632 : i32
      %mul3A_49 = arith.muli %arg1, %mul3A_48 : i32
      "tpu.region"() ({
        %run_scoped3A = tpu.sem_alloc : memref<!tpu.dma_semaphore, #tpu.memory_space<semaphore_mem>>
        %dma_start3A_50 = arith.constant 0 : i32
        %dma_start3A_51 = arith.constant 0 : i32
        %dma_start3A_52 = tpu.memref_slice %arg10[%dma_start3A_50, %dma_start3A_51] : memref<632x16xf32, #tpu.memory_space<vmem>> -> memref<520x16xf32, #tpu.memory_space<vmem>>
        %dma_start3A_53 = arith.constant 0 : i32
        %dma_start3A_54 = tpu.memref_slice %arg6[%arg0, %mul3A_49, %dma_start3A_53] : memref<2x10000x16xf32, #tpu.memory_space<hbm>> -> memref<1x520x16xf32, #tpu.memory_space<hbm>>
        %dma_start3A_55 = tpu.memref_squeeze %dma_start3A_54 : memref<1x520x16xf32, #tpu.memory_space<hbm>> -> memref<520x16xf32, #tpu.memory_space<hbm>>
        %dma_start3A_56 = arith.constant 0 : i32
        %dma_start3A_57 = tpu.memref_slice %arg6[%arg0, %mul3A_49, %dma_start3A_56] : memref<2x10000x16xf32, #tpu.memory_space<hbm>> -> memref<1x520x16xf32, #tpu.memory_space<hbm>>
        %dma_start3A_58 = tpu.memref_squeeze %dma_start3A_57 : memref<1x520x16xf32, #tpu.memory_space<hbm>> -> memref<520x16xf32, #tpu.memory_space<hbm>>
        %dma_start3A_59 = arith.constant 0 : i32
        %dma_start3A_60 = arith.constant 0 : i32
        %dma_start3A_61 = tpu.memref_slice %arg10[%dma_start3A_59, %dma_start3A_60] : memref<632x16xf32, #tpu.memory_space<vmem>> -> memref<520x16xf32, #tpu.memory_space<vmem>>
        tpu.enqueue_dma source(%dma_start3A_61 : memref<520x16xf32, #tpu.memory_space<vmem>>) target(%dma_start3A_58 : memref<520x16xf32, #tpu.memory_space<hbm>>) target_semaphore(%run_scoped3A : memref<!tpu.dma_semaphore, #tpu.memory_space<semaphore_mem>>)
        %dma_wait3A = arith.constant 0 : i32
        %dma_wait3A_62 = arith.constant 0 : i32
        %dma_wait3A_63 = tpu.memref_slice %arg10[%dma_wait3A, %dma_wait3A_62] : memref<632x16xf32, #tpu.memory_space<vmem>> -> memref<520x16xf32, #tpu.memory_space<vmem>>
        %dma_wait3A_64 = arith.constant 0 : i32
        %dma_wait3A_65 = tpu.memref_slice %arg6[%arg0, %mul3A_49, %dma_wait3A_64] : memref<2x10000x16xf32, #tpu.memory_space<hbm>> -> memref<1x520x16xf32, #tpu.memory_space<hbm>>
        %dma_wait3A_66 = tpu.memref_squeeze %dma_wait3A_65 : memref<1x520x16xf32, #tpu.memory_space<hbm>> -> memref<520x16xf32, #tpu.memory_space<hbm>>
        %dma_wait3A_67 = arith.constant 0 : i32
        %dma_wait3A_68 = tpu.memref_slice %arg6[%arg0, %mul3A_49, %dma_wait3A_67] : memref<2x10000x16xf32, #tpu.memory_space<hbm>> -> memref<1x520x16xf32, #tpu.memory_space<hbm>>
        %dma_wait3A_69 = tpu.memref_squeeze %dma_wait3A_68 : memref<1x520x16xf32, #tpu.memory_space<hbm>> -> memref<520x16xf32, #tpu.memory_space<hbm>>
        %dma_wait3A_70 = arith.constant 0 : i32
        %dma_wait3A_71 = arith.constant 0 : i32
        %dma_wait3A_72 = tpu.memref_slice %arg10[%dma_wait3A_70, %dma_wait3A_71] : memref<632x16xf32, #tpu.memory_space<vmem>> -> memref<520x16xf32, #tpu.memory_space<vmem>>
        tpu.wait_dma2 semaphore(%run_scoped3A : memref<!tpu.dma_semaphore, #tpu.memory_space<semaphore_mem>>) src(%dma_wait3A_72 : memref<520x16xf32, #tpu.memory_space<vmem>>) dst(%dma_wait3A_69 : memref<520x16xf32, #tpu.memory_space<hbm>>)
        tpu.yield
      }) : () -> ()
    } else {
    }
    return
  }
}

module attributes {stable_mosaic.version = 14 : i64} {
  func.func @_tc_mm_body(%arg0: i32, %arg1: memref<5000x128xf32, #tpu.memory_space<vmem>>, %arg2: memref<128x16xf32, #tpu.memory_space<vmem>>, %arg3: memref<5000x16xf32, #tpu.memory_space<vmem>>) attributes {dimension_semantics = [#tpu.dimension_semantics<arbitrary>], iteration_bounds = array<i64: 2>, scalar_prefetch = 0 : i64, scratch_operands = 0 : i64, tpu.core_type = #tpu.core_type<tc>, window_params = [{transform_indices = @transform_0, window_bounds = array<i64: 5000, 128>}, {pipeline_mode = #tpu.pipeline_mode<synchronous>, transform_indices = @transform_1, window_bounds = array<i64: 128, 16>}, {transform_indices = @transform_2, window_bounds = array<i64: 5000, 16>}]} {
    %get3A = arith.constant 0 : index
    %get3A_0 = arith.constant 0 : index
    %get3A_1 = vector.load %arg1[%get3A, %get3A_0] : memref<5000x128xf32, #tpu.memory_space<vmem>>, vector<5000x128xf32>
    %get3A_2 = arith.constant 0 : index
    %get3A_3 = arith.constant 0 : index
    %get3A_4 = vector.load %arg2[%get3A_2, %get3A_3] : memref<128x16xf32, #tpu.memory_space<vmem>>, vector<128x16xf32>
    %dot_general3A = arith.constant dense<0.000000e+00> : vector<5000x16xf32>
    %dot_general3A_5 = tpu.matmul %get3A_1, %get3A_4, %dot_general3A {dimension_numbers = #tpu.dot_dimension_numbers<[1], [0], [0], [1], [0, 0, 1, 1], [], []>, transpose_lhs_hint = false} : vector<5000x128xf32>, vector<128x16xf32>, vector<5000x16xf32> -> vector<5000x16xf32>
    %swap3A = arith.constant 0 : index
    %swap3A_6 = arith.constant 0 : index
    %swap3A_7 = vector.load %arg3[%swap3A, %swap3A_6] : memref<5000x16xf32, #tpu.memory_space<vmem>>, vector<5000x16xf32>
    tpu.vector_store %arg3[%swap3A, %swap3A_6], %dot_general3A_5 {strides = array<i32>} : memref<5000x16xf32, #tpu.memory_space<vmem>>, vector<5000x16xf32>,
    return
  }
  func.func @transform_0(%arg0: i32) -> (i32, i32) {
    %c0_i32 = arith.constant 0 : i32
    %c0_i32_0 = arith.constant 0 : i32
    return %arg0, %c0_i32 : i32, i32
  }
  func.func @transform_1(%arg0: i32) -> (i32, i32) {
    %c0_i32 = arith.constant 0 : i32
    %c0_i32_0 = arith.constant 0 : i32
    %c0_i32_1 = arith.constant 0 : i32
    return %c0_i32, %c0_i32_0 : i32, i32
  }
  func.func @transform_2(%arg0: i32) -> (i32, i32) {
    %c0_i32 = arith.constant 0 : i32
    %c0_i32_0 = arith.constant 0 : i32
    return %arg0, %c0_i32 : i32, i32
  }
}

module attributes {stable_mosaic.version = 14 : i64} {
  func.func @_tc_scale_body(%arg0: i32, %arg1: memref<1x5000x8xf32, #tpu.memory_space<vmem>>, %arg2: memref<1x5000x8xf32, #tpu.memory_space<vmem>>, %arg3: memref<5000x16xf32, #tpu.memory_space<vmem>>, %arg4: memref<5000x16xf32, #tpu.memory_space<vmem>>, %arg5: memref<5000x16xf32, #tpu.memory_space<vmem>>) attributes {dimension_semantics = [#tpu.dimension_semantics<arbitrary>], iteration_bounds = array<i64: 2>, scalar_prefetch = 0 : i64, scratch_operands = 0 : i64, tpu.core_type = #tpu.core_type<tc>, window_params = [{transform_indices = @transform_0, window_bounds = array<i64: 1, 5000, 8>}, {transform_indices = @transform_1, window_bounds = array<i64: 1, 5000, 8>}, {transform_indices = @transform_2, window_bounds = array<i64: 5000, 16>}, {transform_indices = @transform_3, window_bounds = array<i64: 5000, 16>}, {transform_indices = @transform_4, window_bounds = array<i64: 5000, 16>}]} {
    %get3A = arith.constant 0 : index
    %get3A_0 = arith.constant 0 : index
    %get3A_1 = arith.constant 0 : index
    %get3A_2 = vector.load %arg1[%get3A, %get3A_0, %get3A_1] : memref<1x5000x8xf32, #tpu.memory_space<vmem>>, vector<1x5000x1xf32>
    %get3A_3 = vector.shape_cast %get3A_2 : vector<1x5000x1xf32> to vector<5000x1xf32>
    %get3A_4 = arith.constant 0 : index
    %get3A_5 = arith.constant 0 : index
    %get3A_6 = arith.constant 0 : index
    %get3A_7 = vector.load %arg2[%get3A_4, %get3A_5, %get3A_6] : memref<1x5000x8xf32, #tpu.memory_space<vmem>>, vector<1x5000x1xf32>
    %get3A_8 = vector.shape_cast %get3A_7 : vector<1x5000x1xf32> to vector<5000x1xf32>
    %add3A = arith.addf %get3A_3, %get3A_8 : vector<5000x1xf32>
    %add3A_9 = arith.constant 1.000000e+00 : f32
    %add3A_10 = vector.broadcast %add3A_9 : f32 to vector<5000x1xf32>
    %add3A_11 = arith.addf %add3A, %add3A_10 : vector<5000x1xf32>
    %rsqrt3A = math.rsqrt %add3A_11 : vector<5000x1xf32>
    %broadcast_in_dim3A = vector.shape_cast %rsqrt3A : vector<5000x1xf32> to vector<5000x1xf32>
    %broadcast_in_dim3A_12 = vector.broadcast %broadcast_in_dim3A : vector<5000x1xf32> to vector<5000x16xf32>
    %swap3A = arith.constant 0 : index
    %swap3A_13 = arith.constant 0 : index
    %swap3A_14 = vector.load %arg5[%swap3A, %swap3A_13] : memref<5000x16xf32, #tpu.memory_space<vmem>>, vector<5000x16xf32>
    tpu.vector_store %arg5[%swap3A, %swap3A_13], %broadcast_in_dim3A_12 {strides = array<i32>} : memref<5000x16xf32, #tpu.memory_space<vmem>>, vector<5000x16xf32>,
    %get3A_15 = arith.constant 0 : index
    %get3A_16 = arith.constant 0 : index
    %get3A_17 = vector.load %arg3[%get3A_15, %get3A_16] : memref<5000x16xf32, #tpu.memory_space<vmem>>, vector<5000x16xf32>
    %mul3A = vector.broadcast %rsqrt3A : vector<5000x1xf32> to vector<5000x16xf32>
    %mul3A_18 = arith.mulf %mul3A, %get3A_17 : vector<5000x16xf32>
    %swap3A_19 = arith.constant 0 : index
    %swap3A_20 = arith.constant 0 : index
    %swap3A_21 = vector.load %arg4[%swap3A_19, %swap3A_20] : memref<5000x16xf32, #tpu.memory_space<vmem>>, vector<5000x16xf32>
    tpu.vector_store %arg4[%swap3A_19, %swap3A_20], %mul3A_18 {strides = array<i32>} : memref<5000x16xf32, #tpu.memory_space<vmem>>, vector<5000x16xf32>,
    return
  }
  func.func @transform_0(%arg0: i32) -> (i32, i32, i32) {
    %c0_i32 = arith.constant 0 : i32
    %c0_i32_0 = arith.constant 0 : i32
    %c0_i32_1 = arith.constant 0 : i32
    return %c0_i32, %arg0, %c0_i32_0 : i32, i32, i32
  }
  func.func @transform_1(%arg0: i32) -> (i32, i32, i32) {
    %c1_i32 = arith.constant 1 : i32
    %c0_i32 = arith.constant 0 : i32
    %c0_i32_0 = arith.constant 0 : i32
    return %c1_i32, %arg0, %c0_i32 : i32, i32, i32
  }
  func.func @transform_2(%arg0: i32) -> (i32, i32) {
    %c0_i32 = arith.constant 0 : i32
    %c0_i32_0 = arith.constant 0 : i32
    return %arg0, %c0_i32 : i32, i32
  }
  func.func @transform_3(%arg0: i32) -> (i32, i32) {
    %c0_i32 = arith.constant 0 : i32
    %c0_i32_0 = arith.constant 0 : i32
    return %arg0, %c0_i32 : i32, i32
  }
  func.func @transform_4(%arg0: i32) -> (i32, i32) {
    %c0_i32 = arith.constant 0 : i32
    %c0_i32_0 = arith.constant 0 : i32
    return %arg0, %c0_i32 : i32, i32
  }
}

module attributes {stable_mosaic.version = 14 : i64} {
  func.func @_tc_mid_body(%arg0: i32, %arg1: memref<1x5000x16xf32, #tpu.memory_space<vmem>>, %arg2: memref<1x5000x16xf32, #tpu.memory_space<vmem>>, %arg3: memref<5000x16xf32, #tpu.memory_space<vmem>>, %arg4: memref<5000x16xf32, #tpu.memory_space<vmem>>, %arg5: memref<1x16xf32, #tpu.memory_space<vmem>>, %arg6: memref<16x16xf32, #tpu.memory_space<vmem>>, %arg7: memref<5000x16xf32, #tpu.memory_space<vmem>>) attributes {dimension_semantics = [#tpu.dimension_semantics<arbitrary>], iteration_bounds = array<i64: 2>, scalar_prefetch = 0 : i64, scratch_operands = 0 : i64, tpu.core_type = #tpu.core_type<tc>, window_params = [{transform_indices = @transform_0, window_bounds = array<i64: 1, 5000, 16>}, {transform_indices = @transform_1, window_bounds = array<i64: 1, 5000, 16>}, {transform_indices = @transform_2, window_bounds = array<i64: 5000, 16>}, {transform_indices = @transform_3, window_bounds = array<i64: 5000, 16>}, {pipeline_mode = #tpu.pipeline_mode<synchronous>, transform_indices = @transform_4, window_bounds = array<i64: 1, 16>}, {pipeline_mode = #tpu.pipeline_mode<synchronous>, transform_indices = @transform_5, window_bounds = array<i64: 16, 16>}, {transform_indices = @transform_6, window_bounds = array<i64: 5000, 16>}]} {
    %get3A = arith.constant 0 : index
    %get3A_0 = arith.constant 0 : index
    %get3A_1 = vector.load %arg4[%get3A, %get3A_0] : memref<5000x16xf32, #tpu.memory_space<vmem>>, vector<5000x16xf32>
    %get3A_2 = arith.constant 0 : index
    %get3A_3 = arith.constant 0 : index
    %get3A_4 = arith.constant 0 : index
    %get3A_5 = vector.load %arg1[%get3A_2, %get3A_3, %get3A_4] : memref<1x5000x16xf32, #tpu.memory_space<vmem>>, vector<1x5000x16xf32>
    %get3A_6 = vector.shape_cast %get3A_5 : vector<1x5000x16xf32> to vector<5000x16xf32>
    %get3A_7 = arith.constant 0 : index
    %get3A_8 = arith.constant 0 : index
    %get3A_9 = arith.constant 0 : index
    %get3A_10 = vector.load %arg2[%get3A_7, %get3A_8, %get3A_9] : memref<1x5000x16xf32, #tpu.memory_space<vmem>>, vector<1x5000x16xf32>
    %get3A_11 = vector.shape_cast %get3A_10 : vector<1x5000x16xf32> to vector<5000x16xf32>
    %add3A = arith.addf %get3A_6, %get3A_11 : vector<5000x16xf32>
    %get3A_12 = arith.constant 0 : index
    %get3A_13 = arith.constant 0 : index
    %get3A_14 = vector.load %arg3[%get3A_12, %get3A_13] : memref<5000x16xf32, #tpu.memory_space<vmem>>, vector<5000x16xf32>
    %add3A_15 = arith.addf %add3A, %get3A_14 : vector<5000x16xf32>
    %mul3A = arith.mulf %get3A_1, %add3A_15 : vector<5000x16xf32>
    %get3A_16 = arith.constant 0 : index
    %get3A_17 = arith.constant 0 : index
    %get3A_18 = vector.load %arg5[%get3A_16, %get3A_17] : memref<1x16xf32, #tpu.memory_space<vmem>>, vector<1x16xf32>
    %add3A_19 = vector.broadcast %get3A_18 : vector<1x16xf32> to vector<5000x16xf32>
    %add3A_20 = arith.addf %mul3A, %add3A_19 : vector<5000x16xf32>
    %max3A = arith.constant 0.000000e+00 : f32
    %max3A_21 = vector.broadcast %max3A : f32 to vector<5000x16xf32>
    %max3A_22 = arith.maximumf %add3A_20, %max3A_21 : vector<5000x16xf32>
    %get3A_23 = arith.constant 0 : index
    %get3A_24 = arith.constant 0 : index
    %get3A_25 = vector.load %arg6[%get3A_23, %get3A_24] : memref<16x16xf32, #tpu.memory_space<vmem>>, vector<16x16xf32>
    %dot_general3A = arith.constant dense<0.000000e+00> : vector<5000x16xf32>
    %dot_general3A_26 = tpu.matmul %max3A_22, %get3A_25, %dot_general3A {dimension_numbers = #tpu.dot_dimension_numbers<[1], [0], [0], [1], [0, 0, 1, 1], [], []>, transpose_lhs_hint = false} : vector<5000x16xf32>, vector<16x16xf32>, vector<5000x16xf32> -> vector<5000x16xf32>
    %mul3A_27 = arith.mulf %get3A_1, %dot_general3A_26 : vector<5000x16xf32>
    %swap3A = arith.constant 0 : index
    %swap3A_28 = arith.constant 0 : index
    %swap3A_29 = vector.load %arg7[%swap3A, %swap3A_28] : memref<5000x16xf32, #tpu.memory_space<vmem>>, vector<5000x16xf32>
    tpu.vector_store %arg7[%swap3A, %swap3A_28], %mul3A_27 {strides = array<i32>} : memref<5000x16xf32, #tpu.memory_space<vmem>>, vector<5000x16xf32>,
    return
  }
  func.func @transform_0(%arg0: i32) -> (i32, i32, i32) {
    %c0_i32 = arith.constant 0 : i32
    %c0_i32_0 = arith.constant 0 : i32
    %c0_i32_1 = arith.constant 0 : i32
    return %c0_i32, %arg0, %c0_i32_0 : i32, i32, i32
  }
  func.func @transform_1(%arg0: i32) -> (i32, i32, i32) {
    %c1_i32 = arith.constant 1 : i32
    %c0_i32 = arith.constant 0 : i32
    %c0_i32_0 = arith.constant 0 : i32
    return %c1_i32, %arg0, %c0_i32 : i32, i32, i32
  }
  func.func @transform_2(%arg0: i32) -> (i32, i32) {
    %c0_i32 = arith.constant 0 : i32
    %c0_i32_0 = arith.constant 0 : i32
    return %arg0, %c0_i32 : i32, i32
  }
  func.func @transform_3(%arg0: i32) -> (i32, i32) {
    %c0_i32 = arith.constant 0 : i32
    %c0_i32_0 = arith.constant 0 : i32
    return %arg0, %c0_i32 : i32, i32
  }
  func.func @transform_4(%arg0: i32) -> (i32, i32) {
    %c0_i32 = arith.constant 0 : i32
    %c0_i32_0 = arith.constant 0 : i32
    %c0_i32_1 = arith.constant 0 : i32
    return %c0_i32, %c0_i32_0 : i32, i32
  }
  func.func @transform_5(%arg0: i32) -> (i32, i32) {
    %c0_i32 = arith.constant 0 : i32
    %c0_i32_0 = arith.constant 0 : i32
    %c0_i32_1 = arith.constant 0 : i32
    return %c0_i32, %c0_i32_0 : i32, i32
  }
  func.func @transform_6(%arg0: i32) -> (i32, i32) {
    %c0_i32 = arith.constant 0 : i32
    %c0_i32_0 = arith.constant 0 : i32
    return %arg0, %c0_i32 : i32, i32
  }
}

module attributes {stable_mosaic.version = 14 : i64} {
  func.func @_tc_fin_body(%arg0: i32, %arg1: memref<1x5000x16xf32, #tpu.memory_space<vmem>>, %arg2: memref<1x5000x16xf32, #tpu.memory_space<vmem>>, %arg3: memref<5000x16xf32, #tpu.memory_space<vmem>>, %arg4: memref<5000x16xf32, #tpu.memory_space<vmem>>, %arg5: memref<1x16xf32, #tpu.memory_space<vmem>>, %arg6: memref<5000x16xf32, #tpu.memory_space<vmem>>) attributes {dimension_semantics = [#tpu.dimension_semantics<arbitrary>], iteration_bounds = array<i64: 2>, scalar_prefetch = 0 : i64, scratch_operands = 0 : i64, tpu.core_type = #tpu.core_type<tc>, window_params = [{transform_indices = @transform_0, window_bounds = array<i64: 1, 5000, 16>}, {transform_indices = @transform_1, window_bounds = array<i64: 1, 5000, 16>}, {transform_indices = @transform_2, window_bounds = array<i64: 5000, 16>}, {transform_indices = @transform_3, window_bounds = array<i64: 5000, 16>}, {pipeline_mode = #tpu.pipeline_mode<synchronous>, transform_indices = @transform_4, window_bounds = array<i64: 1, 16>}, {transform_indices = @transform_5, window_bounds = array<i64: 5000, 16>}]} {
    %get3A = arith.constant 0 : index
    %get3A_0 = arith.constant 0 : index
    %get3A_1 = vector.load %arg4[%get3A, %get3A_0] : memref<5000x16xf32, #tpu.memory_space<vmem>>, vector<5000x16xf32>
    %get3A_2 = arith.constant 0 : index
    %get3A_3 = arith.constant 0 : index
    %get3A_4 = arith.constant 0 : index
    %get3A_5 = vector.load %arg1[%get3A_2, %get3A_3, %get3A_4] : memref<1x5000x16xf32, #tpu.memory_space<vmem>>, vector<1x5000x16xf32>
    %get3A_6 = vector.shape_cast %get3A_5 : vector<1x5000x16xf32> to vector<5000x16xf32>
    %get3A_7 = arith.constant 0 : index
    %get3A_8 = arith.constant 0 : index
    %get3A_9 = arith.constant 0 : index
    %get3A_10 = vector.load %arg2[%get3A_7, %get3A_8, %get3A_9] : memref<1x5000x16xf32, #tpu.memory_space<vmem>>, vector<1x5000x16xf32>
    %get3A_11 = vector.shape_cast %get3A_10 : vector<1x5000x16xf32> to vector<5000x16xf32>
    %add3A = arith.addf %get3A_6, %get3A_11 : vector<5000x16xf32>
    %get3A_12 = arith.constant 0 : index
    %get3A_13 = arith.constant 0 : index
    %get3A_14 = vector.load %arg3[%get3A_12, %get3A_13] : memref<5000x16xf32, #tpu.memory_space<vmem>>, vector<5000x16xf32>
    %add3A_15 = arith.addf %add3A, %get3A_14 : vector<5000x16xf32>
    %mul3A = arith.mulf %get3A_1, %add3A_15 : vector<5000x16xf32>
    %get3A_16 = arith.constant 0 : index
    %get3A_17 = arith.constant 0 : index
    %get3A_18 = vector.load %arg5[%get3A_16, %get3A_17] : memref<1x16xf32, #tpu.memory_space<vmem>>, vector<1x16xf32>
    %add3A_19 = vector.broadcast %get3A_18 : vector<1x16xf32> to vector<5000x16xf32>
    %add3A_20 = arith.addf %mul3A, %add3A_19 : vector<5000x16xf32>
    %swap3A = arith.constant 0 : index
    %swap3A_21 = arith.constant 0 : index
    %swap3A_22 = vector.load %arg6[%swap3A, %swap3A_21] : memref<5000x16xf32, #tpu.memory_space<vmem>>, vector<5000x16xf32>
    tpu.vector_store %arg6[%swap3A, %swap3A_21], %add3A_20 {strides = array<i32>} : memref<5000x16xf32, #tpu.memory_space<vmem>>, vector<5000x16xf32>,
    return
  }
  func.func @transform_0(%arg0: i32) -> (i32, i32, i32) {
    %c0_i32 = arith.constant 0 : i32
    %c0_i32_0 = arith.constant 0 : i32
    %c0_i32_1 = arith.constant 0 : i32
    return %c0_i32, %arg0, %c0_i32_0 : i32, i32, i32
  }
  func.func @transform_1(%arg0: i32) -> (i32, i32, i32) {
    %c1_i32 = arith.constant 1 : i32
    %c0_i32 = arith.constant 0 : i32
    %c0_i32_0 = arith.constant 0 : i32
    return %c1_i32, %arg0, %c0_i32 : i32, i32, i32
  }
  func.func @transform_2(%arg0: i32) -> (i32, i32) {
    %c0_i32 = arith.constant 0 : i32
    %c0_i32_0 = arith.constant 0 : i32
    return %arg0, %c0_i32 : i32, i32
  }
  func.func @transform_3(%arg0: i32) -> (i32, i32) {
    %c0_i32 = arith.constant 0 : i32
    %c0_i32_0 = arith.constant 0 : i32
    return %arg0, %c0_i32 : i32, i32
  }
  func.func @transform_4(%arg0: i32) -> (i32, i32) {
    %c0_i32 = arith.constant 0 : i32
    %c0_i32_0 = arith.constant 0 : i32
    %c0_i32_1 = arith.constant 0 : i32
    return %c0_i32, %c0_i32_0 : i32, i32
  }
  func.func @transform_5(%arg0: i32) -> (i32, i32) {
    %c0_i32 = arith.constant 0 : i32
    %c0_i32_0 = arith.constant 0 : i32
    return %arg0, %c0_i32 : i32, i32
  }
}

</mosaic_0001>

<sc_bundles>
// kernel: kernel.12.cloned.1.call-start
scs
__scs_entry_jumppad:
0x0: {  	(pc) =	sbr.rel $0x88, $3  }
0x1: {  	(tag) =	ssettag $0x0;
	lr =	simm.s32 $0x1  }
0x2: {  	[smem:$0x3F9B] =	sst lr;
	_ =	strace $0xD0000000  }
0x3: {  	_ = 	snop  }
0x4: {  	_ = 	snop  }
0x5: {  	_ = 	snop  }
0x6: {  	_ = 	snop  }
0x7: {  	_ = 	snop  }
__scs_overlays_trampoline_lowered:
0x8: {  	[smem:$0x3FAA] =	sst s0  }
0x9: {  	[smem:$0x3FAB] =	sst s1  }
0xa: {  	[smem:$0x3FAC] =	sst s2  }
0xb: {  	[smem:$0x3FAD] =	sst s3  }
0xc: {  	[smem:$0x3FAE] =	sst s4  }
0xd: {  	[smem:$0x3FAF] =	sst s5  }
0xe: {  	[smem:$0x3FB0] =	sst s6  }
0xf: {  	[smem:$0x3FB1] =	sst s7  }
0x10: {  	[smem:$0x3FB2] =	sst s8  }
0x11: {  	[smem:$0x3FB3] =	sst s9;
	s0 =	simm.s32 @!p0 $0x0  }
0x12: {  	s1 =	sld [smem:$0x3F99];
	s0 =	simm.s32 @p0 $0x1  }
0x13: {  	[smem:$0x3FB4] =	sst s0;
	s0 =	simm.s32 @!p1 $0x0  }
0x14: {  	s2 =	sld [smem:$0x3F98];
	s0 =	simm.s32 @p1 $0x1  }
0x15: {  	[smem:$0x3FB5] =	sst s0;
	s0 =	simm.s32 @!p2 $0x0  }
0x16: {  	s3 =	sld [smem:$0x3FDB];
	s0 =	simm.s32 @p2 $0x1  }
0x17: {  	s4 =	simm.s32 $0x1BF5;
	[smem:$0x3FB7] =	sst s0  }
0x18: {  	s0 =	sld [smem:$0x3F9A];
	_ =	swait.ge [sflag:s4], $0x0  }
0x19: {  	s7 =	sld [smem:$0x3F9B]  }
0x1a: {  	s8 =	sadd.s32 $0xFFFFE003, lr  }
0x1b: {  	s9 =	sadd.s32 $0xFFFFFEF7, lr;
	s5 =	simm.s32 $0xFFFFFFFF;
	p2 =	slt.u32 s8, $0xFFFFF086  }
0x1c: {  	p1 =	slt.u32 s9, $0xF7A;
	s5 =	simm.s32 @!p2 $0x0  }
0x1d: {  	s5 =	simm.s32 @p1 $0x1;
	p0 =	seq.s32 s7, s2  }
0x1e: {  	s7 =	smul.u32 @!p0 $0xF7A, s2;
	p2 =	seq.s32 @!p0 s5, $0x0  }
0x1f: {  	s9 =	smul.u32 $0xF7A, s1;
	s8 =	simm.s32 @!p0 $0x1BF5;
	p2 =	por !p2, p0  }
0x20: {  	[sflag:s8] =	ssyncset.s32 @!p0 $0xFFFFF086;
	s6 =	sadd.s32 @!p0 s3, s7;
	s7 =	simm.s32 @!p0 $0x108  }
0x21: {  	s3 =	sadd.s32 s3, s9;
	s6 =	sadd.s32 @!p0 $0x88, s6;
	s7 =	simm.s32 @p2 $0x1082  }
0x22: {  	[simem:s7], [sflag:s8] =	dma.local @!p0 [hbm:s6], $0xF7A  }
0x23: {  	s9 =	sor.u32 $0xD0000000, s2;
	s6 =	simm.s32 $0x108;
	_ =	swait.ge @!p0 [sflag:s8], $0x0  }
0x24: {  	s3 =	sadd.s32 $0x88, s3;
	s6 =	simm.s32 @!p1 $0x1082;
	[sflag:s4] =	ssyncset.s32 $0xFFFFF086  }
0x25: {  	[simem:s6], [sflag:s4] =	dma.local [hbm:s3], $0xF7A  }
0x26: {  	[smem:$0x3F9B] =	sst s1;
	(tag) =	ssettag s2;
	_ =	strace s9  }
0x27: {  	s1 =	sld [smem:$0x3FAB]  }
0x28: {  	s2 =	sld [smem:$0x3FAC]  }
0x29: {  	s4 =	sld [smem:$0x3FAE]  }
0x2a: {  	p0 =	seq.s32 s5, $0x0;
	s5 =	sld [smem:$0x3FAF]  }
0x2b: {  	s6 =	sld [smem:$0x3FB0]  }
0x2c: {  	s7 =	sld [smem:$0x3FB1]  }
0x2d: {  	s3 =	simm.s32 $0x108;
	s8 =	sld [smem:$0x3FB2]  }
0x2e: {  	s3 =	simm.s32 @!p0 $0x1082;
	s9 =	sld [smem:$0x3FB3]  }
0x2f: {  	lr =	sadd.s32 s0, s3;
	s0 =	sld [smem:$0x3FAA]  }
0x30: {  	s3 =	sld [smem:$0x3FAD]  }
0x31: {  	[smem:$0x3FB6] =	sst s10  }
0x32: {  	s10 =	sld [smem:$0x3FB4];
	_ =	sdelay $0x3  }
0x33: {  	p0 =	seq.s32 s10, $0x1;
	s10 =	sld [smem:$0x3FB6];
	_ =	sdelay $0x3  }
0x34: {  	[smem:$0x3FB6] =	sst s10  }
0x35: {  	s10 =	sld [smem:$0x3FB5];
	_ =	sdelay $0x3  }
0x36: {  	p1 =	seq.s32 s10, $0x1;
	s10 =	sld [smem:$0x3FB6];
	_ =	sdelay $0x3  }
0x37: {  	[smem:$0x3FB6] =	sst s10  }
0x38: {  	s10 =	sld [smem:$0x3FB7]  }
0x39: {  	_ = 	snop;
	(pc) =	sbr.ind lr, $3  }
0x3a: {  	_ = 	snop  }
0x3b: {  	_ = 	snop  }
0x3c: {  	p2 =	seq.s32 s10, $0x1;
	s10 =	sld [smem:$0x3FB6]  }
0x3d: {  	_ =	shalt  }
0x3e: {  	_ =	shalt  }
0x3f: {  	_ =	shalt  }
0x40: {  	_ =	shalt  }
0x41: {  	_ =	shalt  }
0x42: {  	_ =	shalt  }
0x43: {  	_ =	shalt  }
0x44: {  	_ =	shalt  }
0x45: {  	_ =	shalt  }
0x46: {  	_ =	shalt  }
0x47: {  	_ =	shalt  }
0x48: {  	_ =	shalt  }
0x49: {  	_ =	shalt  }
0x4a: {  	_ =	shalt  }
0x4b: {  	_ =	shalt  }
0x4c: {  	_ =	shalt  }
0x4d: {  	_ =	shalt  }
0x4e: {  	_ =	shalt  }
0x4f: {  	_ =	shalt  }
0x50: {  	_ =	shalt  }
0x51: {  	_ =	shalt  }
0x52: {  	_ =	shalt  }
0x53: {  	_ =	shalt  }
0x54: {  	_ =	shalt  }
0x55: {  	_ =	shalt  }
0x56: {  	_ =	shalt  }
0x57: {  	_ =	shalt  }
0x58: {  	_ =	shalt  }
0x59: {  	_ =	shalt  }
0x5a: {  	_ =	shalt  }
0x5b: {  	_ =	shalt  }
0x5c: {  	_ =	shalt  }
0x5d: {  	_ =	shalt  }
0x5e: {  	_ =	shalt  }
0x5f: {  	_ =	shalt  }
0x60: {  	_ =	shalt  }
0x61: {  	_ =	shalt  }
0x62: {  	_ =	shalt  }
0x63: {  	_ =	shalt  }
0x64: {  	_ =	shalt  }
0x65: {  	_ =	shalt  }
0x66: {  	_ =	shalt  }
0x67: {  	_ =	shalt  }
0x68: {  	_ =	shalt  }
0x69: {  	_ =	shalt  }
0x6a: {  	_ =	shalt  }
0x6b: {  	_ =	shalt  }
0x6c: {  	_ =	shalt  }
0x6d: {  	_ =	shalt  }
0x6e: {  	_ =	shalt  }
0x6f: {  	_ =	shalt  }
0x70: {  	_ =	shalt  }
0x71: {  	_ =	shalt  }
0x72: {  	_ =	shalt  }
0x73: {  	_ =	shalt  }
0x74: {  	_ =	shalt  }
0x75: {  	_ =	shalt  }
0x76: {  	_ =	shalt  }
0x77: {  	_ =	shalt  }
0x78: {  	_ =	shalt  }
0x79: {  	_ =	shalt  }
0x7a: {  	_ =	shalt  }
0x7b: {  	_ =	shalt  }
0x7c: {  	_ =	shalt  }
0x7d: {  	_ =	shalt  }
0x7e: {  	_ =	shalt  }
0x7f: {  	_ =	shalt  }
0x80: {  	_ =	shalt  }
0x81: {  	_ =	shalt  }
0x82: {  	_ =	shalt  }
0x83: {  	_ =	shalt  }
0x84: {  	_ =	shalt  }
0x85: {  	_ =	shalt  }
0x86: {  	_ =	shalt  }
0x87: {  	_ =	shalt  }
.Lfunc_end0:
.L_simem_size_0:
called_computation.1_lowered:
.L_overlay_start_0:
0x88: {  	s2 =	sld [smem:$0x3FD9]  }
0x89: {  	s3 =	sld [smem:$0x3FFE];
	_ =	sdelay $0x1  }
0x8a: {  	s1 =	srdreg.scid  }
0x8b: {  	s0 =	sand.u32 $0x1, s1  }
0x8c: {  	s17 =	sshll.u32 s0, $0xA;
	s2 =	sadd.s32 s3, s2  }
0x8d: {  	s2 =	sadd.s32 s2, s17  }
0x8e: {  	[smem:$0x3FC2] =	sst s2  }
0x8f: {  	_ = 	snop  }
0x90: {  	s2 =	sld [smem:$0x3FD0];
	(tm) =	ssettm $0x1  }
0x91: {  	s18 =	sld [smem:$0x3FFB];
	_ =	sdelay $0x3  }
0x92: {  	_ =	strace s18  }
0x93: {  	s3 =	sld [smem:$0x3FFC];
	_ =	sdelay $0x3  }
0x94: {  	_ =	strace s3  }
0x95: {  	s3 =	sld [smem:$0x3FFD];
	_ =	sdelay $0x3  }
0x96: {  	_ =	strace s3  }
0x97: {  	_ =	strace $0x8FFFFFFF  }
0x98: {  	s19 =	sld [smem:$0x3FDB];
	_ =	sdelay $0x1  }
0x99: {  	s4 =	simm.s32 $_scs_section_size  }
0x9a: {  	s5 =	simm.s32 $_size__tile_overlayer_lowered;
	s6 =	simm.s32 $_tile_overlayer_lowered  }
0x9b: {  	s22 =	simm.s32 $0x1BFF;
	s21 =	sshll.u32 s6, $0x1;
	s3 =	sadd.s32 s4, s19  }
0x9c: {  	s7 =	simm.s32 $0x0;
	s20 =	sshll.u32 s5, $0x1;
	s5 =	sadd.s32 s21, s3  }
0x9d: {  	[timem:s7], [sflag:s22] =	dma.local [hbm:s5], s20  }
0x9e: {  	_ =	swait.ge [sflag:s22], s20  }
0x9f: {  	s4 =	ssub.s32 $0x0, s20;
	[sflag:s22] =	ssyncset.done $0x0  }
0xa0: {  	[sflag:s22] =	ssyncadd.s32 s4;
	_ =	sdelay $0x1  }
0xa1: {  	s23 =	simm.s32 $0x1B8B  }
0xa2: {  	_ =	swait.ge [sflag:s23], $0x1  }
0xa3: {  	[sflag:s23] =	ssyncset.done $0x0  }
0xa4: {  	s25 =	simm.s32 $0x1B8E;
	s24 =	sld [smem:$0x3FFE];
	[sflag:s23] =	ssyncadd.s32 $0xFFFFFFFF  }
0xa5: {  	s26 =	simm.s32 $execute0_lowered;
	[smem:$0x3FD2] =	sst s25  }
0xa6: {  	s5 =	sshll.u32 s26, $0x1;
	_ =	strace $0x80000049;
	[dreg:$0x1] =	wrdreg $0xFFFFFFFF  }
0xa7: {  	s28 =	simm.s32 $_size_execute0_lowered;
	s3 =	sadd.s32 s3, s5;
	[dreg:$0x0] =	wrdreg $0x0  }
0xa8: {  	s5 =	sshll.u32 s28, $0x1;
	[dreg:$0x2] =	wrdreg s3  }
0xa9: {  	[dreg:$0x3] =	wrdreg s5  }
0xaa: {  	[dreg:$0x4] =	wrdreg $0xC0  }
0xab: {  	_ =	task [dreg:s7], $0x5FFFF  }
0xac: {  	[dreg:$0x1] =	wrdreg $0xFFFFFFFF  }
0xad: {  	[dreg:$0x0] =	wrdreg $0x60  }
0xae: {  	[dreg:$0x2] =	wrdreg s24  }
0xaf: {  	[dreg:$0x3] =	wrdreg s2  }
0xb0: {  	[dreg:$0x4] =	wrdreg $0xF7800  }
0xb1: {  	[dreg:$0x5] =	wrdreg $0x11F000  }
0xb2: {  	[dreg:$0x6] =	wrdreg $0x9  }
0xb3: {  	_ =	task.clear_ibuf [dreg:s7], $0x7FFFF;
	_ =	strace $0x90000049  }
0xb4: {  	s29 =	simm.s32 $0x9;
	_ =	strace $0x8000004B  }
0xb5: {  	_ =	swait.ge [sflag:s29], $0x1  }
0xb6: {  	[sflag:s29] =	ssyncadd.s32 $0xFFFFFFFF  }
0xb7: {  	_ =	strace $0x9000004B  }
0xb8: {  	_ =	sfence  }
0xb9: {  	s30 =	sld [smem:$0x0];
	_ =	sdelay $0x2  }
0xba: {  	s31 =	sshll.u32 s1, $0xD;
	s1 =	sshrl.u32 s1, $0x2  }
0xbb: {  	s3 =	sand.u32 $0x4000, s31;
	s1 =	sadd.s32 s1, s30  }
0xbc: {  	s0 =	sor.u32 s3, s0;
	s1 =	sshll.u32 s1, $0x11  }
0xbd: {  	s0 =	sor.u32 s1, s0  }
0xbe: {  	s0 =	sadd.s32 $0x8F2B, s0  }
0xbf: {  	[sflag:s0] =	ssyncadd.remote.s32 $0x1  }
0xc0: {  	_ =	sfence.sel $0xFFFF  }
0xc1: {  	[dreg:$0x0] =	wrdreg $0xFFFFFFFF;
	(pc) =	sbr.abs _section_cstart, $3  }
0xc2: {  	[dreg:$0x1] =	wrdreg $0xFFFFFFFF  }
0xc3: {  	_ =	task.clear_ibuf [dreg:s7], $0x2FFFF;
	_ =	strace $0x9FFFFFFF  }
0xc4: {  	(tm) =	ssettm $0x7FFFFFFF  }
0xc5: {  	_ =	shalt  }
tec
execute0_lowered:
.L_overlay_start_1:
0x0: {  	(tag) =	ssettag $0x1  }
0x1: {  	s0 =	rddreg [dreg:$0x0]  }
0x2: {  	s1 =	rddreg [dreg:$0x1]  }
0x3: {  	s3 =	srdreg.scid;
	s2 =	rddreg [dreg:$0x2]  }
0x4: {  	s18 =	stileid.u32;
	s4 =	simm.s32 $0x0;
	s19 =	simm.s32 $0x2  }
0x5: {  	s21 =	simm.s32 $0x400;
	s23 =	simm.s32 $0x1;
	s24 =	simm.s32 $0x80  }
0x6: {  	s28 =	simm.s32 $0xC000;
	s29 =	simm.s32 $0x4F80;
	s30 =	simm.s32 $0xC800  }
0x7: {  	s8 =	sand.u32 $0x1, s3;
	s3 =	rddreg [dreg:$0x3];
	s6 =	smul.u32 $0x9E00, s18  }
0x8: {  	s31 =	simm.s32 $0x0;
	[smem:$0x7FF] =	sst s4;
	s14 =	smul.u32 $0x2780, s18  }
0x9: {  	s10 =	sadd.s32 $0x4A10, s1;
	p0 =	seq.s32 s18, $0xF;
	s5 =	sshll.u32 s8, $0x4  }
0xa: {  	_ =	strace $0x8000004A;
	s7 =	ssub.s32 $0x2, s8;
	s15 =	smul.u32 $0x27100, s8  }
0xb: {  	s11 =	sadd.s32 $0x25080, s3;
	s5 =	sor.u32 s18, s5;
	s9 =	sshrl.u32 s7, $0x1  }
0xc: {  	s6 =	sshrl.u32 s6, $0x2;
	s25 =	sshrl.u32 s14, $0x3;
	s8 =	sadd.s32 s14, s3  }
0xd: {  	s5 =	smul.u32 $0x500, s5;
	s17 =	ssub.s32 s7, s9;
	s6 =	sadd.s32 s6, s2  }
0xe: {  	s7 =	sadd.s32 s1, s25;
	s9 =	sadd.s32 $0x25080, s2;
	s26 =	sadd.s32 s14, s15  }
0xf: {  	s16 =	sshrl.u32 s15, $0x3;
	s14 =	sadd.s32 s14, s2;
	s1 =	sshrl.u32 s26, $0x3  }
0x10: {  	s13 =	sadd.s32 s5, s0;
	s5 =	sadd.s32 $0x15600, s0;
	s0 =	sadd.s32 $0x15C00, s0  }
0x11: {  	s17 =	smax.u32 s17, $0x1;
	s15 =	sadd.s32 s0, s1;
	s0 =	sadd.s32 s0, s16  }
0x12: {  	s12 =	sadd.s32 $0xB600, s13;
	s13 =	sadd.s32 $0x1200, s13;
	s16 =	sadd.s32 $0x4A10, s0  }
.LBB2_1:
0x13: {  	s0 =	simm.s32 $0xD000  }
0x14: {  	[tilespmem:s0], [sflag:$0x2] =	stream.linear.gather [hbm4b:s5+s4], $0x2780, $0x38;
	[tilespmem:$0x14610] =	vst v63  }
0x15: {  	_ =	swait.ge [sflag:s19], $0x2780  }
0x16: {  	[sflag:s19] =	ssyncset.done $0x0  }
0x17: {  	s1 =	simm.s32 @p0 $0x2;
	s0 =	simm.s32 @p0 $0xD000;
	[sflag:s19] =	ssyncadd.s32 $0xFFFFD880  }
0x18: {  	[spmem:s9] =	stream.linear.scatter @p0 [tilespmem:s0], [sflag:$0x2], $0x2080, $0x38;
	[tilespmem:$0x14610] =	vst v63  }
0x19: {  	_ =	swait.ge @p0 [sflag:s1], $0x2080  }
0x1a: {  	[sflag:s1] =	ssyncset.done @p0 $0x0  }
0x1b: {  	s18 =	simm.s32 @p0 $0x0;
	[sflag:s1] =	ssyncadd.s32 @p0 $0xFFFFDF80  }
0x1c: {  	[tilespmem:s0], [sflag:$0x2] =	stream.linear.gather @p0 [hbm4b:s10+s18], $0x2080, $0x38;
	[tilespmem:$0x14610] =	vst v63  }
0x1d: {  	_ =	swait.ge @p0 [sflag:s1], $0x2080  }
0x1e: {  	[sflag:s1] =	ssyncset.done @p0 $0x0  }
0x1f: {  	[sflag:s1] =	ssyncadd.s32 @p0 $0xFFFFDF80  }
0x20: {  	[spmem:s11] =	stream.linear.scatter @p0 [tilespmem:s0], [sflag:$0x2], $0x2080, $0x38;
	[tilespmem:$0x14610] =	vst v63  }
0x21: {  	_ =	swait.ge @p0 [sflag:s1], $0x2080  }
0x22: {  	[sflag:s1] =	ssyncset.done @p0 $0x0  }
0x23: {  	s0 =	simm.s32 @!p0 $0xD000;
	[sflag:s1] =	ssyncadd.s32 @p0 $0xFFFFDF80;
	s1 =	simm.s32 @!p0 $0x2  }
0x24: {  	[spmem:s6] =	stream.linear.scatter @!p0 [tilespmem:s0], [sflag:$0x2], $0x2780, $0x38;
	[tilespmem:$0x14610] =	vst v63  }
0x25: {  	_ =	swait.ge @!p0 [sflag:s1], $0x2780  }
0x26: {  	[sflag:s1] =	ssyncset.done @!p0 $0x0  }
0x27: {  	s18 =	simm.s32 @!p0 $0x0;
	[sflag:s1] =	ssyncadd.s32 @!p0 $0xFFFFD880  }
0x28: {  	[tilespmem:s0], [sflag:$0x2] =	stream.linear.gather @!p0 [hbm4b:s7+s18], $0x2780, $0x38;
	[tilespmem:$0x14610] =	vst v63  }
0x29: {  	_ =	swait.ge @!p0 [sflag:s1], $0x2780  }
0x2a: {  	[sflag:s1] =	ssyncset.done @!p0 $0x0  }
0x2b: {  	[sflag:s1] =	ssyncadd.s32 @!p0 $0xFFFFD880  }
0x2c: {  	[spmem:s8] =	stream.linear.scatter @!p0 [tilespmem:s0], [sflag:$0x2], $0x2780, $0x38;
	[tilespmem:$0x14610] =	vst v63  }
0x2d: {  	_ =	swait.ge @!p0 [sflag:s1], $0x2780  }
0x2e: {  	[sflag:s1] =	ssyncset.done @!p0 $0x0  }
0x2f: {  	[sflag:s1] =	ssyncadd.s32 @!p0 $0xFFFFD880  }
0x30: {  	[tilespmem:s4], [sflag:$0x2] =	stream.linear.gather [hbm4b:s12+s4], $0x2800, $0x38;
	[tilespmem:$0x14610] =	vst v63  }
0x31: {  	_ =	swait.ge [sflag:s19], $0x2800  }
0x32: {  	[sflag:s19] =	ssyncset.done $0x0  }
0x33: {  	s18 =	simm.s32 $0x2800;
	[sflag:s19] =	ssyncadd.s32 $0xFFFFD800  }
0x34: {  	[tilespmem:s18], [sflag:$0x2] =	stream.linear.gather [hbm4b:s13+s4], $0x2800, $0x38;
	[tilespmem:$0x14610] =	vst v63  }
0x35: {  	_ =	swait.ge [sflag:s19], $0x2800  }
0x36: {  	[sflag:s19] =	ssyncset.done $0x0  }
0x37: {  	s22 =	simm.s32 $0x0;
	[sflag:s19] =	ssyncadd.s32 $0xFFFFD800  }
0x38: {  	s20 =	simm.s32 $0x5000;
	s0 =	sand.u32 $0x4000, s22;
	[bflag:$0x0] =	sbarrier.arrive $0xFFFF  }
0x39: {  	[tilespmem:s20], [sflag:$0x1] =	stream.indirect.gather [spmem:s3], $0x10, s4, s21, $0xb8;
	[tilespmem:$0x14610] =	vst v63  }
0x3a: {  	s26 =	simm.s32 $0x400;
	s25 =	ssub.s32 $0x9000, s0  }
0x3b: {  	[tilespmem:s25], [sflag:$0x1] =	stream.indirect.gather [spmem:s3], $0x10, s26, s21, $0xb8;
	[tilespmem:$0x14610] =	vst v63  }
0x3c: {  	_ =	swait.ge [sflag:s23], $0x4000  }
0x3d: {  	[sflag:s23] =	ssyncset.done $0x0  }
0x3e: {  	s22 =	simm.s32 $0x2800;
	s20 =	sadd.s32 $0x5000, s0;
	[sflag:s23] =	ssyncadd.s32 $0xFFFFC000  }
0x3f: {  	[spmem:s2] =	stream.indirect.scatter.add.f32 [tilespmem:s20], [sflag:$0x2], $0x10, s22, s24, $0xb8;
	[tilespmem:$0x14610] =	vst v63  }
0x40: {  	_ =	swait.ge [sflag:s19], $0x800  }
0x41: {  	[sflag:s19] =	ssyncset.done $0x0  }
0x42: {  	s25 =	sadd.s32 $0x5800, s0;
	s26 =	simm.s32 $0x2880;
	[sflag:s19] =	ssyncadd.s32 $0xFFFFF800  }
0x43: {  	[spmem:s2] =	stream.indirect.scatter.add.f32 [tilespmem:s25], [sflag:$0x2], $0x10, s26, s24, $0xb8;
	[tilespmem:$0x14610] =	vst v63  }
0x44: {  	_ =	swait.ge [sflag:s19], $0x800  }
0x45: {  	[sflag:s19] =	ssyncset.done $0x0  }
0x46: {  	s20 =	sadd.s32 $0x6000, s0;
	s22 =	simm.s32 $0x2900;
	[sflag:s19] =	ssyncadd.s32 $0xFFFFF800  }
0x47: {  	[spmem:s2] =	stream.indirect.scatter.add.f32 [tilespmem:s20], [sflag:$0x2], $0x10, s22, s24, $0xb8;
	[tilespmem:$0x14610] =	vst v63  }
0x48: {  	_ =	swait.ge [sflag:s19], $0x800  }
0x49: {  	[sflag:s19] =	ssyncset.done $0x0  }
0x4a: {  	s25 =	sadd.s32 $0x6800, s0;
	s26 =	simm.s32 $0x2980;
	[sflag:s19] =	ssyncadd.s32 $0xFFFFF800  }
0x4b: {  	[spmem:s2] =	stream.indirect.scatter.add.f32 [tilespmem:s25], [sflag:$0x2], $0x10, s26, s24, $0xb8;
	[tilespmem:$0x14610] =	vst v63  }
0x4c: {  	_ =	swait.ge [sflag:s19], $0x800  }
0x4d: {  	[sflag:s19] =	ssyncset.done $0x0  }
0x4e: {  	s20 =	sadd.s32 $0x7000, s0;
	s22 =	simm.s32 $0x2A00;
	[sflag:s19] =	ssyncadd.s32 $0xFFFFF800  }
0x4f: {  	[spmem:s2] =	stream.indirect.scatter.add.f32 [tilespmem:s20], [sflag:$0x2], $0x10, s22, s24, $0xb8;
	[tilespmem:$0x14610] =	vst v63  }
0x50: {  	_ =	swait.ge [sflag:s19], $0x800  }
0x51: {  	[sflag:s19] =	ssyncset.done $0x0  }
0x52: {  	s25 =	sadd.s32 $0x7800, s0;
	s26 =	simm.s32 $0x2A80;
	[sflag:s19] =	ssyncadd.s32 $0xFFFFF800  }
0x53: {  	[spmem:s2] =	stream.indirect.scatter.add.f32 [tilespmem:s25], [sflag:$0x2], $0x10, s26, s24, $0xb8;
	[tilespmem:$0x14610] =	vst v63  }
0x54: {  	_ =	swait.ge [sflag:s19], $0x800  }
0x55: {  	[sflag:s19] =	ssyncset.done $0x0  }
0x56: {  	s20 =	sor.u32 $0x8000, s0;
	s22 =	simm.s32 $0x2B00;
	[sflag:s19] =	ssyncadd.s32 $0xFFFFF800  }
0x57: {  	[spmem:s2] =	stream.indirect.scatter.add.f32 [tilespmem:s20], [sflag:$0x2], $0x10, s22, s24, $0xb8;
	[tilespmem:$0x14610] =	vst v63  }
0x58: {  	_ =	swait.ge [sflag:s19], $0x800  }
0x59: {  	s1 =	simm.s32 $0x400;
	[sflag:s19] =	ssyncset.done $0x0  }
0x5a: {  	s0 =	sor.u32 $0x8800, s0;
	s25 =	simm.s32 $0x2B80;
	[sflag:s19] =	ssyncadd.s32 $0xFFFFF800  }
0x5b: {  	[spmem:s2] =	stream.indirect.scatter.add.f32 [tilespmem:s0], [sflag:$0x2], $0x10, s25, s24, $0xb8;
	[tilespmem:$0x14610] =	vst v63  }
0x5c: {  	s18 =	simm.s32 $0x2000;
	s26 =	simm.s32 $0x4000;
	_ =	swait.ge [sflag:s19], $0x800  }
0x5d: {  	s20 =	simm.s32 $0x1;
	s0 =	sand.u32 $0x4000, s26;
	[sflag:s19] =	ssyncset.done $0x0  }
.LBB2_2:
0x5e: {  	s25 =	ssub.s32 $0x9000, s0  }
0x5f: {  	s26 =	sadd.s32 $0x400, s1;
	[sflag:s19] =	ssyncadd.s32 $0xFFFFF800;
	s22 =	smov.u32 s18  }
0x60: {  	[tilespmem:s25], [sflag:$0x1] =	stream.indirect.gather [spmem:s3], $0x10, s26, s21, $0xb8;
	[tilespmem:$0x14610] =	vst v63  }
0x61: {  	p1 =	sne.s32 s18, $0x8000;
	s18 =	sadd.s32 $0x1000, s18;
	_ =	swait.ge [sflag:s23], $0x4000  }
0x62: {  	[sflag:s23] =	ssyncset.done $0x0  }
0x63: {  	s25 =	sadd.s32 $0x5000, s0;
	s26 =	sadd.s32 $0x2800, s1;
	[sflag:s23] =	ssyncadd.s32 $0xFFFFC000  }
0x64: {  	[spmem:s2] =	stream.indirect.scatter.add.f32 [tilespmem:s25], [sflag:$0x2], $0x10, s26, s24, $0xb8;
	[tilespmem:$0x14610] =	vst v63  }
0x65: {  	_ =	swait.ge [sflag:s19], $0x800  }
0x66: {  	[sflag:s19] =	ssyncset.done $0x0  }
0x67: {  	s25 =	sadd.s32 $0x5800, s0;
	s26 =	sadd.s32 $0x2880, s1;
	[sflag:s19] =	ssyncadd.s32 $0xFFFFF800  }
0x68: {  	[spmem:s2] =	stream.indirect.scatter.add.f32 [tilespmem:s25], [sflag:$0x2], $0x10, s26, s24, $0xb8;
	[tilespmem:$0x14610] =	vst v63  }
0x69: {  	_ =	swait.ge [sflag:s19], $0x800  }
0x6a: {  	[sflag:s19] =	ssyncset.done $0x0  }
0x6b: {  	s25 =	sadd.s32 $0x6000, s0;
	s26 =	sadd.s32 $0x2900, s1;
	[sflag:s19] =	ssyncadd.s32 $0xFFFFF800  }
0x6c: {  	[spmem:s2] =	stream.indirect.scatter.add.f32 [tilespmem:s25], [sflag:$0x2], $0x10, s26, s24, $0xb8;
	[tilespmem:$0x14610] =	vst v63  }
0x6d: {  	_ =	swait.ge [sflag:s19], $0x800  }
0x6e: {  	[sflag:s19] =	ssyncset.done $0x0  }
0x6f: {  	s25 =	sadd.s32 $0x6800, s0;
	s26 =	sadd.s32 $0x2980, s1;
	[sflag:s19] =	ssyncadd.s32 $0xFFFFF800  }
0x70: {  	[spmem:s2] =	stream.indirect.scatter.add.f32 [tilespmem:s25], [sflag:$0x2], $0x10, s26, s24, $0xb8;
	[tilespmem:$0x14610] =	vst v63  }
0x71: {  	_ =	swait.ge [sflag:s19], $0x800  }
0x72: {  	[sflag:s19] =	ssyncset.done $0x0  }
0x73: {  	s25 =	sadd.s32 $0x7000, s0;
	s26 =	sadd.s32 $0x2A00, s1;
	[sflag:s19] =	ssyncadd.s32 $0xFFFFF800  }
0x74: {  	[spmem:s2] =	stream.indirect.scatter.add.f32 [tilespmem:s25], [sflag:$0x2], $0x10, s26, s24, $0xb8;
	[tilespmem:$0x14610] =	vst v63  }
0x75: {  	_ =	swait.ge [sflag:s19], $0x800  }
0x76: {  	[sflag:s19] =	ssyncset.done $0x0  }
0x77: {  	s25 =	sadd.s32 $0x7800, s0;
	s26 =	sadd.s32 $0x2A80, s1;
	[sflag:s19] =	ssyncadd.s32 $0xFFFFF800  }
0x78: {  	[spmem:s2] =	stream.indirect.scatter.add.f32 [tilespmem:s25], [sflag:$0x2], $0x10, s26, s24, $0xb8;
	[tilespmem:$0x14610] =	vst v63  }
0x79: {  	_ =	swait.ge [sflag:s19], $0x800  }
0x7a: {  	[sflag:s19] =	ssyncset.done $0x0  }
0x7b: {  	s25 =	sor.u32 $0x8000, s0;
	s26 =	sadd.s32 $0x2B00, s1;
	[sflag:s19] =	ssyncadd.s32 $0xFFFFF800  }
0x7c: {  	[spmem:s2] =	stream.indirect.scatter.add.f32 [tilespmem:s25], [sflag:$0x2], $0x10, s26, s24, $0xb8;
	[tilespmem:$0x14610] =	vst v63  }
0x7d: {  	_ =	swait.ge [sflag:s19], $0x800  }
.Ltmp0:
0x7e: {  	s20 =	sadd.s32 $0x1, s20;
	[sflag:s19] =	ssyncset.done $0x0;
	(pc) =	sbr.rel @p1 .LBB2_2-.Ltmp0, $4  }
0x7f: {  	s0 =	sor.u32 $0x8800, s0;
	s1 =	sadd.s32 $0x2B80, s1;
	[sflag:s19] =	ssyncadd.s32 $0xFFFFF800  }
0x80: {  	[spmem:s2] =	stream.indirect.scatter.add.f32 [tilespmem:s0], [sflag:$0x2], $0x10, s1, s24, $0xb8;
	[tilespmem:$0x14610] =	vst v63  }
0x81: {  	s0 =	sshll.u32 s20, $0xE;
	_ =	swait.ge [sflag:s19], $0x800  }
0x82: {  	s1 =	sshra.s32 s22, $0x2;
	s0 =	sand.u32 $0x4000, s0;
	[sflag:s19] =	ssyncset.done $0x0  }
0x83: {  	s18 =	ssub.s32 $0x9000, s0;
	s20 =	sadd.s32 $0x400, s1;
	[sflag:s19] =	ssyncadd.s32 $0xFFFFF800  }
0x84: {  	[tilespmem:s18], [sflag:$0x1] =	stream.indirect.gather [spmem:s3], $0x10, s20, s21, $0xb8;
	[tilespmem:$0x14610] =	vst v63  }
0x85: {  	_ =	swait.ge [sflag:s23], $0x4000  }
0x86: {  	[sflag:s23] =	ssyncset.done $0x0  }
0x87: {  	s25 =	sadd.s32 $0x5000, s0;
	s26 =	sadd.s32 $0x2800, s1;
	[sflag:s23] =	ssyncadd.s32 $0xFFFFC000  }
0x88: {  	[spmem:s2] =	stream.indirect.scatter.add.f32 [tilespmem:s25], [sflag:$0x2], $0x10, s26, s24, $0xb8;
	[tilespmem:$0x14610] =	vst v63  }
0x89: {  	_ =	swait.ge [sflag:s19], $0x800  }
0x8a: {  	[sflag:s19] =	ssyncset.done $0x0  }
0x8b: {  	s22 =	sadd.s32 $0x2880, s1;
	s20 =	sadd.s32 $0x5800, s0;
	[sflag:s19] =	ssyncadd.s32 $0xFFFFF800  }
0x8c: {  	[spmem:s2] =	stream.indirect.scatter.add.f32 [tilespmem:s20], [sflag:$0x2], $0x10, s22, s24, $0xb8;
	[tilespmem:$0x14610] =	vst v63  }
0x8d: {  	_ =	swait.ge [sflag:s19], $0x800  }
0x8e: {  	[sflag:s19] =	ssyncset.done $0x0  }
0x8f: {  	s25 =	sadd.s32 $0x6000, s0;
	s26 =	sadd.s32 $0x2900, s1;
	[sflag:s19] =	ssyncadd.s32 $0xFFFFF800  }
0x90: {  	[spmem:s2] =	stream.indirect.scatter.add.f32 [tilespmem:s25], [sflag:$0x2], $0x10, s26, s24, $0xb8;
	[tilespmem:$0x14610] =	vst v63  }
0x91: {  	_ =	swait.ge [sflag:s19], $0x800  }
0x92: {  	[sflag:s19] =	ssyncset.done $0x0  }
0x93: {  	s20 =	sadd.s32 $0x6800, s0;
	s22 =	sadd.s32 $0x2980, s1;
	[sflag:s19] =	ssyncadd.s32 $0xFFFFF800  }
0x94: {  	[spmem:s2] =	stream.indirect.scatter.add.f32 [tilespmem:s20], [sflag:$0x2], $0x10, s22, s24, $0xb8;
	[tilespmem:$0x14610] =	vst v63  }
0x95: {  	_ =	swait.ge [sflag:s19], $0x800  }
0x96: {  	[sflag:s19] =	ssyncset.done $0x0  }
0x97: {  	s25 =	sadd.s32 $0x7000, s0;
	s26 =	sadd.s32 $0x2A00, s1;
	[sflag:s19] =	ssyncadd.s32 $0xFFFFF800  }
0x98: {  	[spmem:s2] =	stream.indirect.scatter.add.f32 [tilespmem:s25], [sflag:$0x2], $0x10, s26, s24, $0xb8;
	[tilespmem:$0x14610] =	vst v63  }
0x99: {  	_ =	swait.ge [sflag:s19], $0x800  }
0x9a: {  	[sflag:s19] =	ssyncset.done $0x0  }
0x9b: {  	s20 =	sadd.s32 $0x7800, s0;
	s22 =	sadd.s32 $0x2A80, s1;
	[sflag:s19] =	ssyncadd.s32 $0xFFFFF800  }
0x9c: {  	[spmem:s2] =	stream.indirect.scatter.add.f32 [tilespmem:s20], [sflag:$0x2], $0x10, s22, s24, $0xb8;
	[tilespmem:$0x14610] =	vst v63  }
0x9d: {  	_ =	swait.ge [sflag:s19], $0x800  }
0x9e: {  	[sflag:s19] =	ssyncset.done $0x0  }
0x9f: {  	s25 =	sor.u32 $0x8000, s0;
	s26 =	sadd.s32 $0x2B00, s1;
	[sflag:s19] =	ssyncadd.s32 $0xFFFFF800  }
0xa0: {  	[spmem:s2] =	stream.indirect.scatter.add.f32 [tilespmem:s25], [sflag:$0x2], $0x10, s26, s24, $0xb8;
	[tilespmem:$0x14610] =	vst v63  }
0xa1: {  	_ =	swait.ge [sflag:s19], $0x800  }
0xa2: {  	[sflag:s19] =	ssyncset.done $0x0  }
0xa3: {  	s20 =	sor.u32 $0x8800, s0;
	s22 =	sadd.s32 $0x2B80, s1;
	[sflag:s19] =	ssyncadd.s32 $0xFFFFF800  }
0xa4: {  	[spmem:s2] =	stream.indirect.scatter.add.f32 [tilespmem:s20], [sflag:$0x2], $0x10, s22, s24, $0xb8;
	[tilespmem:$0x14610] =	vst v63  }
0xa5: {  	_ =	swait.ge [sflag:s19], $0x800  }
0xa6: {  	[sflag:s19] =	ssyncset.done $0x0  }
0xa7: {  	[sflag:s19] =	ssyncadd.s32 $0xFFFFF800  }
0xa8: {  	_ =	swait.ge [sflag:s23], $0x4000  }
0xa9: {  	[sflag:s23] =	ssyncset.done $0x0  }
0xaa: {  	s25 =	simm.s32 $0x4C00;
	s26 =	simm.s32 $0x9000;
	[sflag:s23] =	ssyncadd.s32 $0xFFFFC000  }
0xab: {  	[spmem:s2] =	stream.indirect.scatter.add.f32 [tilespmem:s26], [sflag:$0x2], $0x10, s25, s24, $0xb8;
	[tilespmem:$0x14610] =	vst v63  }
0xac: {  	_ =	swait.ge [sflag:s19], $0x800  }
0xad: {  	[sflag:s19] =	ssyncset.done $0x0  }
0xae: {  	s18 =	simm.s32 $0x9800;
	s1 =	simm.s32 $0x4C80;
	[sflag:s19] =	ssyncadd.s32 $0xFFFFF800  }
0xaf: {  	[spmem:s2] =	stream.indirect.scatter.add.f32 [tilespmem:s18], [sflag:$0x2], $0x10, s1, s24, $0xb8;
	[tilespmem:$0x14610] =	vst v63  }
0xb0: {  	_ =	swait.ge [sflag:s19], $0x800  }
0xb1: {  	[sflag:s19] =	ssyncset.done $0x0  }
0xb2: {  	s20 =	simm.s32 $0x4D00;
	s22 =	simm.s32 $0xA000;
	[sflag:s19] =	ssyncadd.s32 $0xFFFFF800  }
0xb3: {  	[spmem:s2] =	stream.indirect.scatter.add.f32 [tilespmem:s22], [sflag:$0x2], $0x10, s20, s24, $0xb8;
	[tilespmem:$0x14610] =	vst v63  }
0xb4: {  	_ =	swait.ge [sflag:s19], $0x800  }
0xb5: {  	[sflag:s19] =	ssyncset.done $0x0  }
0xb6: {  	s25 =	simm.s32 $0x4D80;
	s26 =	simm.s32 $0xA800;
	[sflag:s19] =	ssyncadd.s32 $0xFFFFF800  }
0xb7: {  	[spmem:s2] =	stream.indirect.scatter.add.f32 [tilespmem:s26], [sflag:$0x2], $0x10, s25, s24, $0xb8;
	[tilespmem:$0x14610] =	vst v63  }
0xb8: {  	_ =	swait.ge [sflag:s19], $0x800  }
0xb9: {  	[sflag:s19] =	ssyncset.done $0x0  }
0xba: {  	s18 =	simm.s32 $0x4E00;
	s20 =	simm.s32 $0xB000;
	[sflag:s19] =	ssyncadd.s32 $0xFFFFF800  }
0xbb: {  	[spmem:s2] =	stream.indirect.scatter.add.f32 [tilespmem:s20], [sflag:$0x2], $0x10, s18, s24, $0xb8;
	[tilespmem:$0x14610] =	vst v63  }
0xbc: {  	_ =	swait.ge [sflag:s19], $0x800  }
0xbd: {  	[sflag:s19] =	ssyncset.done $0x0  }
0xbe: {  	s22 =	simm.s32 $0x4E80;
	s25 =	simm.s32 $0xB800;
	[sflag:s19] =	ssyncadd.s32 $0xFFFFF800  }
0xbf: {  	[spmem:s2] =	stream.indirect.scatter.add.f32 [tilespmem:s25], [sflag:$0x2], $0x10, s22, s24, $0xb8;
	[tilespmem:$0x14610] =	vst v63  }
0xc0: {  	_ =	swait.ge [sflag:s19], $0x800  }
0xc1: {  	[sflag:s19] =	ssyncset.done $0x0  }
0xc2: {  	s26 =	simm.s32 $0x4F00;
	[sflag:s19] =	ssyncadd.s32 $0xFFFFF800  }
0xc3: {  	[spmem:s2] =	stream.indirect.scatter.add.f32 [tilespmem:s28], [sflag:$0x2], $0x10, s26, s24, $0xb8;
	[tilespmem:$0x14610] =	vst v63  }
0xc4: {  	_ =	swait.ge [sflag:s19], $0x800  }
0xc5: {  	[sflag:s19] =	ssyncset.done $0x0  }
0xc6: {  	[sflag:s19] =	ssyncadd.s32 $0xFFFFF800  }
0xc7: {  	[spmem:s2] =	stream.indirect.scatter.add.f32 [tilespmem:s30], [sflag:$0x2], $0x10, s29, s24, $0xb8;
	[tilespmem:$0x14610] =	vst v63  }
0xc8: {  	_ =	swait.ge [sflag:s19], $0x800  }
0xc9: {  	[sflag:s19] =	ssyncset.done $0x0  }
0xca: {  	[sflag:s19] =	ssyncadd.s32 $0xFFFFF800  }
0xcb: {  	s0 =	simm.s32 @p0 $0xD000;
	s1 =	simm.s32 @p0 $0x2;
	[bflag:$0x0] =	sbarrier.arrive $0xFFFF  }
0xcc: {  	[tilespmem:s0], [sflag:$0x2] =	stream.linear.gather @p0 [spmem:s9], $0x2080, $0x38;
	[tilespmem:$0x14610] =	vst v63  }
0xcd: {  	_ =	swait.ge @p0 [sflag:s1], $0x2080  }
0xce: {  	[sflag:s1] =	ssyncset.done @p0 $0x0  }
0xcf: {  	s18 =	simm.s32 @p0 $0x0;
	[sflag:s1] =	ssyncadd.s32 @p0 $0xFFFFDF80  }
0xd0: {  	[hbm4b:s16+s18] =	stream.linear.scatter @p0 [tilespmem:s0], [sflag:$0x2], $0x2080, $0x38;
	[tilespmem:$0x14610] =	vst v63  }
0xd1: {  	_ =	swait.ge @p0 [sflag:s1], $0x2080  }
0xd2: {  	[sflag:s1] =	ssyncset.done @p0 $0x0  }
0xd3: {  	s0 =	simm.s32 @!p0 $0xD000;
	[sflag:s1] =	ssyncadd.s32 @p0 $0xFFFFDF80;
	s1 =	simm.s32 @!p0 $0x2  }
0xd4: {  	[tilespmem:s0], [sflag:$0x2] =	stream.linear.gather @!p0 [spmem:s14], $0x2780, $0x38;
	[tilespmem:$0x14610] =	vst v63  }
0xd5: {  	s31 =	sadd.s32 $0x1, s31;
	_ =	swait.ge @!p0 [sflag:s1], $0x2780  }
0xd6: {  	p1 =	sne.s32 s31, s17;
	[sflag:s1] =	ssyncset.done @!p0 $0x0  }
.Ltmp1:
0xd7: {  	s18 =	simm.s32 @!p0 $0x0;
	[sflag:s1] =	ssyncadd.s32 @!p0 $0xFFFFD880;
	(pc) =	sbr.rel @p1 .LBB2_1-.Ltmp1, $4  }
0xd8: {  	[hbm4b:s15+s18] =	stream.linear.scatter @!p0 [tilespmem:s0], [sflag:$0x2], $0x2780, $0x38;
	[tilespmem:$0x14610] =	vst v63  }
0xd9: {  	_ =	swait.ge @!p0 [sflag:s1], $0x2780  }
0xda: {  	[sflag:s1] =	ssyncset.done @!p0 $0x0  }
0xdb: {  	[sflag:s1] =	ssyncadd.s32 @!p0 $0xFFFFD880  }
0xdc: {  	_ =	sfence.sel $0x180000  }
0xdd: {  	[bflag:$0x0] =	sbarrier.arrive $0xFFFF  }
0xde: {  	_ =	strace $0x9000004A  }
0xdf: {  	s0 =	stileid.u32;
	[bflag:$0x2] =	sbarrier.arrive $0xFFFF  }
0xe0: {  	p0 =	sne.s32 s0, $0x0;
	s0 =	rddreg [dreg:$0x4]  }
0xe1: {  	s0 =	sadd.s32 @!p0 $0x100000, s0  }
0xe2: {  	[sflag:s0] =	ssyncadd.tile.s32 @!p0 $0x1;
	_ =	shalt  }
.Lfunc_end2:
_tile_overlayer_lowered:
.L_overlay_start_2:
0xe3: {  	(tag) =	ssettag $0x2  }
0xe4: {  	s0 =	rddreg [dreg:$0x0];
	s2 =	stileid.u32  }
0xe5: {  	s1 =	rddreg [dreg:$0x1];
	p0 =	sne.s32 s2, $0x0  }
0xe6: {  	s3 =	rddreg [dreg:$0x2];
	[bflag:$0x3] =	sbarrier.arrive $0xFFFF;
	s2 =	simm.s32 @!p0 $0x1C02  }
0xe7: {  	[timem:s3], [sflag:s2] =	dma.local @!p0 [hbm:s0], s1  }
0xe8: {  	s0 =	simm.s32 @!p0 $0x2  }
0xe9: {  	_ =	swait.ge @!p0 [sflag:s0], s1  }
0xea: {  	s1 =	ssub.s32 @!p0 $0x0, s1;
	[sflag:s0] =	ssyncset.done @!p0 $0x0  }
0xeb: {  	[sflag:s0] =	ssyncadd.s32 @!p0 s1  }
0xec: {  	[bflag:$0x3] =	sbarrier.arrive $0xFFFF  }
0xed: {  	_ =	shalt  }

// kernel: kernel.15.cloned.1.call-start
scs
__scs_entry_jumppad:
0x0: {  	(pc) =	sbr.rel $0x88, $3  }
0x1: {  	(tag) =	ssettag $0x0;
	lr =	simm.s32 $0x1  }
0x2: {  	[smem:$0x3F9B] =	sst lr;
	_ =	strace $0xD0000000  }
0x3: {  	_ = 	snop  }
0x4: {  	_ = 	snop  }
0x5: {  	_ = 	snop  }
0x6: {  	_ = 	snop  }
0x7: {  	_ = 	snop  }
__scs_overlays_trampoline_lowered:
0x8: {  	[smem:$0x3FAA] =	sst s0  }
0x9: {  	[smem:$0x3FAB] =	sst s1  }
0xa: {  	[smem:$0x3FAC] =	sst s2  }
0xb: {  	[smem:$0x3FAD] =	sst s3  }
0xc: {  	[smem:$0x3FAE] =	sst s4  }
0xd: {  	[smem:$0x3FAF] =	sst s5  }
0xe: {  	[smem:$0x3FB0] =	sst s6  }
0xf: {  	[smem:$0x3FB1] =	sst s7  }
0x10: {  	[smem:$0x3FB2] =	sst s8  }
0x11: {  	[smem:$0x3FB3] =	sst s9;
	s0 =	simm.s32 @!p0 $0x0  }
0x12: {  	s1 =	sld [smem:$0x3F99];
	s0 =	simm.s32 @p0 $0x1  }
0x13: {  	[smem:$0x3FB4] =	sst s0;
	s0 =	simm.s32 @!p1 $0x0  }
0x14: {  	s2 =	sld [smem:$0x3F98];
	s0 =	simm.s32 @p1 $0x1  }
0x15: {  	[smem:$0x3FB5] =	sst s0;
	s0 =	simm.s32 @!p2 $0x0  }
0x16: {  	s3 =	sld [smem:$0x3FDB];
	s0 =	simm.s32 @p2 $0x1  }
0x17: {  	s4 =	simm.s32 $0x1BF5;
	[smem:$0x3FB7] =	sst s0  }
0x18: {  	s0 =	sld [smem:$0x3F9A];
	_ =	swait.ge [sflag:s4], $0x0  }
0x19: {  	s7 =	sld [smem:$0x3F9B]  }
0x1a: {  	s8 =	sadd.s32 $0xFFFFE003, lr  }
0x1b: {  	s9 =	sadd.s32 $0xFFFFFEF7, lr;
	s5 =	simm.s32 $0xFFFFFFFF;
	p2 =	slt.u32 s8, $0xFFFFF086  }
0x1c: {  	p1 =	slt.u32 s9, $0xF7A;
	s5 =	simm.s32 @!p2 $0x0  }
0x1d: {  	s5 =	simm.s32 @p1 $0x1;
	p0 =	seq.s32 s7, s2  }
0x1e: {  	s7 =	smul.u32 @!p0 $0xF7A, s2;
	p2 =	seq.s32 @!p0 s5, $0x0  }
0x1f: {  	s9 =	smul.u32 $0xF7A, s1;
	s8 =	simm.s32 @!p0 $0x1BF5;
	p2 =	por !p2, p0  }
0x20: {  	[sflag:s8] =	ssyncset.s32 @!p0 $0xFFFFF086;
	s6 =	sadd.s32 @!p0 s3, s7;
	s7 =	simm.s32 @!p0 $0x108  }
0x21: {  	s3 =	sadd.s32 s3, s9;
	s6 =	sadd.s32 @!p0 $0x88, s6;
	s7 =	simm.s32 @p2 $0x1082  }
0x22: {  	[simem:s7], [sflag:s8] =	dma.local @!p0 [hbm:s6], $0xF7A  }
0x23: {  	s9 =	sor.u32 $0xD0000000, s2;
	s6 =	simm.s32 $0x108;
	_ =	swait.ge @!p0 [sflag:s8], $0x0  }
0x24: {  	s3 =	sadd.s32 $0x88, s3;
	s6 =	simm.s32 @!p1 $0x1082;
	[sflag:s4] =	ssyncset.s32 $0xFFFFF086  }
0x25: {  	[simem:s6], [sflag:s4] =	dma.local [hbm:s3], $0xF7A  }
0x26: {  	[smem:$0x3F9B] =	sst s1;
	(tag) =	ssettag s2;
	_ =	strace s9  }
0x27: {  	s1 =	sld [smem:$0x3FAB]  }
0x28: {  	s2 =	sld [smem:$0x3FAC]  }
0x29: {  	s4 =	sld [smem:$0x3FAE]  }
0x2a: {  	p0 =	seq.s32 s5, $0x0;
	s5 =	sld [smem:$0x3FAF]  }
0x2b: {  	s6 =	sld [smem:$0x3FB0]  }
0x2c: {  	s7 =	sld [smem:$0x3FB1]  }
0x2d: {  	s3 =	simm.s32 $0x108;
	s8 =	sld [smem:$0x3FB2]  }
0x2e: {  	s3 =	simm.s32 @!p0 $0x1082;
	s9 =	sld [smem:$0x3FB3]  }
0x2f: {  	lr =	sadd.s32 s0, s3;
	s0 =	sld [smem:$0x3FAA]  }
0x30: {  	s3 =	sld [smem:$0x3FAD]  }
0x31: {  	[smem:$0x3FB6] =	sst s10  }
0x32: {  	s10 =	sld [smem:$0x3FB4];
	_ =	sdelay $0x3  }
0x33: {  	p0 =	seq.s32 s10, $0x1;
	s10 =	sld [smem:$0x3FB6];
	_ =	sdelay $0x3  }
0x34: {  	[smem:$0x3FB6] =	sst s10  }
0x35: {  	s10 =	sld [smem:$0x3FB5];
	_ =	sdelay $0x3  }
0x36: {  	p1 =	seq.s32 s10, $0x1;
	s10 =	sld [smem:$0x3FB6];
	_ =	sdelay $0x3  }
0x37: {  	[smem:$0x3FB6] =	sst s10  }
0x38: {  	s10 =	sld [smem:$0x3FB7]  }
0x39: {  	_ = 	snop;
	(pc) =	sbr.ind lr, $3  }
0x3a: {  	_ = 	snop  }
0x3b: {  	_ = 	snop  }
0x3c: {  	p2 =	seq.s32 s10, $0x1;
	s10 =	sld [smem:$0x3FB6]  }
0x3d: {  	_ =	shalt  }
0x3e: {  	_ =	shalt  }
0x3f: {  	_ =	shalt  }
0x40: {  	_ =	shalt  }
0x41: {  	_ =	shalt  }
0x42: {  	_ =	shalt  }
0x43: {  	_ =	shalt  }
0x44: {  	_ =	shalt  }
0x45: {  	_ =	shalt  }
0x46: {  	_ =	shalt  }
0x47: {  	_ =	shalt  }
0x48: {  	_ =	shalt  }
0x49: {  	_ =	shalt  }
0x4a: {  	_ =	shalt  }
0x4b: {  	_ =	shalt  }
0x4c: {  	_ =	shalt  }
0x4d: {  	_ =	shalt  }
0x4e: {  	_ =	shalt  }
0x4f: {  	_ =	shalt  }
0x50: {  	_ =	shalt  }
0x51: {  	_ =	shalt  }
0x52: {  	_ =	shalt  }
0x53: {  	_ =	shalt  }
0x54: {  	_ =	shalt  }
0x55: {  	_ =	shalt  }
0x56: {  	_ =	shalt  }
0x57: {  	_ =	shalt  }
0x58: {  	_ =	shalt  }
0x59: {  	_ =	shalt  }
0x5a: {  	_ =	shalt  }
0x5b: {  	_ =	shalt  }
0x5c: {  	_ =	shalt  }
0x5d: {  	_ =	shalt  }
0x5e: {  	_ =	shalt  }
0x5f: {  	_ =	shalt  }
0x60: {  	_ =	shalt  }
0x61: {  	_ =	shalt  }
0x62: {  	_ =	shalt  }
0x63: {  	_ =	shalt  }
0x64: {  	_ =	shalt  }
0x65: {  	_ =	shalt  }
0x66: {  	_ =	shalt  }
0x67: {  	_ =	shalt  }
0x68: {  	_ =	shalt  }
0x69: {  	_ =	shalt  }
0x6a: {  	_ =	shalt  }
0x6b: {  	_ =	shalt  }
0x6c: {  	_ =	shalt  }
0x6d: {  	_ =	shalt  }
0x6e: {  	_ =	shalt  }
0x6f: {  	_ =	shalt  }
0x70: {  	_ =	shalt  }
0x71: {  	_ =	shalt  }
0x72: {  	_ =	shalt  }
0x73: {  	_ =	shalt  }
0x74: {  	_ =	shalt  }
0x75: {  	_ =	shalt  }
0x76: {  	_ =	shalt  }
0x77: {  	_ =	shalt  }
0x78: {  	_ =	shalt  }
0x79: {  	_ =	shalt  }
0x7a: {  	_ =	shalt  }
0x7b: {  	_ =	shalt  }
0x7c: {  	_ =	shalt  }
0x7d: {  	_ =	shalt  }
0x7e: {  	_ =	shalt  }
0x7f: {  	_ =	shalt  }
0x80: {  	_ =	shalt  }
0x81: {  	_ =	shalt  }
0x82: {  	_ =	shalt  }
0x83: {  	_ =	shalt  }
0x84: {  	_ =	shalt  }
0x85: {  	_ =	shalt  }
0x86: {  	_ =	shalt  }
0x87: {  	_ =	shalt  }
.Lfunc_end0:
.L_simem_size_0:
called_computation.2_lowered:
.L_overlay_start_0:
0x88: {  	s2 =	sld [smem:$0x3FD9]  }
0x89: {  	s3 =	sld [smem:$0x3FFE];
	_ =	sdelay $0x1  }
0x8a: {  	s1 =	srdreg.scid  }
0x8b: {  	s0 =	sand.u32 $0x1, s1  }
0x8c: {  	s17 =	sshll.u32 s0, $0xA;
	s2 =	sadd.s32 s3, s2  }
0x8d: {  	s2 =	sadd.s32 s2, s17  }
0x8e: {  	[smem:$0x3FC2] =	sst s2  }
0x8f: {  	_ = 	snop  }
0x90: {  	s2 =	sld [smem:$0x3FD0];
	(tm) =	ssettm $0x1  }
0x91: {  	s18 =	sld [smem:$0x3FFB];
	_ =	sdelay $0x3  }
0x92: {  	_ =	strace s18  }
0x93: {  	s3 =	sld [smem:$0x3FFC];
	_ =	sdelay $0x3  }
0x94: {  	_ =	strace s3  }
0x95: {  	s3 =	sld [smem:$0x3FFD];
	_ =	sdelay $0x3  }
0x96: {  	_ =	strace s3  }
0x97: {  	_ =	strace $0x8FFFFFFF  }
0x98: {  	s19 =	sld [smem:$0x3FDB];
	_ =	sdelay $0x1  }
0x99: {  	s4 =	simm.s32 $_scs_section_size  }
0x9a: {  	s5 =	simm.s32 $_size__tile_overlayer_lowered;
	s6 =	simm.s32 $_tile_overlayer_lowered  }
0x9b: {  	s22 =	simm.s32 $0x1BFF;
	s21 =	sshll.u32 s6, $0x1;
	s3 =	sadd.s32 s4, s19  }
0x9c: {  	s7 =	simm.s32 $0x0;
	s20 =	sshll.u32 s5, $0x1;
	s5 =	sadd.s32 s21, s3  }
0x9d: {  	[timem:s7], [sflag:s22] =	dma.local [hbm:s5], s20  }
0x9e: {  	_ =	swait.ge [sflag:s22], s20  }
0x9f: {  	s4 =	ssub.s32 $0x0, s20;
	[sflag:s22] =	ssyncset.done $0x0  }
0xa0: {  	[sflag:s22] =	ssyncadd.s32 s4;
	_ =	sdelay $0x1  }
0xa1: {  	s23 =	simm.s32 $0x1B8B  }
0xa2: {  	_ =	swait.ge [sflag:s23], $0x1  }
0xa3: {  	[sflag:s23] =	ssyncset.done $0x0  }
0xa4: {  	s25 =	simm.s32 $0x1B8E;
	s24 =	sld [smem:$0x3FFE];
	[sflag:s23] =	ssyncadd.s32 $0xFFFFFFFF  }
0xa5: {  	s26 =	simm.s32 $execute0_lowered;
	[smem:$0x3FD2] =	sst s25  }
0xa6: {  	s5 =	sshll.u32 s26, $0x1;
	_ =	strace $0x8000004C;
	[dreg:$0x1] =	wrdreg $0xFFFFFFFF  }
0xa7: {  	s28 =	simm.s32 $_size_execute0_lowered;
	s3 =	sadd.s32 s3, s5;
	[dreg:$0x0] =	wrdreg $0x0  }
0xa8: {  	s5 =	sshll.u32 s28, $0x1;
	[dreg:$0x2] =	wrdreg s3  }
0xa9: {  	[dreg:$0x3] =	wrdreg s5  }
0xaa: {  	[dreg:$0x4] =	wrdreg $0xC0  }
0xab: {  	_ =	task [dreg:s7], $0x5FFFF  }
0xac: {  	[dreg:$0x1] =	wrdreg $0xFFFFFFFF  }
0xad: {  	[dreg:$0x0] =	wrdreg $0x60  }
0xae: {  	[dreg:$0x2] =	wrdreg s24  }
0xaf: {  	[dreg:$0x3] =	wrdreg s2  }
0xb0: {  	[dreg:$0x4] =	wrdreg $0xF7800  }
0xb1: {  	[dreg:$0x5] =	wrdreg $0x11F000  }
0xb2: {  	[dreg:$0x6] =	wrdreg $0x9  }
0xb3: {  	_ =	task.clear_ibuf [dreg:s7], $0x7FFFF;
	_ =	strace $0x9000004C  }
0xb4: {  	s29 =	simm.s32 $0x9;
	_ =	strace $0x8000004E  }
0xb5: {  	_ =	swait.ge [sflag:s29], $0x1  }
0xb6: {  	[sflag:s29] =	ssyncadd.s32 $0xFFFFFFFF  }
0xb7: {  	_ =	strace $0x9000004E  }
0xb8: {  	_ =	sfence  }
0xb9: {  	s30 =	sld [smem:$0x0];
	_ =	sdelay $0x2  }
0xba: {  	s31 =	sshll.u32 s1, $0xD;
	s1 =	sshrl.u32 s1, $0x2  }
0xbb: {  	s3 =	sand.u32 $0x4000, s31;
	s1 =	sadd.s32 s1, s30  }
0xbc: {  	s0 =	sor.u32 s3, s0;
	s1 =	sshll.u32 s1, $0x11  }
0xbd: {  	s0 =	sor.u32 s1, s0  }
0xbe: {  	s0 =	sadd.s32 $0x8F2B, s0  }
0xbf: {  	[sflag:s0] =	ssyncadd.remote.s32 $0x1  }
0xc0: {  	_ =	sfence.sel $0xFFFF  }
0xc1: {  	[dreg:$0x0] =	wrdreg $0xFFFFFFFF;
	(pc) =	sbr.abs _section_cstart, $3  }
0xc2: {  	[dreg:$0x1] =	wrdreg $0xFFFFFFFF  }
0xc3: {  	_ =	task.clear_ibuf [dreg:s7], $0x2FFFF;
	_ =	strace $0x9FFFFFFF  }
0xc4: {  	(tm) =	ssettm $0x7FFFFFFF  }
0xc5: {  	_ =	shalt  }
tec
execute0_lowered:
.L_overlay_start_1:
0x0: {  	(tag) =	ssettag $0x1  }
0x1: {  	s0 =	rddreg [dreg:$0x0]  }
0x2: {  	s1 =	rddreg [dreg:$0x1]  }
0x3: {  	s3 =	srdreg.scid;
	s2 =	rddreg [dreg:$0x2]  }
0x4: {  	s18 =	stileid.u32;
	s4 =	simm.s32 $0x0;
	s19 =	simm.s32 $0x2  }
0x5: {  	s21 =	simm.s32 $0x400;
	s23 =	simm.s32 $0x1;
	s24 =	simm.s32 $0x80  }
0x6: {  	s28 =	simm.s32 $0xC000;
	s29 =	simm.s32 $0x4F80;
	s30 =	simm.s32 $0xC800  }
0x7: {  	s8 =	sand.u32 $0x1, s3;
	s3 =	rddreg [dreg:$0x3];
	s6 =	smul.u32 $0x9E00, s18  }
0x8: {  	s31 =	simm.s32 $0x0;
	[smem:$0x7FF] =	sst s4;
	s14 =	smul.u32 $0x2780, s18  }
0x9: {  	s10 =	sadd.s32 $0x4A10, s1;
	p0 =	seq.s32 s18, $0xF;
	s5 =	sshll.u32 s8, $0x4  }
0xa: {  	_ =	strace $0x8000004D;
	s7 =	ssub.s32 $0x2, s8;
	s15 =	smul.u32 $0x27100, s8  }
0xb: {  	s11 =	sadd.s32 $0x25080, s3;
	s5 =	sor.u32 s18, s5;
	s9 =	sshrl.u32 s7, $0x1  }
0xc: {  	s6 =	sshrl.u32 s6, $0x2;
	s25 =	sshrl.u32 s14, $0x3;
	s8 =	sadd.s32 s14, s3  }
0xd: {  	s5 =	smul.u32 $0x500, s5;
	s17 =	ssub.s32 s7, s9;
	s6 =	sadd.s32 s6, s2  }
0xe: {  	s7 =	sadd.s32 s1, s25;
	s9 =	sadd.s32 $0x25080, s2;
	s26 =	sadd.s32 s14, s15  }
0xf: {  	s16 =	sshrl.u32 s15, $0x3;
	s14 =	sadd.s32 s14, s2;
	s1 =	sshrl.u32 s26, $0x3  }
0x10: {  	s13 =	sadd.s32 s5, s0;
	s5 =	sadd.s32 $0x15600, s0;
	s0 =	sadd.s32 $0x15C00, s0  }
0x11: {  	s17 =	smax.u32 s17, $0x1;
	s15 =	sadd.s32 s0, s1;
	s0 =	sadd.s32 s0, s16  }
0x12: {  	s12 =	sadd.s32 $0xB600, s13;
	s13 =	sadd.s32 $0x1200, s13;
	s16 =	sadd.s32 $0x4A10, s0  }
.LBB2_1:
0x13: {  	s0 =	simm.s32 $0xD000  }
0x14: {  	[tilespmem:s0], [sflag:$0x2] =	stream.linear.gather [hbm4b:s5+s4], $0x2780, $0x38;
	[tilespmem:$0x14610] =	vst v63  }
0x15: {  	_ =	swait.ge [sflag:s19], $0x2780  }
0x16: {  	[sflag:s19] =	ssyncset.done $0x0  }
0x17: {  	s1 =	simm.s32 @p0 $0x2;
	s0 =	simm.s32 @p0 $0xD000;
	[sflag:s19] =	ssyncadd.s32 $0xFFFFD880  }
0x18: {  	[spmem:s9] =	stream.linear.scatter @p0 [tilespmem:s0], [sflag:$0x2], $0x2080, $0x38;
	[tilespmem:$0x14610] =	vst v63  }
0x19: {  	_ =	swait.ge @p0 [sflag:s1], $0x2080  }
0x1a: {  	[sflag:s1] =	ssyncset.done @p0 $0x0  }
0x1b: {  	s18 =	simm.s32 @p0 $0x0;
	[sflag:s1] =	ssyncadd.s32 @p0 $0xFFFFDF80  }
0x1c: {  	[tilespmem:s0], [sflag:$0x2] =	stream.linear.gather @p0 [hbm4b:s10+s18], $0x2080, $0x38;
	[tilespmem:$0x14610] =	vst v63  }
0x1d: {  	_ =	swait.ge @p0 [sflag:s1], $0x2080  }
0x1e: {  	[sflag:s1] =	ssyncset.done @p0 $0x0  }
0x1f: {  	[sflag:s1] =	ssyncadd.s32 @p0 $0xFFFFDF80  }
0x20: {  	[spmem:s11] =	stream.linear.scatter @p0 [tilespmem:s0], [sflag:$0x2], $0x2080, $0x38;
	[tilespmem:$0x14610] =	vst v63  }
0x21: {  	_ =	swait.ge @p0 [sflag:s1], $0x2080  }
0x22: {  	[sflag:s1] =	ssyncset.done @p0 $0x0  }
0x23: {  	s0 =	simm.s32 @!p0 $0xD000;
	[sflag:s1] =	ssyncadd.s32 @p0 $0xFFFFDF80;
	s1 =	simm.s32 @!p0 $0x2  }
0x24: {  	[spmem:s6] =	stream.linear.scatter @!p0 [tilespmem:s0], [sflag:$0x2], $0x2780, $0x38;
	[tilespmem:$0x14610] =	vst v63  }
0x25: {  	_ =	swait.ge @!p0 [sflag:s1], $0x2780  }
0x26: {  	[sflag:s1] =	ssyncset.done @!p0 $0x0  }
0x27: {  	s18 =	simm.s32 @!p0 $0x0;
	[sflag:s1] =	ssyncadd.s32 @!p0 $0xFFFFD880  }
0x28: {  	[tilespmem:s0], [sflag:$0x2] =	stream.linear.gather @!p0 [hbm4b:s7+s18], $0x2780, $0x38;
	[tilespmem:$0x14610] =	vst v63  }
0x29: {  	_ =	swait.ge @!p0 [sflag:s1], $0x2780  }
0x2a: {  	[sflag:s1] =	ssyncset.done @!p0 $0x0  }
0x2b: {  	[sflag:s1] =	ssyncadd.s32 @!p0 $0xFFFFD880  }
0x2c: {  	[spmem:s8] =	stream.linear.scatter @!p0 [tilespmem:s0], [sflag:$0x2], $0x2780, $0x38;
	[tilespmem:$0x14610] =	vst v63  }
0x2d: {  	_ =	swait.ge @!p0 [sflag:s1], $0x2780  }
0x2e: {  	[sflag:s1] =	ssyncset.done @!p0 $0x0  }
0x2f: {  	[sflag:s1] =	ssyncadd.s32 @!p0 $0xFFFFD880  }
0x30: {  	[tilespmem:s4], [sflag:$0x2] =	stream.linear.gather [hbm4b:s12+s4], $0x2800, $0x38;
	[tilespmem:$0x14610] =	vst v63  }
0x31: {  	_ =	swait.ge [sflag:s19], $0x2800  }
0x32: {  	[sflag:s19] =	ssyncset.done $0x0  }
0x33: {  	s18 =	simm.s32 $0x2800;
	[sflag:s19] =	ssyncadd.s32 $0xFFFFD800  }
0x34: {  	[tilespmem:s18], [sflag:$0x2] =	stream.linear.gather [hbm4b:s13+s4], $0x2800, $0x38;
	[tilespmem:$0x14610] =	vst v63  }
0x35: {  	_ =	swait.ge [sflag:s19], $0x2800  }
0x36: {  	[sflag:s19] =	ssyncset.done $0x0  }
0x37: {  	s22 =	simm.s32 $0x0;
	[sflag:s19] =	ssyncadd.s32 $0xFFFFD800  }
0x38: {  	s20 =	simm.s32 $0x5000;
	s0 =	sand.u32 $0x4000, s22;
	[bflag:$0x0] =	sbarrier.arrive $0xFFFF  }
0x39: {  	[tilespmem:s20], [sflag:$0x1] =	stream.indirect.gather [spmem:s3], $0x10, s4, s21, $0xb8;
	[tilespmem:$0x14610] =	vst v63  }
0x3a: {  	s26 =	simm.s32 $0x400;
	s25 =	ssub.s32 $0x9000, s0  }
0x3b: {  	[tilespmem:s25], [sflag:$0x1] =	stream.indirect.gather [spmem:s3], $0x10, s26, s21, $0xb8;
	[tilespmem:$0x14610] =	vst v63  }
0x3c: {  	_ =	swait.ge [sflag:s23], $0x4000  }
0x3d: {  	[sflag:s23] =	ssyncset.done $0x0  }
0x3e: {  	s22 =	simm.s32 $0x2800;
	s20 =	sadd.s32 $0x5000, s0;
	[sflag:s23] =	ssyncadd.s32 $0xFFFFC000  }
0x3f: {  	[spmem:s2] =	stream.indirect.scatter.add.f32 [tilespmem:s20], [sflag:$0x2], $0x10, s22, s24, $0xb8;
	[tilespmem:$0x14610] =	vst v63  }
0x40: {  	_ =	swait.ge [sflag:s19], $0x800  }
0x41: {  	[sflag:s19] =	ssyncset.done $0x0  }
0x42: {  	s25 =	sadd.s32 $0x5800, s0;
	s26 =	simm.s32 $0x2880;
	[sflag:s19] =	ssyncadd.s32 $0xFFFFF800  }
0x43: {  	[spmem:s2] =	stream.indirect.scatter.add.f32 [tilespmem:s25], [sflag:$0x2], $0x10, s26, s24, $0xb8;
	[tilespmem:$0x14610] =	vst v63  }
0x44: {  	_ =	swait.ge [sflag:s19], $0x800  }
0x45: {  	[sflag:s19] =	ssyncset.done $0x0  }
0x46: {  	s20 =	sadd.s32 $0x6000, s0;
	s22 =	simm.s32 $0x2900;
	[sflag:s19] =	ssyncadd.s32 $0xFFFFF800  }
0x47: {  	[spmem:s2] =	stream.indirect.scatter.add.f32 [tilespmem:s20], [sflag:$0x2], $0x10, s22, s24, $0xb8;
	[tilespmem:$0x14610] =	vst v63  }
0x48: {  	_ =	swait.ge [sflag:s19], $0x800  }
0x49: {  	[sflag:s19] =	ssyncset.done $0x0  }
0x4a: {  	s25 =	sadd.s32 $0x6800, s0;
	s26 =	simm.s32 $0x2980;
	[sflag:s19] =	ssyncadd.s32 $0xFFFFF800  }
0x4b: {  	[spmem:s2] =	stream.indirect.scatter.add.f32 [tilespmem:s25], [sflag:$0x2], $0x10, s26, s24, $0xb8;
	[tilespmem:$0x14610] =	vst v63  }
0x4c: {  	_ =	swait.ge [sflag:s19], $0x800  }
0x4d: {  	[sflag:s19] =	ssyncset.done $0x0  }
0x4e: {  	s20 =	sadd.s32 $0x7000, s0;
	s22 =	simm.s32 $0x2A00;
	[sflag:s19] =	ssyncadd.s32 $0xFFFFF800  }
0x4f: {  	[spmem:s2] =	stream.indirect.scatter.add.f32 [tilespmem:s20], [sflag:$0x2], $0x10, s22, s24, $0xb8;
	[tilespmem:$0x14610] =	vst v63  }
0x50: {  	_ =	swait.ge [sflag:s19], $0x800  }
0x51: {  	[sflag:s19] =	ssyncset.done $0x0  }
0x52: {  	s25 =	sadd.s32 $0x7800, s0;
	s26 =	simm.s32 $0x2A80;
	[sflag:s19] =	ssyncadd.s32 $0xFFFFF800  }
0x53: {  	[spmem:s2] =	stream.indirect.scatter.add.f32 [tilespmem:s25], [sflag:$0x2], $0x10, s26, s24, $0xb8;
	[tilespmem:$0x14610] =	vst v63  }
0x54: {  	_ =	swait.ge [sflag:s19], $0x800  }
0x55: {  	[sflag:s19] =	ssyncset.done $0x0  }
0x56: {  	s20 =	sor.u32 $0x8000, s0;
	s22 =	simm.s32 $0x2B00;
	[sflag:s19] =	ssyncadd.s32 $0xFFFFF800  }
0x57: {  	[spmem:s2] =	stream.indirect.scatter.add.f32 [tilespmem:s20], [sflag:$0x2], $0x10, s22, s24, $0xb8;
	[tilespmem:$0x14610] =	vst v63  }
0x58: {  	_ =	swait.ge [sflag:s19], $0x800  }
0x59: {  	s1 =	simm.s32 $0x400;
	[sflag:s19] =	ssyncset.done $0x0  }
0x5a: {  	s0 =	sor.u32 $0x8800, s0;
	s25 =	simm.s32 $0x2B80;
	[sflag:s19] =	ssyncadd.s32 $0xFFFFF800  }
0x5b: {  	[spmem:s2] =	stream.indirect.scatter.add.f32 [tilespmem:s0], [sflag:$0x2], $0x10, s25, s24, $0xb8;
	[tilespmem:$0x14610] =	vst v63  }
0x5c: {  	s18 =	simm.s32 $0x2000;
	s26 =	simm.s32 $0x4000;
	_ =	swait.ge [sflag:s19], $0x800  }
0x5d: {  	s20 =	simm.s32 $0x1;
	s0 =	sand.u32 $0x4000, s26;
	[sflag:s19] =	ssyncset.done $0x0  }
.LBB2_2:
0x5e: {  	s25 =	ssub.s32 $0x9000, s0  }
0x5f: {  	s26 =	sadd.s32 $0x400, s1;
	[sflag:s19] =	ssyncadd.s32 $0xFFFFF800;
	s22 =	smov.u32 s18  }
0x60: {  	[tilespmem:s25], [sflag:$0x1] =	stream.indirect.gather [spmem:s3], $0x10, s26, s21, $0xb8;
	[tilespmem:$0x14610] =	vst v63  }
0x61: {  	p1 =	sne.s32 s18, $0x8000;
	s18 =	sadd.s32 $0x1000, s18;
	_ =	swait.ge [sflag:s23], $0x4000  }
0x62: {  	[sflag:s23] =	ssyncset.done $0x0  }
0x63: {  	s25 =	sadd.s32 $0x5000, s0;
	s26 =	sadd.s32 $0x2800, s1;
	[sflag:s23] =	ssyncadd.s32 $0xFFFFC000  }
0x64: {  	[spmem:s2] =	stream.indirect.scatter.add.f32 [tilespmem:s25], [sflag:$0x2], $0x10, s26, s24, $0xb8;
	[tilespmem:$0x14610] =	vst v63  }
0x65: {  	_ =	swait.ge [sflag:s19], $0x800  }
0x66: {  	[sflag:s19] =	ssyncset.done $0x0  }
0x67: {  	s25 =	sadd.s32 $0x5800, s0;
	s26 =	sadd.s32 $0x2880, s1;
	[sflag:s19] =	ssyncadd.s32 $0xFFFFF800  }
0x68: {  	[spmem:s2] =	stream.indirect.scatter.add.f32 [tilespmem:s25], [sflag:$0x2], $0x10, s26, s24, $0xb8;
	[tilespmem:$0x14610] =	vst v63  }
0x69: {  	_ =	swait.ge [sflag:s19], $0x800  }
0x6a: {  	[sflag:s19] =	ssyncset.done $0x0  }
0x6b: {  	s25 =	sadd.s32 $0x6000, s0;
	s26 =	sadd.s32 $0x2900, s1;
	[sflag:s19] =	ssyncadd.s32 $0xFFFFF800  }
0x6c: {  	[spmem:s2] =	stream.indirect.scatter.add.f32 [tilespmem:s25], [sflag:$0x2], $0x10, s26, s24, $0xb8;
	[tilespmem:$0x14610] =	vst v63  }
0x6d: {  	_ =	swait.ge [sflag:s19], $0x800  }
0x6e: {  	[sflag:s19] =	ssyncset.done $0x0  }
0x6f: {  	s25 =	sadd.s32 $0x6800, s0;
	s26 =	sadd.s32 $0x2980, s1;
	[sflag:s19] =	ssyncadd.s32 $0xFFFFF800  }
0x70: {  	[spmem:s2] =	stream.indirect.scatter.add.f32 [tilespmem:s25], [sflag:$0x2], $0x10, s26, s24, $0xb8;
	[tilespmem:$0x14610] =	vst v63  }
0x71: {  	_ =	swait.ge [sflag:s19], $0x800  }
0x72: {  	[sflag:s19] =	ssyncset.done $0x0  }
0x73: {  	s25 =	sadd.s32 $0x7000, s0;
	s26 =	sadd.s32 $0x2A00, s1;
	[sflag:s19] =	ssyncadd.s32 $0xFFFFF800  }
0x74: {  	[spmem:s2] =	stream.indirect.scatter.add.f32 [tilespmem:s25], [sflag:$0x2], $0x10, s26, s24, $0xb8;
	[tilespmem:$0x14610] =	vst v63  }
0x75: {  	_ =	swait.ge [sflag:s19], $0x800  }
0x76: {  	[sflag:s19] =	ssyncset.done $0x0  }
0x77: {  	s25 =	sadd.s32 $0x7800, s0;
	s26 =	sadd.s32 $0x2A80, s1;
	[sflag:s19] =	ssyncadd.s32 $0xFFFFF800  }
0x78: {  	[spmem:s2] =	stream.indirect.scatter.add.f32 [tilespmem:s25], [sflag:$0x2], $0x10, s26, s24, $0xb8;
	[tilespmem:$0x14610] =	vst v63  }
0x79: {  	_ =	swait.ge [sflag:s19], $0x800  }
0x7a: {  	[sflag:s19] =	ssyncset.done $0x0  }
0x7b: {  	s25 =	sor.u32 $0x8000, s0;
	s26 =	sadd.s32 $0x2B00, s1;
	[sflag:s19] =	ssyncadd.s32 $0xFFFFF800  }
0x7c: {  	[spmem:s2] =	stream.indirect.scatter.add.f32 [tilespmem:s25], [sflag:$0x2], $0x10, s26, s24, $0xb8;
	[tilespmem:$0x14610] =	vst v63  }
0x7d: {  	_ =	swait.ge [sflag:s19], $0x800  }
.Ltmp0:
0x7e: {  	s20 =	sadd.s32 $0x1, s20;
	[sflag:s19] =	ssyncset.done $0x0;
	(pc) =	sbr.rel @p1 .LBB2_2-.Ltmp0, $4  }
0x7f: {  	s0 =	sor.u32 $0x8800, s0;
	s1 =	sadd.s32 $0x2B80, s1;
	[sflag:s19] =	ssyncadd.s32 $0xFFFFF800  }
0x80: {  	[spmem:s2] =	stream.indirect.scatter.add.f32 [tilespmem:s0], [sflag:$0x2], $0x10, s1, s24, $0xb8;
	[tilespmem:$0x14610] =	vst v63  }
0x81: {  	s0 =	sshll.u32 s20, $0xE;
	_ =	swait.ge [sflag:s19], $0x800  }
0x82: {  	s1 =	sshra.s32 s22, $0x2;
	s0 =	sand.u32 $0x4000, s0;
	[sflag:s19] =	ssyncset.done $0x0  }
0x83: {  	s18 =	ssub.s32 $0x9000, s0;
	s20 =	sadd.s32 $0x400, s1;
	[sflag:s19] =	ssyncadd.s32 $0xFFFFF800  }
0x84: {  	[tilespmem:s18], [sflag:$0x1] =	stream.indirect.gather [spmem:s3], $0x10, s20, s21, $0xb8;
	[tilespmem:$0x14610] =	vst v63  }
0x85: {  	_ =	swait.ge [sflag:s23], $0x4000  }
0x86: {  	[sflag:s23] =	ssyncset.done $0x0  }
0x87: {  	s25 =	sadd.s32 $0x5000, s0;
	s26 =	sadd.s32 $0x2800, s1;
	[sflag:s23] =	ssyncadd.s32 $0xFFFFC000  }
0x88: {  	[spmem:s2] =	stream.indirect.scatter.add.f32 [tilespmem:s25], [sflag:$0x2], $0x10, s26, s24, $0xb8;
	[tilespmem:$0x14610] =	vst v63  }
0x89: {  	_ =	swait.ge [sflag:s19], $0x800  }
0x8a: {  	[sflag:s19] =	ssyncset.done $0x0  }
0x8b: {  	s22 =	sadd.s32 $0x2880, s1;
	s20 =	sadd.s32 $0x5800, s0;
	[sflag:s19] =	ssyncadd.s32 $0xFFFFF800  }
0x8c: {  	[spmem:s2] =	stream.indirect.scatter.add.f32 [tilespmem:s20], [sflag:$0x2], $0x10, s22, s24, $0xb8;
	[tilespmem:$0x14610] =	vst v63  }
0x8d: {  	_ =	swait.ge [sflag:s19], $0x800  }
0x8e: {  	[sflag:s19] =	ssyncset.done $0x0  }
0x8f: {  	s25 =	sadd.s32 $0x6000, s0;
	s26 =	sadd.s32 $0x2900, s1;
	[sflag:s19] =	ssyncadd.s32 $0xFFFFF800  }
0x90: {  	[spmem:s2] =	stream.indirect.scatter.add.f32 [tilespmem:s25], [sflag:$0x2], $0x10, s26, s24, $0xb8;
	[tilespmem:$0x14610] =	vst v63  }
0x91: {  	_ =	swait.ge [sflag:s19], $0x800  }
0x92: {  	[sflag:s19] =	ssyncset.done $0x0  }
0x93: {  	s20 =	sadd.s32 $0x6800, s0;
	s22 =	sadd.s32 $0x2980, s1;
	[sflag:s19] =	ssyncadd.s32 $0xFFFFF800  }
0x94: {  	[spmem:s2] =	stream.indirect.scatter.add.f32 [tilespmem:s20], [sflag:$0x2], $0x10, s22, s24, $0xb8;
	[tilespmem:$0x14610] =	vst v63  }
0x95: {  	_ =	swait.ge [sflag:s19], $0x800  }
0x96: {  	[sflag:s19] =	ssyncset.done $0x0  }
0x97: {  	s25 =	sadd.s32 $0x7000, s0;
	s26 =	sadd.s32 $0x2A00, s1;
	[sflag:s19] =	ssyncadd.s32 $0xFFFFF800  }
0x98: {  	[spmem:s2] =	stream.indirect.scatter.add.f32 [tilespmem:s25], [sflag:$0x2], $0x10, s26, s24, $0xb8;
	[tilespmem:$0x14610] =	vst v63  }
0x99: {  	_ =	swait.ge [sflag:s19], $0x800  }
0x9a: {  	[sflag:s19] =	ssyncset.done $0x0  }
0x9b: {  	s20 =	sadd.s32 $0x7800, s0;
	s22 =	sadd.s32 $0x2A80, s1;
	[sflag:s19] =	ssyncadd.s32 $0xFFFFF800  }
0x9c: {  	[spmem:s2] =	stream.indirect.scatter.add.f32 [tilespmem:s20], [sflag:$0x2], $0x10, s22, s24, $0xb8;
	[tilespmem:$0x14610] =	vst v63  }
0x9d: {  	_ =	swait.ge [sflag:s19], $0x800  }
0x9e: {  	[sflag:s19] =	ssyncset.done $0x0  }
0x9f: {  	s25 =	sor.u32 $0x8000, s0;
	s26 =	sadd.s32 $0x2B00, s1;
	[sflag:s19] =	ssyncadd.s32 $0xFFFFF800  }
0xa0: {  	[spmem:s2] =	stream.indirect.scatter.add.f32 [tilespmem:s25], [sflag:$0x2], $0x10, s26, s24, $0xb8;
	[tilespmem:$0x14610] =	vst v63  }
0xa1: {  	_ =	swait.ge [sflag:s19], $0x800  }
0xa2: {  	[sflag:s19] =	ssyncset.done $0x0  }
0xa3: {  	s20 =	sor.u32 $0x8800, s0;
	s22 =	sadd.s32 $0x2B80, s1;
	[sflag:s19] =	ssyncadd.s32 $0xFFFFF800  }
0xa4: {  	[spmem:s2] =	stream.indirect.scatter.add.f32 [tilespmem:s20], [sflag:$0x2], $0x10, s22, s24, $0xb8;
	[tilespmem:$0x14610] =	vst v63  }
0xa5: {  	_ =	swait.ge [sflag:s19], $0x800  }
0xa6: {  	[sflag:s19] =	ssyncset.done $0x0  }
0xa7: {  	[sflag:s19] =	ssyncadd.s32 $0xFFFFF800  }
0xa8: {  	_ =	swait.ge [sflag:s23], $0x4000  }
0xa9: {  	[sflag:s23] =	ssyncset.done $0x0  }
0xaa: {  	s25 =	simm.s32 $0x4C00;
	s26 =	simm.s32 $0x9000;
	[sflag:s23] =	ssyncadd.s32 $0xFFFFC000  }
0xab: {  	[spmem:s2] =	stream.indirect.scatter.add.f32 [tilespmem:s26], [sflag:$0x2], $0x10, s25, s24, $0xb8;
	[tilespmem:$0x14610] =	vst v63  }
0xac: {  	_ =	swait.ge [sflag:s19], $0x800  }
0xad: {  	[sflag:s19] =	ssyncset.done $0x0  }
0xae: {  	s18 =	simm.s32 $0x9800;
	s1 =	simm.s32 $0x4C80;
	[sflag:s19] =	ssyncadd.s32 $0xFFFFF800  }
0xaf: {  	[spmem:s2] =	stream.indirect.scatter.add.f32 [tilespmem:s18], [sflag:$0x2], $0x10, s1, s24, $0xb8;
	[tilespmem:$0x14610] =	vst v63  }
0xb0: {  	_ =	swait.ge [sflag:s19], $0x800  }
0xb1: {  	[sflag:s19] =	ssyncset.done $0x0  }
0xb2: {  	s20 =	simm.s32 $0x4D00;
	s22 =	simm.s32 $0xA000;
	[sflag:s19] =	ssyncadd.s32 $0xFFFFF800  }
0xb3: {  	[spmem:s2] =	stream.indirect.scatter.add.f32 [tilespmem:s22], [sflag:$0x2], $0x10, s20, s24, $0xb8;
	[tilespmem:$0x14610] =	vst v63  }
0xb4: {  	_ =	swait.ge [sflag:s19], $0x800  }
0xb5: {  	[sflag:s19] =	ssyncset.done $0x0  }
0xb6: {  	s25 =	simm.s32 $0x4D80;
	s26 =	simm.s32 $0xA800;
	[sflag:s19] =	ssyncadd.s32 $0xFFFFF800  }
0xb7: {  	[spmem:s2] =	stream.indirect.scatter.add.f32 [tilespmem:s26], [sflag:$0x2], $0x10, s25, s24, $0xb8;
	[tilespmem:$0x14610] =	vst v63  }
0xb8: {  	_ =	swait.ge [sflag:s19], $0x800  }
0xb9: {  	[sflag:s19] =	ssyncset.done $0x0  }
0xba: {  	s18 =	simm.s32 $0x4E00;
	s20 =	simm.s32 $0xB000;
	[sflag:s19] =	ssyncadd.s32 $0xFFFFF800  }
0xbb: {  	[spmem:s2] =	stream.indirect.scatter.add.f32 [tilespmem:s20], [sflag:$0x2], $0x10, s18, s24, $0xb8;
	[tilespmem:$0x14610] =	vst v63  }
0xbc: {  	_ =	swait.ge [sflag:s19], $0x800  }
0xbd: {  	[sflag:s19] =	ssyncset.done $0x0  }
0xbe: {  	s22 =	simm.s32 $0x4E80;
	s25 =	simm.s32 $0xB800;
	[sflag:s19] =	ssyncadd.s32 $0xFFFFF800  }
0xbf: {  	[spmem:s2] =	stream.indirect.scatter.add.f32 [tilespmem:s25], [sflag:$0x2], $0x10, s22, s24, $0xb8;
	[tilespmem:$0x14610] =	vst v63  }
0xc0: {  	_ =	swait.ge [sflag:s19], $0x800  }
0xc1: {  	[sflag:s19] =	ssyncset.done $0x0  }
0xc2: {  	s26 =	simm.s32 $0x4F00;
	[sflag:s19] =	ssyncadd.s32 $0xFFFFF800  }
0xc3: {  	[spmem:s2] =	stream.indirect.scatter.add.f32 [tilespmem:s28], [sflag:$0x2], $0x10, s26, s24, $0xb8;
	[tilespmem:$0x14610] =	vst v63  }
0xc4: {  	_ =	swait.ge [sflag:s19], $0x800  }
0xc5: {  	[sflag:s19] =	ssyncset.done $0x0  }
0xc6: {  	[sflag:s19] =	ssyncadd.s32 $0xFFFFF800  }
0xc7: {  	[spmem:s2] =	stream.indirect.scatter.add.f32 [tilespmem:s30], [sflag:$0x2], $0x10, s29, s24, $0xb8;
	[tilespmem:$0x14610] =	vst v63  }
0xc8: {  	_ =	swait.ge [sflag:s19], $0x800  }
0xc9: {  	[sflag:s19] =	ssyncset.done $0x0  }
0xca: {  	[sflag:s19] =	ssyncadd.s32 $0xFFFFF800  }
0xcb: {  	s0 =	simm.s32 @p0 $0xD000;
	s1 =	simm.s32 @p0 $0x2;
	[bflag:$0x0] =	sbarrier.arrive $0xFFFF  }
0xcc: {  	[tilespmem:s0], [sflag:$0x2] =	stream.linear.gather @p0 [spmem:s9], $0x2080, $0x38;
	[tilespmem:$0x14610] =	vst v63  }
0xcd: {  	_ =	swait.ge @p0 [sflag:s1], $0x2080  }
0xce: {  	[sflag:s1] =	ssyncset.done @p0 $0x0  }
0xcf: {  	s18 =	simm.s32 @p0 $0x0;
	[sflag:s1] =	ssyncadd.s32 @p0 $0xFFFFDF80  }
0xd0: {  	[hbm4b:s16+s18] =	stream.linear.scatter @p0 [tilespmem:s0], [sflag:$0x2], $0x2080, $0x38;
	[tilespmem:$0x14610] =	vst v63  }
0xd1: {  	_ =	swait.ge @p0 [sflag:s1], $0x2080  }
0xd2: {  	[sflag:s1] =	ssyncset.done @p0 $0x0  }
0xd3: {  	s0 =	simm.s32 @!p0 $0xD000;
	[sflag:s1] =	ssyncadd.s32 @p0 $0xFFFFDF80;
	s1 =	simm.s32 @!p0 $0x2  }
0xd4: {  	[tilespmem:s0], [sflag:$0x2] =	stream.linear.gather @!p0 [spmem:s14], $0x2780, $0x38;
	[tilespmem:$0x14610] =	vst v63  }
0xd5: {  	s31 =	sadd.s32 $0x1, s31;
	_ =	swait.ge @!p0 [sflag:s1], $0x2780  }
0xd6: {  	p1 =	sne.s32 s31, s17;
	[sflag:s1] =	ssyncset.done @!p0 $0x0  }
.Ltmp1:
0xd7: {  	s18 =	simm.s32 @!p0 $0x0;
	[sflag:s1] =	ssyncadd.s32 @!p0 $0xFFFFD880;
	(pc) =	sbr.rel @p1 .LBB2_1-.Ltmp1, $4  }
0xd8: {  	[hbm4b:s15+s18] =	stream.linear.scatter @!p0 [tilespmem:s0], [sflag:$0x2], $0x2780, $0x38;
	[tilespmem:$0x14610] =	vst v63  }
0xd9: {  	_ =	swait.ge @!p0 [sflag:s1], $0x2780  }
0xda: {  	[sflag:s1] =	ssyncset.done @!p0 $0x0  }
0xdb: {  	[sflag:s1] =	ssyncadd.s32 @!p0 $0xFFFFD880  }
0xdc: {  	_ =	sfence.sel $0x180000  }
0xdd: {  	[bflag:$0x0] =	sbarrier.arrive $0xFFFF  }
0xde: {  	_ =	strace $0x9000004D  }
0xdf: {  	s0 =	stileid.u32;
	[bflag:$0x2] =	sbarrier.arrive $0xFFFF  }
0xe0: {  	p0 =	sne.s32 s0, $0x0;
	s0 =	rddreg [dreg:$0x4]  }
0xe1: {  	s0 =	sadd.s32 @!p0 $0x100000, s0  }
0xe2: {  	[sflag:s0] =	ssyncadd.tile.s32 @!p0 $0x1;
	_ =	shalt  }
.Lfunc_end2:
_tile_overlayer_lowered:
.L_overlay_start_2:
0xe3: {  	(tag) =	ssettag $0x2  }
0xe4: {  	s0 =	rddreg [dreg:$0x0];
	s2 =	stileid.u32  }
0xe5: {  	s1 =	rddreg [dreg:$0x1];
	p0 =	sne.s32 s2, $0x0  }
0xe6: {  	s3 =	rddreg [dreg:$0x2];
	[bflag:$0x3] =	sbarrier.arrive $0xFFFF;
	s2 =	simm.s32 @!p0 $0x1C02  }
0xe7: {  	[timem:s3], [sflag:s2] =	dma.local @!p0 [hbm:s0], s1  }
0xe8: {  	s0 =	simm.s32 @!p0 $0x2  }
0xe9: {  	_ =	swait.ge @!p0 [sflag:s0], s1  }
0xea: {  	s1 =	ssub.s32 @!p0 $0x0, s1;
	[sflag:s0] =	ssyncset.done @!p0 $0x0  }
0xeb: {  	[sflag:s0] =	ssyncadd.s32 @!p0 s1  }
0xec: {  	[bflag:$0x3] =	sbarrier.arrive $0xFFFF  }
0xed: {  	_ =	shalt  }

// kernel: kernel.9.cloned.1.call-start
scs
__scs_entry_jumppad:
0x0: {  	(pc) =	sbr.rel $0x88, $3  }
0x1: {  	(tag) =	ssettag $0x0;
	lr =	simm.s32 $0x1  }
0x2: {  	[smem:$0x3F9B] =	sst lr;
	_ =	strace $0xD0000000  }
0x3: {  	_ = 	snop  }
0x4: {  	_ = 	snop  }
0x5: {  	_ = 	snop  }
0x6: {  	_ = 	snop  }
0x7: {  	_ = 	snop  }
__scs_overlays_trampoline_lowered:
0x8: {  	[smem:$0x3FAA] =	sst s0  }
0x9: {  	[smem:$0x3FAB] =	sst s1  }
0xa: {  	[smem:$0x3FAC] =	sst s2  }
0xb: {  	[smem:$0x3FAD] =	sst s3  }
0xc: {  	[smem:$0x3FAE] =	sst s4  }
0xd: {  	[smem:$0x3FAF] =	sst s5  }
0xe: {  	[smem:$0x3FB0] =	sst s6  }
0xf: {  	[smem:$0x3FB1] =	sst s7  }
0x10: {  	[smem:$0x3FB2] =	sst s8  }
0x11: {  	[smem:$0x3FB3] =	sst s9;
	s0 =	simm.s32 @!p0 $0x0  }
0x12: {  	s1 =	sld [smem:$0x3F99];
	s0 =	simm.s32 @p0 $0x1  }
0x13: {  	[smem:$0x3FB4] =	sst s0;
	s0 =	simm.s32 @!p1 $0x0  }
0x14: {  	s2 =	sld [smem:$0x3F98];
	s0 =	simm.s32 @p1 $0x1  }
0x15: {  	[smem:$0x3FB5] =	sst s0;
	s0 =	simm.s32 @!p2 $0x0  }
0x16: {  	s3 =	sld [smem:$0x3FDB];
	s0 =	simm.s32 @p2 $0x1  }
0x17: {  	s4 =	simm.s32 $0x1BF5;
	[smem:$0x3FB7] =	sst s0  }
0x18: {  	s0 =	sld [smem:$0x3F9A];
	_ =	swait.ge [sflag:s4], $0x0  }
0x19: {  	s7 =	sld [smem:$0x3F9B]  }
0x1a: {  	s8 =	sadd.s32 $0xFFFFE003, lr  }
0x1b: {  	s9 =	sadd.s32 $0xFFFFFEF7, lr;
	s5 =	simm.s32 $0xFFFFFFFF;
	p2 =	slt.u32 s8, $0xFFFFF086  }
0x1c: {  	p1 =	slt.u32 s9, $0xF7A;
	s5 =	simm.s32 @!p2 $0x0  }
0x1d: {  	s5 =	simm.s32 @p1 $0x1;
	p0 =	seq.s32 s7, s2  }
0x1e: {  	s7 =	smul.u32 @!p0 $0xF7A, s2;
	p2 =	seq.s32 @!p0 s5, $0x0  }
0x1f: {  	s9 =	smul.u32 $0xF7A, s1;
	s8 =	simm.s32 @!p0 $0x1BF5;
	p2 =	por !p2, p0  }
0x20: {  	[sflag:s8] =	ssyncset.s32 @!p0 $0xFFFFF086;
	s6 =	sadd.s32 @!p0 s3, s7;
	s7 =	simm.s32 @!p0 $0x108  }
0x21: {  	s3 =	sadd.s32 s3, s9;
	s6 =	sadd.s32 @!p0 $0x88, s6;
	s7 =	simm.s32 @p2 $0x1082  }
0x22: {  	[simem:s7], [sflag:s8] =	dma.local @!p0 [hbm:s6], $0xF7A  }
0x23: {  	s9 =	sor.u32 $0xD0000000, s2;
	s6 =	simm.s32 $0x108;
	_ =	swait.ge @!p0 [sflag:s8], $0x0  }
0x24: {  	s3 =	sadd.s32 $0x88, s3;
	s6 =	simm.s32 @!p1 $0x1082;
	[sflag:s4] =	ssyncset.s32 $0xFFFFF086  }
0x25: {  	[simem:s6], [sflag:s4] =	dma.local [hbm:s3], $0xF7A  }
0x26: {  	[smem:$0x3F9B] =	sst s1;
	(tag) =	ssettag s2;
	_ =	strace s9  }
0x27: {  	s1 =	sld [smem:$0x3FAB]  }
0x28: {  	s2 =	sld [smem:$0x3FAC]  }
0x29: {  	s4 =	sld [smem:$0x3FAE]  }
0x2a: {  	p0 =	seq.s32 s5, $0x0;
	s5 =	sld [smem:$0x3FAF]  }
0x2b: {  	s6 =	sld [smem:$0x3FB0]  }
0x2c: {  	s7 =	sld [smem:$0x3FB1]  }
0x2d: {  	s3 =	simm.s32 $0x108;
	s8 =	sld [smem:$0x3FB2]  }
0x2e: {  	s3 =	simm.s32 @!p0 $0x1082;
	s9 =	sld [smem:$0x3FB3]  }
0x2f: {  	lr =	sadd.s32 s0, s3;
	s0 =	sld [smem:$0x3FAA]  }
0x30: {  	s3 =	sld [smem:$0x3FAD]  }
0x31: {  	[smem:$0x3FB6] =	sst s10  }
0x32: {  	s10 =	sld [smem:$0x3FB4];
	_ =	sdelay $0x3  }
0x33: {  	p0 =	seq.s32 s10, $0x1;
	s10 =	sld [smem:$0x3FB6];
	_ =	sdelay $0x3  }
0x34: {  	[smem:$0x3FB6] =	sst s10  }
0x35: {  	s10 =	sld [smem:$0x3FB5];
	_ =	sdelay $0x3  }
0x36: {  	p1 =	seq.s32 s10, $0x1;
	s10 =	sld [smem:$0x3FB6];
	_ =	sdelay $0x3  }
0x37: {  	[smem:$0x3FB6] =	sst s10  }
0x38: {  	s10 =	sld [smem:$0x3FB7]  }
0x39: {  	_ = 	snop;
	(pc) =	sbr.ind lr, $3  }
0x3a: {  	_ = 	snop  }
0x3b: {  	_ = 	snop  }
0x3c: {  	p2 =	seq.s32 s10, $0x1;
	s10 =	sld [smem:$0x3FB6]  }
0x3d: {  	_ =	shalt  }
0x3e: {  	_ =	shalt  }
0x3f: {  	_ =	shalt  }
0x40: {  	_ =	shalt  }
0x41: {  	_ =	shalt  }
0x42: {  	_ =	shalt  }
0x43: {  	_ =	shalt  }
0x44: {  	_ =	shalt  }
0x45: {  	_ =	shalt  }
0x46: {  	_ =	shalt  }
0x47: {  	_ =	shalt  }
0x48: {  	_ =	shalt  }
0x49: {  	_ =	shalt  }
0x4a: {  	_ =	shalt  }
0x4b: {  	_ =	shalt  }
0x4c: {  	_ =	shalt  }
0x4d: {  	_ =	shalt  }
0x4e: {  	_ =	shalt  }
0x4f: {  	_ =	shalt  }
0x50: {  	_ =	shalt  }
0x51: {  	_ =	shalt  }
0x52: {  	_ =	shalt  }
0x53: {  	_ =	shalt  }
0x54: {  	_ =	shalt  }
0x55: {  	_ =	shalt  }
0x56: {  	_ =	shalt  }
0x57: {  	_ =	shalt  }
0x58: {  	_ =	shalt  }
0x59: {  	_ =	shalt  }
0x5a: {  	_ =	shalt  }
0x5b: {  	_ =	shalt  }
0x5c: {  	_ =	shalt  }
0x5d: {  	_ =	shalt  }
0x5e: {  	_ =	shalt  }
0x5f: {  	_ =	shalt  }
0x60: {  	_ =	shalt  }
0x61: {  	_ =	shalt  }
0x62: {  	_ =	shalt  }
0x63: {  	_ =	shalt  }
0x64: {  	_ =	shalt  }
0x65: {  	_ =	shalt  }
0x66: {  	_ =	shalt  }
0x67: {  	_ =	shalt  }
0x68: {  	_ =	shalt  }
0x69: {  	_ =	shalt  }
0x6a: {  	_ =	shalt  }
0x6b: {  	_ =	shalt  }
0x6c: {  	_ =	shalt  }
0x6d: {  	_ =	shalt  }
0x6e: {  	_ =	shalt  }
0x6f: {  	_ =	shalt  }
0x70: {  	_ =	shalt  }
0x71: {  	_ =	shalt  }
0x72: {  	_ =	shalt  }
0x73: {  	_ =	shalt  }
0x74: {  	_ =	shalt  }
0x75: {  	_ =	shalt  }
0x76: {  	_ =	shalt  }
0x77: {  	_ =	shalt  }
0x78: {  	_ =	shalt  }
0x79: {  	_ =	shalt  }
0x7a: {  	_ =	shalt  }
0x7b: {  	_ =	shalt  }
0x7c: {  	_ =	shalt  }
0x7d: {  	_ =	shalt  }
0x7e: {  	_ =	shalt  }
0x7f: {  	_ =	shalt  }
0x80: {  	_ =	shalt  }
0x81: {  	_ =	shalt  }
0x82: {  	_ =	shalt  }
0x83: {  	_ =	shalt  }
0x84: {  	_ =	shalt  }
0x85: {  	_ =	shalt  }
0x86: {  	_ =	shalt  }
0x87: {  	_ =	shalt  }
.Lfunc_end0:
.L_simem_size_0:
called_computation_lowered:
.L_overlay_start_0:
0x88: {  	s2 =	sld [smem:$0x3FD9]  }
0x89: {  	s3 =	sld [smem:$0x3FFE];
	_ =	sdelay $0x1  }
0x8a: {  	s1 =	srdreg.scid  }
0x8b: {  	s0 =	sand.u32 $0x1, s1  }
0x8c: {  	s17 =	sshll.u32 s0, $0xA;
	s2 =	sadd.s32 s3, s2  }
0x8d: {  	s2 =	sadd.s32 s2, s17  }
0x8e: {  	[smem:$0x3FC2] =	sst s2  }
0x8f: {  	_ = 	snop  }
0x90: {  	s2 =	sld [smem:$0x3FD0];
	(tm) =	ssettm $0x1  }
0x91: {  	s18 =	sld [smem:$0x3FFB];
	_ =	sdelay $0x3  }
0x92: {  	_ =	strace s18  }
0x93: {  	s3 =	sld [smem:$0x3FFC];
	_ =	sdelay $0x3  }
0x94: {  	_ =	strace s3  }
0x95: {  	s3 =	sld [smem:$0x3FFD];
	_ =	sdelay $0x3  }
0x96: {  	_ =	strace s3  }
0x97: {  	_ =	strace $0x8FFFFFFF  }
0x98: {  	s19 =	sld [smem:$0x3FDB];
	_ =	sdelay $0x1  }
0x99: {  	s4 =	simm.s32 $_scs_section_size  }
0x9a: {  	s5 =	simm.s32 $_size__tile_overlayer_lowered;
	s6 =	simm.s32 $_tile_overlayer_lowered  }
0x9b: {  	s22 =	simm.s32 $0x1BFF;
	s21 =	sshll.u32 s6, $0x1;
	s3 =	sadd.s32 s4, s19  }
0x9c: {  	s7 =	simm.s32 $0x0;
	s20 =	sshll.u32 s5, $0x1;
	s5 =	sadd.s32 s21, s3  }
0x9d: {  	[timem:s7], [sflag:s22] =	dma.local [hbm:s5], s20  }
0x9e: {  	_ =	swait.ge [sflag:s22], s20  }
0x9f: {  	s4 =	ssub.s32 $0x0, s20;
	[sflag:s22] =	ssyncset.done $0x0  }
0xa0: {  	[sflag:s22] =	ssyncadd.s32 s4;
	_ =	sdelay $0x1  }
0xa1: {  	s23 =	simm.s32 $0x1B8B  }
0xa2: {  	_ =	swait.ge [sflag:s23], $0x1  }
0xa3: {  	[sflag:s23] =	ssyncset.done $0x0  }
0xa4: {  	s25 =	simm.s32 $0x1B8E;
	s24 =	sld [smem:$0x3FFE];
	[sflag:s23] =	ssyncadd.s32 $0xFFFFFFFF  }
0xa5: {  	s26 =	simm.s32 $execute0_lowered;
	[smem:$0x3FD2] =	sst s25  }
0xa6: {  	s5 =	sshll.u32 s26, $0x1;
	_ =	strace $0x80000046;
	[dreg:$0x1] =	wrdreg $0xFFFFFFFF  }
0xa7: {  	s28 =	simm.s32 $_size_execute0_lowered;
	s3 =	sadd.s32 s3, s5;
	[dreg:$0x0] =	wrdreg $0x0  }
0xa8: {  	s5 =	sshll.u32 s28, $0x1;
	[dreg:$0x2] =	wrdreg s3  }
0xa9: {  	[dreg:$0x3] =	wrdreg s5  }
0xaa: {  	[dreg:$0x4] =	wrdreg $0xC0  }
0xab: {  	_ =	task [dreg:s7], $0x5FFFF  }
0xac: {  	[dreg:$0x1] =	wrdreg $0xFFFFFFFF  }
0xad: {  	[dreg:$0x0] =	wrdreg $0x60  }
0xae: {  	[dreg:$0x2] =	wrdreg s24  }
0xaf: {  	[dreg:$0x3] =	wrdreg s2  }
0xb0: {  	[dreg:$0x4] =	wrdreg $0x3FC00  }
0xb1: {  	[dreg:$0x5] =	wrdreg $0x9  }
0xb2: {  	_ =	task.clear_ibuf [dreg:s7], $0x6FFFF;
	_ =	strace $0x90000046  }
0xb3: {  	s29 =	simm.s32 $0x9;
	_ =	strace $0x80000048  }
0xb4: {  	_ =	swait.ge [sflag:s29], $0x1  }
0xb5: {  	[sflag:s29] =	ssyncadd.s32 $0xFFFFFFFF  }
0xb6: {  	_ =	strace $0x90000048  }
0xb7: {  	_ =	sfence  }
0xb8: {  	s30 =	sld [smem:$0x0];
	_ =	sdelay $0x2  }
0xb9: {  	s31 =	sshll.u32 s1, $0xD;
	s1 =	sshrl.u32 s1, $0x2  }
0xba: {  	s3 =	sand.u32 $0x4000, s31;
	s1 =	sadd.s32 s1, s30  }
0xbb: {  	s0 =	sor.u32 s3, s0;
	s1 =	sshll.u32 s1, $0x11  }
0xbc: {  	s0 =	sor.u32 s1, s0  }
0xbd: {  	s0 =	sadd.s32 $0x8F2B, s0  }
0xbe: {  	[sflag:s0] =	ssyncadd.remote.s32 $0x1  }
0xbf: {  	_ =	sfence.sel $0xFFFF  }
0xc0: {  	[dreg:$0x0] =	wrdreg $0xFFFFFFFF;
	(pc) =	sbr.abs _section_cstart, $3  }
0xc1: {  	[dreg:$0x1] =	wrdreg $0xFFFFFFFF  }
0xc2: {  	_ =	task.clear_ibuf [dreg:s7], $0x2FFFF;
	_ =	strace $0x9FFFFFFF  }
0xc3: {  	(tm) =	ssettm $0x7FFFFFFF  }
tec
execute0_lowered:
.L_overlay_start_1:
0x0: {  	(tag) =	ssettag $0x1  }
0x1: {  	s5 =	rddreg [dreg:$0x0]  }
0x2: {  	s10 =	rddreg [dreg:$0x1]  }
0x3: {  	s0 =	srdreg.scid;
	s2 =	rddreg [dreg:$0x2]  }
0x4: {  	s1 =	stileid.u32;
	s3 =	simm.s32 $0x0;
	s15 =	simm.s32 $0x2800  }
0x5: {  	s16 =	simm.s32 $0x80;
	s6 =	sand.u32 $0x1, s0;
	s0 =	rddreg [dreg:$0x3]  }
0x6: {  	s17 =	simm.s32 $0x0;
	[smem:$0x7FF] =	sst s3;
	s7 =	smul.u32 $0x4F00, s1  }
0x7: {  	s11 =	smul.u32 $0x13C0, s1;
	p0 =	seq.s32 s1, $0xF;
	s4 =	sshll.u32 s6, $0x4  }
0x8: {  	_ =	strace $0x80000047;
	s9 =	ssub.s32 $0x2, s6;
	s13 =	smul.u32 $0x13880, s6  }
0x9: {  	s4 =	sor.u32 s1, s4;
	s12 =	sshrl.u32 s9, $0x1;
	s7 =	sshrl.u32 s7, $0x2  }
0xa: {  	s4 =	smul.u32 $0x500, s4;
	s12 =	ssub.s32 s9, s12;
	s6 =	sadd.s32 s7, s2  }
0xb: {  	s7 =	sadd.s32 $0x12840, s2;
	s14 =	sadd.s32 s11, s13;
	s13 =	sshrl.u32 s13, $0x3  }
0xc: {  	s9 =	sadd.s32 s11, s2;
	s31 =	sshrl.u32 s14, $0x3;
	s13 =	sadd.s32 s10, s13  }
0xd: {  	s12 =	smax.u32 s12, $0x1;
	s14 =	simm.s32 $0x1;
	s8 =	sadd.s32 s4, s5  }
0xe: {  	s4 =	sadd.s32 $0x1000, s5;
	s5 =	sadd.s32 $0xB200, s5;
	s10 =	sadd.s32 s10, s31  }
0xf: {  	s11 =	sadd.s32 $0x2508, s13;
	s13 =	simm.s32 $0x2C00;
	s8 =	sadd.s32 $0x1200, s8  }
.LBB2_1:
0x10: {  	[tilespmem:s13], [sflag:$0x1] =	stream.linear.gather [hbm4b:s5+s3], $0x13C0, $0x38;
	[tilespmem:$0x5380] =	vst v63  }
0x11: {  	_ =	swait.ge [sflag:s14], $0x13C0  }
0x12: {  	[sflag:s14] =	ssyncset.done $0x0  }
0x13: {  	s18 =	simm.s32 @p0 $0x2C00;
	[sflag:s14] =	ssyncadd.s32 $0xFFFFEC40  }
0x14: {  	[spmem:s7] =	stream.linear.scatter @p0 [tilespmem:s18], [sflag:$0x1], $0x1040, $0x38;
	[tilespmem:$0x5380] =	vst v63  }
0x15: {  	s18 =	simm.s32 @p0 $0x1  }
0x16: {  	_ =	swait.ge @p0 [sflag:s18], $0x1040  }
0x17: {  	[sflag:s18] =	ssyncset.done @p0 $0x0  }
0x18: {  	[sflag:s18] =	ssyncadd.s32 @p0 $0xFFFFEFC0;
	s18 =	simm.s32 @!p0 $0x2C00  }
0x19: {  	[spmem:s6] =	stream.linear.scatter @!p0 [tilespmem:s18], [sflag:$0x1], $0x13C0, $0x38;
	[tilespmem:$0x5380] =	vst v63  }
0x1a: {  	s18 =	simm.s32 @!p0 $0x1  }
0x1b: {  	_ =	swait.ge @!p0 [sflag:s18], $0x13C0  }
0x1c: {  	[sflag:s18] =	ssyncset.done @!p0 $0x0  }
0x1d: {  	[sflag:s18] =	ssyncadd.s32 @!p0 $0xFFFFEC40  }
0x1e: {  	[tilespmem:s3], [sflag:$0x1] =	stream.linear.gather [hbm4b:s8+s3], $0x2800, $0x38;
	[tilespmem:$0x5380] =	vst v63  }
0x1f: {  	_ =	swait.ge [sflag:s14], $0x2800  }
0x20: {  	[sflag:s14] =	ssyncset.done $0x0  }
0x21: {  	[sflag:s14] =	ssyncadd.s32 $0xFFFFD800  }
0x22: {  	[tilespmem:s15], [sflag:$0x1] =	stream.linear.gather [hbm4b:s4+s3], $0x400, $0x38;
	[tilespmem:$0x5380] =	vst v63  }
0x23: {  	_ =	swait.ge [sflag:s14], $0x400  }
0x24: {  	[sflag:s14] =	ssyncset.done $0x0  }
0x25: {  	[sflag:s14] =	ssyncadd.s32 $0xFFFFFC00  }
0x26: {  	s31 =	simm.s32 $0x0;
	[bflag:$0x0] =	sbarrier.arrive $0xFFFF  }
0x27: {  	[spmem:s2] =	stream.indirect.scatter.add.f32 [tilespmem:s15], [sflag:$0x1], $0x8, s31, s16, $0xb8;
	[tilespmem:$0x5380] =	vst v63  }
0x28: {  	_ =	swait.ge [sflag:s14], $0x400  }
0x29: {  	s18 =	simm.s32 $0x200;
	[sflag:s14] =	ssyncset.done $0x0  }
.LBB2_2:
0x2a: {  	s19 =	sshra.s32 s18, $0x2;
	[sflag:s14] =	ssyncadd.s32 $0xFFFFFC00;
	p1 =	sne.s32 s18, $0x9E00  }
0x2b: {  	[spmem:s2] =	stream.indirect.scatter.add.f32 [tilespmem:s15], [sflag:$0x1], $0x8, s19, s16, $0xb8;
	[tilespmem:$0x5380] =	vst v63  }
.Ltmp0:
0x2c: {  	_ = 	snop;
	(pc) =	sbr.rel @p1 .LBB2_2-.Ltmp0, $4  }
0x2d: {  	_ = 	snop  }
0x2e: {  	s18 =	sadd.s32 $0x200, s18  }
0x2f: {  	_ =	swait.ge [sflag:s14], $0x400  }
0x30: {  	[sflag:s14] =	ssyncset.done $0x0  }
0x31: {  	[sflag:s14] =	ssyncadd.s32 $0xFFFFFC00  }
0x32: {  	s18 =	simm.s32 @p0 $0x2C00;
	s19 =	simm.s32 @p0 $0x1;
	[bflag:$0x0] =	sbarrier.arrive $0xFFFF  }
0x33: {  	[tilespmem:s18], [sflag:$0x1] =	stream.linear.gather @p0 [spmem:s7], $0x1040, $0x38;
	[tilespmem:$0x5380] =	vst v63  }
0x34: {  	_ =	swait.ge @p0 [sflag:s19], $0x1040  }
0x35: {  	[sflag:s19] =	ssyncset.done @p0 $0x0  }
0x36: {  	s20 =	simm.s32 @p0 $0x0;
	[sflag:s19] =	ssyncadd.s32 @p0 $0xFFFFEFC0  }
0x37: {  	[hbm4b:s11+s20] =	stream.linear.scatter @p0 [tilespmem:s18], [sflag:$0x1], $0x1040, $0x38;
	[tilespmem:$0x5380] =	vst v63  }
0x38: {  	_ =	swait.ge @p0 [sflag:s19], $0x1040  }
0x39: {  	[sflag:s19] =	ssyncset.done @p0 $0x0  }
0x3a: {  	s18 =	simm.s32 @!p0 $0x2C00;
	[sflag:s19] =	ssyncadd.s32 @p0 $0xFFFFEFC0;
	s19 =	simm.s32 @!p0 $0x1  }
0x3b: {  	[tilespmem:s18], [sflag:$0x1] =	stream.linear.gather @!p0 [spmem:s9], $0x13C0, $0x38;
	[tilespmem:$0x5380] =	vst v63  }
0x3c: {  	s17 =	sadd.s32 $0x1, s17;
	_ =	swait.ge @!p0 [sflag:s19], $0x13C0  }
0x3d: {  	p1 =	sne.s32 s17, s12;
	[sflag:s19] =	ssyncset.done @!p0 $0x0  }
.Ltmp1:
0x3e: {  	s20 =	simm.s32 @!p0 $0x0;
	[sflag:s19] =	ssyncadd.s32 @!p0 $0xFFFFEC40;
	(pc) =	sbr.rel @p1 .LBB2_1-.Ltmp1, $4  }
0x3f: {  	[hbm4b:s10+s20] =	stream.linear.scatter @!p0 [tilespmem:s18], [sflag:$0x1], $0x13C0, $0x38;
	[tilespmem:$0x5380] =	vst v63  }
0x40: {  	_ =	swait.ge @!p0 [sflag:s19], $0x13C0  }
0x41: {  	[sflag:s19] =	ssyncset.done @!p0 $0x0  }
0x42: {  	[sflag:s19] =	ssyncadd.s32 @!p0 $0xFFFFEC40  }
0x43: {  	_ =	sfence.sel $0x180000  }
0x44: {  	[bflag:$0x0] =	sbarrier.arrive $0xFFFF  }
0x45: {  	p0 =	sne.s32 s1, $0x0;
	_ =	strace $0x90000047  }
0x46: {  	s0 =	sadd.s32 @!p0 $0x100000, s0;
	[bflag:$0x2] =	sbarrier.arrive $0xFFFF  }
0x47: {  	[sflag:s0] =	ssyncadd.tile.s32 @!p0 $0x1;
	_ =	shalt  }
.Lfunc_end2:
_tile_overlayer_lowered:
.L_overlay_start_2:
0x48: {  	(tag) =	ssettag $0x2  }
0x49: {  	s0 =	rddreg [dreg:$0x0];
	s2 =	stileid.u32  }
0x4a: {  	s1 =	rddreg [dreg:$0x1];
	p0 =	sne.s32 s2, $0x0  }
0x4b: {  	s3 =	rddreg [dreg:$0x2];
	[bflag:$0x3] =	sbarrier.arrive $0xFFFF;
	s2 =	simm.s32 @!p0 $0x1C01  }
0x4c: {  	[timem:s3], [sflag:s2] =	dma.local @!p0 [hbm:s0], s1  }
0x4d: {  	s0 =	simm.s32 @!p0 $0x1  }
0x4e: {  	_ =	swait.ge @!p0 [sflag:s0], s1  }
0x4f: {  	s1 =	ssub.s32 @!p0 $0x0, s1;
	[sflag:s0] =	ssyncset.done @!p0 $0x0  }
0x50: {  	[sflag:s0] =	ssyncadd.s32 @!p0 s1  }
0x51: {  	[bflag:$0x3] =	sbarrier.arrive $0xFFFF  }
0x52: {  	_ =	shalt  }

</sc_bundles>
